<compile_context>
chip_gen: v7x
topology: tpu7x:2x2x1
jax: 0.10.2.dev20260603
libtpu: 0.0.44.dev20260713+nightly
codegen_flags: <defaults>
</compile_context>

<pallas_src>
import functools

import jax
import jax.numpy as jnp
from jax import lax
from jax.experimental import pallas as pl
from jax.experimental.pallas import tpu as pltpu
from jax.experimental.pallas import tpu_sc as plsc

NC = 2
NS = 16
NW = NC * NS
GRP = 128


def _build_sc_gather(tot, emb, seq):
    per_w = tot // NW
    ng = per_w // GRP

    mesh = plsc.VectorSubcoreMesh(
        core_axis_name="c", subcore_axis_name="s",
        num_cores=NC, num_subcores=NS)

    nslot = 4
    assert ng % 2 == 0 and (ng - 6) % nslot == 0

    @functools.partial(
        pl.kernel,
        out_type=jax.ShapeDtypeStruct((tot, emb), jnp.float32),
        mesh=mesh,
        scratch_types=[
            [pltpu.VMEM((GRP,), jnp.int32) for _ in range(nslot)],
            [pltpu.VMEM((GRP,), jnp.int32) for _ in range(nslot)],
            [pltpu.VMEM((GRP, emb), jnp.float32) for _ in range(nslot)],
            [pltpu.SemaphoreType.DMA for _ in range(nslot)],
            [pltpu.SemaphoreType.DMA for _ in range(nslot)],
            [pltpu.SemaphoreType.DMA for _ in range(nslot)],
        ],
        compiler_params=pltpu.CompilerParams(use_tc_tiling_on_sc=False),
    )
    def sc_gather(table_hbm, idx_hbm, out_hbm, jv, iv, rows, l1s, l2s, wbs):
        wid = lax.axis_index("s") * NC + lax.axis_index("c")
        base = wid * per_w

        def l1_start(g, sl):
            t0 = base + g * GRP
            for k in range(GRP // 16):
                t = lax.iota(jnp.int32, 16) + (t0 + k * 16)
                r2 = lax.shift_right_logical(t, 1)
                h = lax.bitwise_and(t, 1)
                b = lax.bitwise_and(r2, 1023)
                p = lax.shift_right_logical(r2, 10)
                jv[sl][pl.ds(k * 16, 16)] = b * seq + 2 * p + h
            pltpu.async_copy(idx_hbm.at[jv[sl]], iv[sl], l1s[sl])

        def l1_wait(sl):
            pltpu.make_async_copy(idx_hbm.at[jv[sl]], iv[sl], l1s[sl]).wait()

        def l2_start(sl):
            pltpu.async_copy(table_hbm.at[iv[sl]], rows[sl], l2s[sl])

        def l2_wait(sl):
            pltpu.make_async_copy(
                table_hbm.at[iv[sl]], rows[sl], l2s[sl]).wait()

        def wb_start(g, sl):
            pltpu.async_copy(
                rows[sl], out_hbm.at[pl.ds(base + g * GRP, GRP)], wbs[sl])

        def wb_wait(g, sl):
            pltpu.make_async_copy(
                rows[sl], out_hbm.at[pl.ds(base + g * GRP, GRP)],
                wbs[sl]).wait()

        def emit(g, sl2, sl0, sl4, static):
            ga = g + 2
            if not static or 0 <= ga < ng:
                l1_wait(sl2)
                if not static or ga - 4 >= 0:
                    wb_wait(ga - 4, sl2)
                l2_start(sl2)
            if not static or 0 <= g < ng:
                l2_wait(sl0)
                wb_start(g, sl0)
            gc = g + 4
            if not static or gc < ng:
                l1_start(gc, sl4)

        for g in range(-4, 2):
            emit(g, (g + 2) % nslot, g % nslot, (g + 4) % nslot, True)

        @pl.loop(2, ng - 4, step=nslot)
        def _(go):
            for b2 in range(nslot):
                sl = (2 + b2) % nslot
                emit(go + b2, (sl + 2) % nslot, sl, sl, False)

        for g in range(ng - 4, ng):
            emit(g, (g + 2) % nslot, g % nslot, (g + 4) % nslot, True)
        for g in range(ng - 4, ng):
            wb_wait(g, g % nslot)

    return sc_gather


def _mm_body(x_ref, w_ref, b_ref, o_ref):
    o_ref[...] = jnp.dot(
        x_ref[...].astype(jnp.bfloat16), w_ref[...].astype(jnp.bfloat16),
        preferred_element_type=jnp.float32,
    ) + b_ref[...]


def _tc_matmul(x, w, b):
    m, k = x.shape
    n = w.shape[1]
    bm = 2048
    return pl.pallas_call(
        _mm_body,
        grid=(m // bm,),
        in_specs=[
            pl.BlockSpec((bm, k), lambda i: (i, 0)),
            pl.BlockSpec((k, n), lambda i: (0, 0)),
            pl.BlockSpec((1, n), lambda i: (0, 0)),
        ],
        out_specs=pl.BlockSpec((bm, n), lambda i: (i, 0)),
        out_shape=jax.ShapeDtypeStruct((m, n), jnp.float32),
    )(x, w, b.reshape(1, n))


def kernel(inputs, table, W, b):
    batch, seq = inputs.shape
    vocab, emb = table.shape
    d_model = W.shape[1]
    tot = batch * seq

    num_pairs = seq // 2
    idx_lin = lax.optimization_barrier(inputs.reshape(tot))
    gathered = _build_sc_gather(tot, emb, seq)(table, idx_lin)
    pairs = gathered.reshape(tot // 2, 2 * emb)
    out = _tc_matmul(pairs, W, b)
    return out.reshape(num_pairs, batch, d_model).transpose(1, 0, 2)

# --- scband reference (transcript-rebuilt; emitter-appended) ---
"""Pipeline reference for scband-phoneme-pair-embedding-43679817400797 (READ-ONLY COPY).

The authoritative reference and input builder live on the scoring server;
editing this copy changes nothing except your own understanding.
"""

import jax, jax.numpy as jnp
import numpy as np

VOCAB = 100000
D_MODEL = 128
EMB = D_MODEL // 2
B, S = 1024, 200

def setup_inputs(seed: int = 0) -> dict:
    key = jax.random.key(seed)
    k1, k2, k3 = jax.random.split(key, 3)
    inputs = jax.random.randint(k1, (B, S), 0, VOCAB, dtype=jnp.int32)
    table = jax.random.normal(k2, (VOCAB, EMB), dtype=jnp.float32) * 0.05
    W = jax.random.normal(k3, (D_MODEL, D_MODEL), dtype=jnp.float32) * 0.05
    b = jnp.zeros((D_MODEL,), dtype=jnp.float32)
    return {"inputs": inputs, "table": table, "W": W, "b": b}

def reference(inputs, table, W, b):
    batch_size, seq_len = inputs.shape
    # seq_len is even (200), so the odd-length padding branch is a no-op
    pad = seq_len % 2
    if pad != 0:
        last = inputs[:, -1:]
        inputs = jnp.concatenate([inputs, last], axis=1)
        seq_len = seq_len + 1
    num_pairs = seq_len // 2
    pairs = inputs.reshape(batch_size, num_pairs, 2)
    phoneme_embeds = jnp.take(table, pairs, axis=0)          # [B, P, 2, EMB]
    pair_combined = phoneme_embeds.reshape(batch_size, num_pairs, 2 * EMB)
    output = pair_combined @ W + b                            # [B, P, D_MODEL]
    return output

if __name__ == "__main__":
    import jax
    _d = setup_inputs()
    print(jax.jit(kernel)(*tuple(_d.values())))

</pallas_src>

<mosaic_0001>
#map = affine_map<(d0, d1) -> (0, 0)>
#map1 = affine_map<(d0, d1) -> (0)>
module attributes {stable_mosaic.version = 14 : i64} {
  func.func @sc_gather(%arg0: i32, %arg1: i32, %arg2: memref<100000x64xf32, #tpu.memory_space<hbm>>, %arg3: memref<204800xi32, #tpu.memory_space<hbm>>, %arg4: memref<204800x64xf32, #tpu.memory_space<hbm>>, %arg5: memref<128xi32, #tpu.memory_space<vmem>>, %arg6: memref<128xi32, #tpu.memory_space<vmem>>, %arg7: memref<128xi32, #tpu.memory_space<vmem>>, %arg8: memref<128xi32, #tpu.memory_space<vmem>>, %arg9: memref<128xi32, #tpu.memory_space<vmem>>, %arg10: memref<128xi32, #tpu.memory_space<vmem>>, %arg11: memref<128xi32, #tpu.memory_space<vmem>>, %arg12: memref<128xi32, #tpu.memory_space<vmem>>, %arg13: memref<128x64xf32, #tpu.memory_space<vmem>>, %arg14: memref<128x64xf32, #tpu.memory_space<vmem>>, %arg15: memref<128x64xf32, #tpu.memory_space<vmem>>, %arg16: memref<128x64xf32, #tpu.memory_space<vmem>>, %arg17: memref<!tpu.dma_semaphore, #tpu.memory_space<semaphore_mem>>, %arg18: memref<!tpu.dma_semaphore, #tpu.memory_space<semaphore_mem>>, %arg19: memref<!tpu.dma_semaphore, #tpu.memory_space<semaphore_mem>>, %arg20: memref<!tpu.dma_semaphore, #tpu.memory_space<semaphore_mem>>, %arg21: memref<!tpu.dma_semaphore, #tpu.memory_space<semaphore_mem>>, %arg22: memref<!tpu.dma_semaphore, #tpu.memory_space<semaphore_mem>>, %arg23: memref<!tpu.dma_semaphore, #tpu.memory_space<semaphore_mem>>, %arg24: memref<!tpu.dma_semaphore, #tpu.memory_space<semaphore_mem>>, %arg25: memref<!tpu.dma_semaphore, #tpu.memory_space<semaphore_mem>>, %arg26: memref<!tpu.dma_semaphore, #tpu.memory_space<semaphore_mem>>, %arg27: memref<!tpu.dma_semaphore, #tpu.memory_space<semaphore_mem>>, %arg28: memref<!tpu.dma_semaphore, #tpu.memory_space<semaphore_mem>>) attributes {dimension_semantics = [#tpu.dimension_semantics<core_parallel>, #tpu.dimension_semantics<subcore_parallel>], iteration_bounds = array<i64: 2, 16>, scalar_prefetch = 0 : i64, scratch_operands = 24 : i64, tpu.core_type = #tpu.core_type<sc_vector_subcore>, window_params = [{transform_indices = #map}, {transform_indices = #map1}, {transform_indices = #map}]} {
    %mul3A = arith.constant 2 : i32
    %mul3A_0 = arith.muli %arg1, %mul3A : i32
    %add3A = arith.addi %mul3A_0, %arg0 : i32
    %mul3A_1 = arith.constant 6400 : i32
    %mul3A_2 = arith.muli %add3A, %mul3A_1 : i32
    %add3A_3 = arith.constant 0 : i32
    %add3A_4 = arith.addi %mul3A_2, %add3A_3 : i32
    %iota3A = tpu.iota {dimensions = array<i32: 0>} : vector<16xi32>
    %add3A_5 = arith.constant 0 : i32
    %add3A_6 = arith.addi %add3A_4, %add3A_5 : i32
    %add3A_7 = vector.broadcast %add3A_6 : i32 to vector<16xi32>
    %add3A_8 = arith.addi %iota3A, %add3A_7 : vector<16xi32>
    %shift_right_logical3A = arith.constant 1 : i32
    %shift_right_logical3A_9 = vector.broadcast %shift_right_logical3A : i32 to vector<16xi32>
    %shift_right_logical3A_10 = arith.shrui %add3A_8, %shift_right_logical3A_9 : vector<16xi32>
    %and3A = arith.constant 1 : i32
    %and3A_11 = vector.broadcast %and3A : i32 to vector<16xi32>
    %and3A_12 = arith.andi %add3A_8, %and3A_11 : vector<16xi32>
    %and3A_13 = arith.constant 1023 : i32
    %and3A_14 = vector.broadcast %and3A_13 : i32 to vector<16xi32>
    %and3A_15 = arith.andi %shift_right_logical3A_10, %and3A_14 : vector<16xi32>
    %shift_right_logical3A_16 = arith.constant 10 : i32
    %shift_right_logical3A_17 = vector.broadcast %shift_right_logical3A_16 : i32 to vector<16xi32>
    %shift_right_logical3A_18 = arith.shrui %shift_right_logical3A_10, %shift_right_logical3A_17 : vector<16xi32>
    %mul3A_19 = arith.constant 200 : i32
    %mul3A_20 = vector.broadcast %mul3A_19 : i32 to vector<16xi32>
    %mul3A_21 = arith.muli %and3A_15, %mul3A_20 : vector<16xi32>
    %mul3A_22 = arith.constant 2 : i32
    %mul3A_23 = vector.broadcast %mul3A_22 : i32 to vector<16xi32>
    %mul3A_24 = arith.muli %mul3A_23, %shift_right_logical3A_18 : vector<16xi32>
    %add3A_25 = arith.addi %mul3A_21, %mul3A_24 : vector<16xi32>
    %add3A_26 = arith.addi %add3A_25, %and3A_12 : vector<16xi32>
    %swap3A = arith.constant 0 : index
    %swap3A_27 = tpu.vector_load %arg5[%swap3A] {strides = array<i32>} : memref<128xi32, #tpu.memory_space<vmem>>, vector<16xi32>,
    %swap3A_28 = vector.shape_cast %swap3A_27 : vector<16xi32> to vector<16xi32>
    %swap3A_29 = vector.shape_cast %add3A_26 : vector<16xi32> to vector<16xi32>
    tpu.vector_store %arg5[%swap3A], %swap3A_29 {strides = array<i32>} : memref<128xi32, #tpu.memory_space<vmem>>, vector<16xi32>,
    %iota3A_30 = tpu.iota {dimensions = array<i32: 0>} : vector<16xi32>
    %add3A_31 = arith.constant 16 : i32
    %add3A_32 = arith.addi %add3A_4, %add3A_31 : i32
    %add3A_33 = vector.broadcast %add3A_32 : i32 to vector<16xi32>
    %add3A_34 = arith.addi %iota3A_30, %add3A_33 : vector<16xi32>
    %shift_right_logical3A_35 = arith.constant 1 : i32
    %shift_right_logical3A_36 = vector.broadcast %shift_right_logical3A_35 : i32 to vector<16xi32>
    %shift_right_logical3A_37 = arith.shrui %add3A_34, %shift_right_logical3A_36 : vector<16xi32>
    %and3A_38 = arith.constant 1 : i32
    %and3A_39 = vector.broadcast %and3A_38 : i32 to vector<16xi32>
    %and3A_40 = arith.andi %add3A_34, %and3A_39 : vector<16xi32>
    %and3A_41 = arith.constant 1023 : i32
    %and3A_42 = vector.broadcast %and3A_41 : i32 to vector<16xi32>
    %and3A_43 = arith.andi %shift_right_logical3A_37, %and3A_42 : vector<16xi32>
    %shift_right_logical3A_44 = arith.constant 10 : i32
    %shift_right_logical3A_45 = vector.broadcast %shift_right_logical3A_44 : i32 to vector<16xi32>
    %shift_right_logical3A_46 = arith.shrui %shift_right_logical3A_37, %shift_right_logical3A_45 : vector<16xi32>
    %mul3A_47 = arith.constant 200 : i32
    %mul3A_48 = vector.broadcast %mul3A_47 : i32 to vector<16xi32>
    %mul3A_49 = arith.muli %and3A_43, %mul3A_48 : vector<16xi32>
    %mul3A_50 = arith.constant 2 : i32
    %mul3A_51 = vector.broadcast %mul3A_50 : i32 to vector<16xi32>
    %mul3A_52 = arith.muli %mul3A_51, %shift_right_logical3A_46 : vector<16xi32>
    %add3A_53 = arith.addi %mul3A_49, %mul3A_52 : vector<16xi32>
    %add3A_54 = arith.addi %add3A_53, %and3A_40 : vector<16xi32>
    %swap3A_55 = arith.constant 16 : index
    %swap3A_56 = tpu.vector_load %arg5[%swap3A_55] {strides = array<i32>} : memref<128xi32, #tpu.memory_space<vmem>>, vector<16xi32>,
    %swap3A_57 = vector.shape_cast %swap3A_56 : vector<16xi32> to vector<16xi32>
    %swap3A_58 = vector.shape_cast %add3A_54 : vector<16xi32> to vector<16xi32>
    tpu.vector_store %arg5[%swap3A_55], %swap3A_58 {strides = array<i32>} : memref<128xi32, #tpu.memory_space<vmem>>, vector<16xi32>,
    %iota3A_59 = tpu.iota {dimensions = array<i32: 0>} : vector<16xi32>
    %add3A_60 = arith.constant 32 : i32
    %add3A_61 = arith.addi %add3A_4, %add3A_60 : i32
    %add3A_62 = vector.broadcast %add3A_61 : i32 to vector<16xi32>
    %add3A_63 = arith.addi %iota3A_59, %add3A_62 : vector<16xi32>
    %shift_right_logical3A_64 = arith.constant 1 : i32
    %shift_right_logical3A_65 = vector.broadcast %shift_right_logical3A_64 : i32 to vector<16xi32>
    %shift_right_logical3A_66 = arith.shrui %add3A_63, %shift_right_logical3A_65 : vector<16xi32>
    %and3A_67 = arith.constant 1 : i32
    %and3A_68 = vector.broadcast %and3A_67 : i32 to vector<16xi32>
    %and3A_69 = arith.andi %add3A_63, %and3A_68 : vector<16xi32>
    %and3A_70 = arith.constant 1023 : i32
    %and3A_71 = vector.broadcast %and3A_70 : i32 to vector<16xi32>
    %and3A_72 = arith.andi %shift_right_logical3A_66, %and3A_71 : vector<16xi32>
    %shift_right_logical3A_73 = arith.constant 10 : i32
    %shift_right_logical3A_74 = vector.broadcast %shift_right_logical3A_73 : i32 to vector<16xi32>
    %shift_right_logical3A_75 = arith.shrui %shift_right_logical3A_66, %shift_right_logical3A_74 : vector<16xi32>
    %mul3A_76 = arith.constant 200 : i32
    %mul3A_77 = vector.broadcast %mul3A_76 : i32 to vector<16xi32>
    %mul3A_78 = arith.muli %and3A_72, %mul3A_77 : vector<16xi32>
    %mul3A_79 = arith.constant 2 : i32
    %mul3A_80 = vector.broadcast %mul3A_79 : i32 to vector<16xi32>
    %mul3A_81 = arith.muli %mul3A_80, %shift_right_logical3A_75 : vector<16xi32>
    %add3A_82 = arith.addi %mul3A_78, %mul3A_81 : vector<16xi32>
    %add3A_83 = arith.addi %add3A_82, %and3A_69 : vector<16xi32>
    %swap3A_84 = arith.constant 32 : index
    %swap3A_85 = tpu.vector_load %arg5[%swap3A_84] {strides = array<i32>} : memref<128xi32, #tpu.memory_space<vmem>>, vector<16xi32>,
    %swap3A_86 = vector.shape_cast %swap3A_85 : vector<16xi32> to vector<16xi32>
    %swap3A_87 = vector.shape_cast %add3A_83 : vector<16xi32> to vector<16xi32>
    tpu.vector_store %arg5[%swap3A_84], %swap3A_87 {strides = array<i32>} : memref<128xi32, #tpu.memory_space<vmem>>, vector<16xi32>,
    %iota3A_88 = tpu.iota {dimensions = array<i32: 0>} : vector<16xi32>
    %add3A_89 = arith.constant 48 : i32
    %add3A_90 = arith.addi %add3A_4, %add3A_89 : i32
    %add3A_91 = vector.broadcast %add3A_90 : i32 to vector<16xi32>
    %add3A_92 = arith.addi %iota3A_88, %add3A_91 : vector<16xi32>
    %shift_right_logical3A_93 = arith.constant 1 : i32
    %shift_right_logical3A_94 = vector.broadcast %shift_right_logical3A_93 : i32 to vector<16xi32>
    %shift_right_logical3A_95 = arith.shrui %add3A_92, %shift_right_logical3A_94 : vector<16xi32>
    %and3A_96 = arith.constant 1 : i32
    %and3A_97 = vector.broadcast %and3A_96 : i32 to vector<16xi32>
    %and3A_98 = arith.andi %add3A_92, %and3A_97 : vector<16xi32>
    %and3A_99 = arith.constant 1023 : i32
    %and3A_100 = vector.broadcast %and3A_99 : i32 to vector<16xi32>
    %and3A_101 = arith.andi %shift_right_logical3A_95, %and3A_100 : vector<16xi32>
    %shift_right_logical3A_102 = arith.constant 10 : i32
    %shift_right_logical3A_103 = vector.broadcast %shift_right_logical3A_102 : i32 to vector<16xi32>
    %shift_right_logical3A_104 = arith.shrui %shift_right_logical3A_95, %shift_right_logical3A_103 : vector<16xi32>
    %mul3A_105 = arith.constant 200 : i32
    %mul3A_106 = vector.broadcast %mul3A_105 : i32 to vector<16xi32>
    %mul3A_107 = arith.muli %and3A_101, %mul3A_106 : vector<16xi32>
    %mul3A_108 = arith.constant 2 : i32
    %mul3A_109 = vector.broadcast %mul3A_108 : i32 to vector<16xi32>
    %mul3A_110 = arith.muli %mul3A_109, %shift_right_logical3A_104 : vector<16xi32>
    %add3A_111 = arith.addi %mul3A_107, %mul3A_110 : vector<16xi32>
    %add3A_112 = arith.addi %add3A_111, %and3A_98 : vector<16xi32>
    %swap3A_113 = arith.constant 48 : index
    %swap3A_114 = tpu.vector_load %arg5[%swap3A_113] {strides = array<i32>} : memref<128xi32, #tpu.memory_space<vmem>>, vector<16xi32>,
    %swap3A_115 = vector.shape_cast %swap3A_114 : vector<16xi32> to vector<16xi32>
    %swap3A_116 = vector.shape_cast %add3A_112 : vector<16xi32> to vector<16xi32>
    tpu.vector_store %arg5[%swap3A_113], %swap3A_116 {strides = array<i32>} : memref<128xi32, #tpu.memory_space<vmem>>, vector<16xi32>,
    %iota3A_117 = tpu.iota {dimensions = array<i32: 0>} : vector<16xi32>
    %add3A_118 = arith.constant 64 : i32
    %add3A_119 = arith.addi %add3A_4, %add3A_118 : i32
    %add3A_120 = vector.broadcast %add3A_119 : i32 to vector<16xi32>
    %add3A_121 = arith.addi %iota3A_117, %add3A_120 : vector<16xi32>
    %shift_right_logical3A_122 = arith.constant 1 : i32
    %shift_right_logical3A_123 = vector.broadcast %shift_right_logical3A_122 : i32 to vector<16xi32>
    %shift_right_logical3A_124 = arith.shrui %add3A_121, %shift_right_logical3A_123 : vector<16xi32>
    %and3A_125 = arith.constant 1 : i32
    %and3A_126 = vector.broadcast %and3A_125 : i32 to vector<16xi32>
    %and3A_127 = arith.andi %add3A_121, %and3A_126 : vector<16xi32>
    %and3A_128 = arith.constant 1023 : i32
    %and3A_129 = vector.broadcast %and3A_128 : i32 to vector<16xi32>
    %and3A_130 = arith.andi %shift_right_logical3A_124, %and3A_129 : vector<16xi32>
    %shift_right_logical3A_131 = arith.constant 10 : i32
    %shift_right_logical3A_132 = vector.broadcast %shift_right_logical3A_131 : i32 to vector<16xi32>
    %shift_right_logical3A_133 = arith.shrui %shift_right_logical3A_124, %shift_right_logical3A_132 : vector<16xi32>
    %mul3A_134 = arith.constant 200 : i32
    %mul3A_135 = vector.broadcast %mul3A_134 : i32 to vector<16xi32>
    %mul3A_136 = arith.muli %and3A_130, %mul3A_135 : vector<16xi32>
    %mul3A_137 = arith.constant 2 : i32
    %mul3A_138 = vector.broadcast %mul3A_137 : i32 to vector<16xi32>
    %mul3A_139 = arith.muli %mul3A_138, %shift_right_logical3A_133 : vector<16xi32>
    %add3A_140 = arith.addi %mul3A_136, %mul3A_139 : vector<16xi32>
    %add3A_141 = arith.addi %add3A_140, %and3A_127 : vector<16xi32>
    %swap3A_142 = arith.constant 64 : index
    %swap3A_143 = tpu.vector_load %arg5[%swap3A_142] {strides = array<i32>} : memref<128xi32, #tpu.memory_space<vmem>>, vector<16xi32>,
    %swap3A_144 = vector.shape_cast %swap3A_143 : vector<16xi32> to vector<16xi32>
    %swap3A_145 = vector.shape_cast %add3A_141 : vector<16xi32> to vector<16xi32>
    tpu.vector_store %arg5[%swap3A_142], %swap3A_145 {strides = array<i32>} : memref<128xi32, #tpu.memory_space<vmem>>, vector<16xi32>,
    %iota3A_146 = tpu.iota {dimensions = array<i32: 0>} : vector<16xi32>
    %add3A_147 = arith.constant 80 : i32
    %add3A_148 = arith.addi %add3A_4, %add3A_147 : i32
    %add3A_149 = vector.broadcast %add3A_148 : i32 to vector<16xi32>
    %add3A_150 = arith.addi %iota3A_146, %add3A_149 : vector<16xi32>
    %shift_right_logical3A_151 = arith.constant 1 : i32
    %shift_right_logical3A_152 = vector.broadcast %shift_right_logical3A_151 : i32 to vector<16xi32>
    %shift_right_logical3A_153 = arith.shrui %add3A_150, %shift_right_logical3A_152 : vector<16xi32>
    %and3A_154 = arith.constant 1 : i32
    %and3A_155 = vector.broadcast %and3A_154 : i32 to vector<16xi32>
    %and3A_156 = arith.andi %add3A_150, %and3A_155 : vector<16xi32>
    %and3A_157 = arith.constant 1023 : i32
    %and3A_158 = vector.broadcast %and3A_157 : i32 to vector<16xi32>
    %and3A_159 = arith.andi %shift_right_logical3A_153, %and3A_158 : vector<16xi32>
    %shift_right_logical3A_160 = arith.constant 10 : i32
    %shift_right_logical3A_161 = vector.broadcast %shift_right_logical3A_160 : i32 to vector<16xi32>
    %shift_right_logical3A_162 = arith.shrui %shift_right_logical3A_153, %shift_right_logical3A_161 : vector<16xi32>
    %mul3A_163 = arith.constant 200 : i32
    %mul3A_164 = vector.broadcast %mul3A_163 : i32 to vector<16xi32>
    %mul3A_165 = arith.muli %and3A_159, %mul3A_164 : vector<16xi32>
    %mul3A_166 = arith.constant 2 : i32
    %mul3A_167 = vector.broadcast %mul3A_166 : i32 to vector<16xi32>
    %mul3A_168 = arith.muli %mul3A_167, %shift_right_logical3A_162 : vector<16xi32>
    %add3A_169 = arith.addi %mul3A_165, %mul3A_168 : vector<16xi32>
    %add3A_170 = arith.addi %add3A_169, %and3A_156 : vector<16xi32>
    %swap3A_171 = arith.constant 80 : index
    %swap3A_172 = tpu.vector_load %arg5[%swap3A_171] {strides = array<i32>} : memref<128xi32, #tpu.memory_space<vmem>>, vector<16xi32>,
    %swap3A_173 = vector.shape_cast %swap3A_172 : vector<16xi32> to vector<16xi32>
    %swap3A_174 = vector.shape_cast %add3A_170 : vector<16xi32> to vector<16xi32>
    tpu.vector_store %arg5[%swap3A_171], %swap3A_174 {strides = array<i32>} : memref<128xi32, #tpu.memory_space<vmem>>, vector<16xi32>,
    %iota3A_175 = tpu.iota {dimensions = array<i32: 0>} : vector<16xi32>
    %add3A_176 = arith.constant 96 : i32
    %add3A_177 = arith.addi %add3A_4, %add3A_176 : i32
    %add3A_178 = vector.broadcast %add3A_177 : i32 to vector<16xi32>
    %add3A_179 = arith.addi %iota3A_175, %add3A_178 : vector<16xi32>
    %shift_right_logical3A_180 = arith.constant 1 : i32
    %shift_right_logical3A_181 = vector.broadcast %shift_right_logical3A_180 : i32 to vector<16xi32>
    %shift_right_logical3A_182 = arith.shrui %add3A_179, %shift_right_logical3A_181 : vector<16xi32>
    %and3A_183 = arith.constant 1 : i32
    %and3A_184 = vector.broadcast %and3A_183 : i32 to vector<16xi32>
    %and3A_185 = arith.andi %add3A_179, %and3A_184 : vector<16xi32>
    %and3A_186 = arith.constant 1023 : i32
    %and3A_187 = vector.broadcast %and3A_186 : i32 to vector<16xi32>
    %and3A_188 = arith.andi %shift_right_logical3A_182, %and3A_187 : vector<16xi32>
    %shift_right_logical3A_189 = arith.constant 10 : i32
    %shift_right_logical3A_190 = vector.broadcast %shift_right_logical3A_189 : i32 to vector<16xi32>
    %shift_right_logical3A_191 = arith.shrui %shift_right_logical3A_182, %shift_right_logical3A_190 : vector<16xi32>
    %mul3A_192 = arith.constant 200 : i32
    %mul3A_193 = vector.broadcast %mul3A_192 : i32 to vector<16xi32>
    %mul3A_194 = arith.muli %and3A_188, %mul3A_193 : vector<16xi32>
    %mul3A_195 = arith.constant 2 : i32
    %mul3A_196 = vector.broadcast %mul3A_195 : i32 to vector<16xi32>
    %mul3A_197 = arith.muli %mul3A_196, %shift_right_logical3A_191 : vector<16xi32>
    %add3A_198 = arith.addi %mul3A_194, %mul3A_197 : vector<16xi32>
    %add3A_199 = arith.addi %add3A_198, %and3A_185 : vector<16xi32>
    %swap3A_200 = arith.constant 96 : index
    %swap3A_201 = tpu.vector_load %arg5[%swap3A_200] {strides = array<i32>} : memref<128xi32, #tpu.memory_space<vmem>>, vector<16xi32>,
    %swap3A_202 = vector.shape_cast %swap3A_201 : vector<16xi32> to vector<16xi32>
    %swap3A_203 = vector.shape_cast %add3A_199 : vector<16xi32> to vector<16xi32>
    tpu.vector_store %arg5[%swap3A_200], %swap3A_203 {strides = array<i32>} : memref<128xi32, #tpu.memory_space<vmem>>, vector<16xi32>,
    %iota3A_204 = tpu.iota {dimensions = array<i32: 0>} : vector<16xi32>
    %add3A_205 = arith.constant 112 : i32
    %add3A_206 = arith.addi %add3A_4, %add3A_205 : i32
    %add3A_207 = vector.broadcast %add3A_206 : i32 to vector<16xi32>
    %add3A_208 = arith.addi %iota3A_204, %add3A_207 : vector<16xi32>
    %shift_right_logical3A_209 = arith.constant 1 : i32
    %shift_right_logical3A_210 = vector.broadcast %shift_right_logical3A_209 : i32 to vector<16xi32>
    %shift_right_logical3A_211 = arith.shrui %add3A_208, %shift_right_logical3A_210 : vector<16xi32>
    %and3A_212 = arith.constant 1 : i32
    %and3A_213 = vector.broadcast %and3A_212 : i32 to vector<16xi32>
    %and3A_214 = arith.andi %add3A_208, %and3A_213 : vector<16xi32>
    %and3A_215 = arith.constant 1023 : i32
    %and3A_216 = vector.broadcast %and3A_215 : i32 to vector<16xi32>
    %and3A_217 = arith.andi %shift_right_logical3A_211, %and3A_216 : vector<16xi32>
    %shift_right_logical3A_218 = arith.constant 10 : i32
    %shift_right_logical3A_219 = vector.broadcast %shift_right_logical3A_218 : i32 to vector<16xi32>
    %shift_right_logical3A_220 = arith.shrui %shift_right_logical3A_211, %shift_right_logical3A_219 : vector<16xi32>
    %mul3A_221 = arith.constant 200 : i32
    %mul3A_222 = vector.broadcast %mul3A_221 : i32 to vector<16xi32>
    %mul3A_223 = arith.muli %and3A_217, %mul3A_222 : vector<16xi32>
    %mul3A_224 = arith.constant 2 : i32
    %mul3A_225 = vector.broadcast %mul3A_224 : i32 to vector<16xi32>
    %mul3A_226 = arith.muli %mul3A_225, %shift_right_logical3A_220 : vector<16xi32>
    %add3A_227 = arith.addi %mul3A_223, %mul3A_226 : vector<16xi32>
    %add3A_228 = arith.addi %add3A_227, %and3A_214 : vector<16xi32>
    %swap3A_229 = arith.constant 112 : index
    %swap3A_230 = tpu.vector_load %arg5[%swap3A_229] {strides = array<i32>} : memref<128xi32, #tpu.memory_space<vmem>>, vector<16xi32>,
    %swap3A_231 = vector.shape_cast %swap3A_230 : vector<16xi32> to vector<16xi32>
    %swap3A_232 = vector.shape_cast %add3A_228 : vector<16xi32> to vector<16xi32>
    tpu.vector_store %arg5[%swap3A_229], %swap3A_232 {strides = array<i32>} : memref<128xi32, #tpu.memory_space<vmem>>, vector<16xi32>,
    %dma_start3A = arith.constant 0 : i32
    %dma_start3A_233 = tpu.memref_slice %arg3[%dma_start3A] : memref<204800xi32, #tpu.memory_space<hbm>> -> memref<204800xi32, #tpu.memory_space<hbm>>
    tpu.enqueue_indirect_dma source(%dma_start3A_233 : memref<204800xi32, #tpu.memory_space<hbm>>) target(%arg9 : memref<128xi32, #tpu.memory_space<vmem>>) offsets(%arg5 : memref<128xi32, #tpu.memory_space<vmem>>) semaphore(%arg17 : memref<!tpu.dma_semaphore, #tpu.memory_space<semaphore_mem>>)
    %add3A_234 = arith.constant 128 : i32
    %add3A_235 = arith.addi %mul3A_2, %add3A_234 : i32
    %iota3A_236 = tpu.iota {dimensions = array<i32: 0>} : vector<16xi32>
    %add3A_237 = arith.constant 0 : i32
    %add3A_238 = arith.addi %add3A_235, %add3A_237 : i32
    %add3A_239 = vector.broadcast %add3A_238 : i32 to vector<16xi32>
    %add3A_240 = arith.addi %iota3A_236, %add3A_239 : vector<16xi32>
    %shift_right_logical3A_241 = arith.constant 1 : i32
    %shift_right_logical3A_242 = vector.broadcast %shift_right_logical3A_241 : i32 to vector<16xi32>
    %shift_right_logical3A_243 = arith.shrui %add3A_240, %shift_right_logical3A_242 : vector<16xi32>
    %and3A_244 = arith.constant 1 : i32
    %and3A_245 = vector.broadcast %and3A_244 : i32 to vector<16xi32>
    %and3A_246 = arith.andi %add3A_240, %and3A_245 : vector<16xi32>
    %and3A_247 = arith.constant 1023 : i32
    %and3A_248 = vector.broadcast %and3A_247 : i32 to vector<16xi32>
    %and3A_249 = arith.andi %shift_right_logical3A_243, %and3A_248 : vector<16xi32>
    %shift_right_logical3A_250 = arith.constant 10 : i32
    %shift_right_logical3A_251 = vector.broadcast %shift_right_logical3A_250 : i32 to vector<16xi32>
    %shift_right_logical3A_252 = arith.shrui %shift_right_logical3A_243, %shift_right_logical3A_251 : vector<16xi32>
    %mul3A_253 = arith.constant 200 : i32
    %mul3A_254 = vector.broadcast %mul3A_253 : i32 to vector<16xi32>
    %mul3A_255 = arith.muli %and3A_249, %mul3A_254 : vector<16xi32>
    %mul3A_256 = arith.constant 2 : i32
    %mul3A_257 = vector.broadcast %mul3A_256 : i32 to vector<16xi32>
    %mul3A_258 = arith.muli %mul3A_257, %shift_right_logical3A_252 : vector<16xi32>
    %add3A_259 = arith.addi %mul3A_255, %mul3A_258 : vector<16xi32>
    %add3A_260 = arith.addi %add3A_259, %and3A_246 : vector<16xi32>
    %swap3A_261 = arith.constant 0 : index
    %swap3A_262 = tpu.vector_load %arg6[%swap3A_261] {strides = array<i32>} : memref<128xi32, #tpu.memory_space<vmem>>, vector<16xi32>,
    %swap3A_263 = vector.shape_cast %swap3A_262 : vector<16xi32> to vector<16xi32>
    %swap3A_264 = vector.shape_cast %add3A_260 : vector<16xi32> to vector<16xi32>
    tpu.vector_store %arg6[%swap3A_261], %swap3A_264 {strides = array<i32>} : memref<128xi32, #tpu.memory_space<vmem>>, vector<16xi32>,
    %iota3A_265 = tpu.iota {dimensions = array<i32: 0>} : vector<16xi32>
    %add3A_266 = arith.constant 16 : i32
    %add3A_267 = arith.addi %add3A_235, %add3A_266 : i32
    %add3A_268 = vector.broadcast %add3A_267 : i32 to vector<16xi32>
    %add3A_269 = arith.addi %iota3A_265, %add3A_268 : vector<16xi32>
    %shift_right_logical3A_270 = arith.constant 1 : i32
    %shift_right_logical3A_271 = vector.broadcast %shift_right_logical3A_270 : i32 to vector<16xi32>
    %shift_right_logical3A_272 = arith.shrui %add3A_269, %shift_right_logical3A_271 : vector<16xi32>
    %and3A_273 = arith.constant 1 : i32
    %and3A_274 = vector.broadcast %and3A_273 : i32 to vector<16xi32>
    %and3A_275 = arith.andi %add3A_269, %and3A_274 : vector<16xi32>
    %and3A_276 = arith.constant 1023 : i32
    %and3A_277 = vector.broadcast %and3A_276 : i32 to vector<16xi32>
    %and3A_278 = arith.andi %shift_right_logical3A_272, %and3A_277 : vector<16xi32>
    %shift_right_logical3A_279 = arith.constant 10 : i32
    %shift_right_logical3A_280 = vector.broadcast %shift_right_logical3A_279 : i32 to vector<16xi32>
    %shift_right_logical3A_281 = arith.shrui %shift_right_logical3A_272, %shift_right_logical3A_280 : vector<16xi32>
    %mul3A_282 = arith.constant 200 : i32
    %mul3A_283 = vector.broadcast %mul3A_282 : i32 to vector<16xi32>
    %mul3A_284 = arith.muli %and3A_278, %mul3A_283 : vector<16xi32>
    %mul3A_285 = arith.constant 2 : i32
    %mul3A_286 = vector.broadcast %mul3A_285 : i32 to vector<16xi32>
    %mul3A_287 = arith.muli %mul3A_286, %shift_right_logical3A_281 : vector<16xi32>
    %add3A_288 = arith.addi %mul3A_284, %mul3A_287 : vector<16xi32>
    %add3A_289 = arith.addi %add3A_288, %and3A_275 : vector<16xi32>
    %swap3A_290 = arith.constant 16 : index
    %swap3A_291 = tpu.vector_load %arg6[%swap3A_290] {strides = array<i32>} : memref<128xi32, #tpu.memory_space<vmem>>, vector<16xi32>,
    %swap3A_292 = vector.shape_cast %swap3A_291 : vector<16xi32> to vector<16xi32>
    %swap3A_293 = vector.shape_cast %add3A_289 : vector<16xi32> to vector<16xi32>
    tpu.vector_store %arg6[%swap3A_290], %swap3A_293 {strides = array<i32>} : memref<128xi32, #tpu.memory_space<vmem>>, vector<16xi32>,
    %iota3A_294 = tpu.iota {dimensions = array<i32: 0>} : vector<16xi32>
    %add3A_295 = arith.constant 32 : i32
    %add3A_296 = arith.addi %add3A_235, %add3A_295 : i32
    %add3A_297 = vector.broadcast %add3A_296 : i32 to vector<16xi32>
    %add3A_298 = arith.addi %iota3A_294, %add3A_297 : vector<16xi32>
    %shift_right_logical3A_299 = arith.constant 1 : i32
    %shift_right_logical3A_300 = vector.broadcast %shift_right_logical3A_299 : i32 to vector<16xi32>
    %shift_right_logical3A_301 = arith.shrui %add3A_298, %shift_right_logical3A_300 : vector<16xi32>
    %and3A_302 = arith.constant 1 : i32
    %and3A_303 = vector.broadcast %and3A_302 : i32 to vector<16xi32>
    %and3A_304 = arith.andi %add3A_298, %and3A_303 : vector<16xi32>
    %and3A_305 = arith.constant 1023 : i32
    %and3A_306 = vector.broadcast %and3A_305 : i32 to vector<16xi32>
    %and3A_307 = arith.andi %shift_right_logical3A_301, %and3A_306 : vector<16xi32>
    %shift_right_logical3A_308 = arith.constant 10 : i32
    %shift_right_logical3A_309 = vector.broadcast %shift_right_logical3A_308 : i32 to vector<16xi32>
    %shift_right_logical3A_310 = arith.shrui %shift_right_logical3A_301, %shift_right_logical3A_309 : vector<16xi32>
    %mul3A_311 = arith.constant 200 : i32
    %mul3A_312 = vector.broadcast %mul3A_311 : i32 to vector<16xi32>
    %mul3A_313 = arith.muli %and3A_307, %mul3A_312 : vector<16xi32>
    %mul3A_314 = arith.constant 2 : i32
    %mul3A_315 = vector.broadcast %mul3A_314 : i32 to vector<16xi32>
    %mul3A_316 = arith.muli %mul3A_315, %shift_right_logical3A_310 : vector<16xi32>
    %add3A_317 = arith.addi %mul3A_313, %mul3A_316 : vector<16xi32>
    %add3A_318 = arith.addi %add3A_317, %and3A_304 : vector<16xi32>
    %swap3A_319 = arith.constant 32 : index
    %swap3A_320 = tpu.vector_load %arg6[%swap3A_319] {strides = array<i32>} : memref<128xi32, #tpu.memory_space<vmem>>, vector<16xi32>,
    %swap3A_321 = vector.shape_cast %swap3A_320 : vector<16xi32> to vector<16xi32>
    %swap3A_322 = vector.shape_cast %add3A_318 : vector<16xi32> to vector<16xi32>
    tpu.vector_store %arg6[%swap3A_319], %swap3A_322 {strides = array<i32>} : memref<128xi32, #tpu.memory_space<vmem>>, vector<16xi32>,
    %iota3A_323 = tpu.iota {dimensions = array<i32: 0>} : vector<16xi32>
    %add3A_324 = arith.constant 48 : i32
    %add3A_325 = arith.addi %add3A_235, %add3A_324 : i32
    %add3A_326 = vector.broadcast %add3A_325 : i32 to vector<16xi32>
    %add3A_327 = arith.addi %iota3A_323, %add3A_326 : vector<16xi32>
    %shift_right_logical3A_328 = arith.constant 1 : i32
    %shift_right_logical3A_329 = vector.broadcast %shift_right_logical3A_328 : i32 to vector<16xi32>
    %shift_right_logical3A_330 = arith.shrui %add3A_327, %shift_right_logical3A_329 : vector<16xi32>
    %and3A_331 = arith.constant 1 : i32
    %and3A_332 = vector.broadcast %and3A_331 : i32 to vector<16xi32>
    %and3A_333 = arith.andi %add3A_327, %and3A_332 : vector<16xi32>
    %and3A_334 = arith.constant 1023 : i32
    %and3A_335 = vector.broadcast %and3A_334 : i32 to vector<16xi32>
    %and3A_336 = arith.andi %shift_right_logical3A_330, %and3A_335 : vector<16xi32>
    %shift_right_logical3A_337 = arith.constant 10 : i32
    %shift_right_logical3A_338 = vector.broadcast %shift_right_logical3A_337 : i32 to vector<16xi32>
    %shift_right_logical3A_339 = arith.shrui %shift_right_logical3A_330, %shift_right_logical3A_338 : vector<16xi32>
    %mul3A_340 = arith.constant 200 : i32
    %mul3A_341 = vector.broadcast %mul3A_340 : i32 to vector<16xi32>
    %mul3A_342 = arith.muli %and3A_336, %mul3A_341 : vector<16xi32>
    %mul3A_343 = arith.constant 2 : i32
    %mul3A_344 = vector.broadcast %mul3A_343 : i32 to vector<16xi32>
    %mul3A_345 = arith.muli %mul3A_344, %shift_right_logical3A_339 : vector<16xi32>
    %add3A_346 = arith.addi %mul3A_342, %mul3A_345 : vector<16xi32>
    %add3A_347 = arith.addi %add3A_346, %and3A_333 : vector<16xi32>
    %swap3A_348 = arith.constant 48 : index
    %swap3A_349 = tpu.vector_load %arg6[%swap3A_348] {strides = array<i32>} : memref<128xi32, #tpu.memory_space<vmem>>, vector<16xi32>,
    %swap3A_350 = vector.shape_cast %swap3A_349 : vector<16xi32> to vector<16xi32>
    %swap3A_351 = vector.shape_cast %add3A_347 : vector<16xi32> to vector<16xi32>
    tpu.vector_store %arg6[%swap3A_348], %swap3A_351 {strides = array<i32>} : memref<128xi32, #tpu.memory_space<vmem>>, vector<16xi32>,
    %iota3A_352 = tpu.iota {dimensions = array<i32: 0>} : vector<16xi32>
    %add3A_353 = arith.constant 64 : i32
    %add3A_354 = arith.addi %add3A_235, %add3A_353 : i32
    %add3A_355 = vector.broadcast %add3A_354 : i32 to vector<16xi32>
    %add3A_356 = arith.addi %iota3A_352, %add3A_355 : vector<16xi32>
    %shift_right_logical3A_357 = arith.constant 1 : i32
    %shift_right_logical3A_358 = vector.broadcast %shift_right_logical3A_357 : i32 to vector<16xi32>
    %shift_right_logical3A_359 = arith.shrui %add3A_356, %shift_right_logical3A_358 : vector<16xi32>
    %and3A_360 = arith.constant 1 : i32
    %and3A_361 = vector.broadcast %and3A_360 : i32 to vector<16xi32>
    %and3A_362 = arith.andi %add3A_356, %and3A_361 : vector<16xi32>
    %and3A_363 = arith.constant 1023 : i32
    %and3A_364 = vector.broadcast %and3A_363 : i32 to vector<16xi32>
    %and3A_365 = arith.andi %shift_right_logical3A_359, %and3A_364 : vector<16xi32>
    %shift_right_logical3A_366 = arith.constant 10 : i32
    %shift_right_logical3A_367 = vector.broadcast %shift_right_logical3A_366 : i32 to vector<16xi32>
    %shift_right_logical3A_368 = arith.shrui %shift_right_logical3A_359, %shift_right_logical3A_367 : vector<16xi32>
    %mul3A_369 = arith.constant 200 : i32
    %mul3A_370 = vector.broadcast %mul3A_369 : i32 to vector<16xi32>
    %mul3A_371 = arith.muli %and3A_365, %mul3A_370 : vector<16xi32>
    %mul3A_372 = arith.constant 2 : i32
    %mul3A_373 = vector.broadcast %mul3A_372 : i32 to vector<16xi32>
    %mul3A_374 = arith.muli %mul3A_373, %shift_right_logical3A_368 : vector<16xi32>
    %add3A_375 = arith.addi %mul3A_371, %mul3A_374 : vector<16xi32>
    %add3A_376 = arith.addi %add3A_375, %and3A_362 : vector<16xi32>
    %swap3A_377 = arith.constant 64 : index
    %swap3A_378 = tpu.vector_load %arg6[%swap3A_377] {strides = array<i32>} : memref<128xi32, #tpu.memory_space<vmem>>, vector<16xi32>,
    %swap3A_379 = vector.shape_cast %swap3A_378 : vector<16xi32> to vector<16xi32>
    %swap3A_380 = vector.shape_cast %add3A_376 : vector<16xi32> to vector<16xi32>
    tpu.vector_store %arg6[%swap3A_377], %swap3A_380 {strides = array<i32>} : memref<128xi32, #tpu.memory_space<vmem>>, vector<16xi32>,
    %iota3A_381 = tpu.iota {dimensions = array<i32: 0>} : vector<16xi32>
    %add3A_382 = arith.constant 80 : i32
    %add3A_383 = arith.addi %add3A_235, %add3A_382 : i32
    %add3A_384 = vector.broadcast %add3A_383 : i32 to vector<16xi32>
    %add3A_385 = arith.addi %iota3A_381, %add3A_384 : vector<16xi32>
    %shift_right_logical3A_386 = arith.constant 1 : i32
    %shift_right_logical3A_387 = vector.broadcast %shift_right_logical3A_386 : i32 to vector<16xi32>
    %shift_right_logical3A_388 = arith.shrui %add3A_385, %shift_right_logical3A_387 : vector<16xi32>
    %and3A_389 = arith.constant 1 : i32
    %and3A_390 = vector.broadcast %and3A_389 : i32 to vector<16xi32>
    %and3A_391 = arith.andi %add3A_385, %and3A_390 : vector<16xi32>
    %and3A_392 = arith.constant 1023 : i32
    %and3A_393 = vector.broadcast %and3A_392 : i32 to vector<16xi32>
    %and3A_394 = arith.andi %shift_right_logical3A_388, %and3A_393 : vector<16xi32>
    %shift_right_logical3A_395 = arith.constant 10 : i32
    %shift_right_logical3A_396 = vector.broadcast %shift_right_logical3A_395 : i32 to vector<16xi32>
    %shift_right_logical3A_397 = arith.shrui %shift_right_logical3A_388, %shift_right_logical3A_396 : vector<16xi32>
    %mul3A_398 = arith.constant 200 : i32
    %mul3A_399 = vector.broadcast %mul3A_398 : i32 to vector<16xi32>
    %mul3A_400 = arith.muli %and3A_394, %mul3A_399 : vector<16xi32>
    %mul3A_401 = arith.constant 2 : i32
    %mul3A_402 = vector.broadcast %mul3A_401 : i32 to vector<16xi32>
    %mul3A_403 = arith.muli %mul3A_402, %shift_right_logical3A_397 : vector<16xi32>
    %add3A_404 = arith.addi %mul3A_400, %mul3A_403 : vector<16xi32>
    %add3A_405 = arith.addi %add3A_404, %and3A_391 : vector<16xi32>
    %swap3A_406 = arith.constant 80 : index
    %swap3A_407 = tpu.vector_load %arg6[%swap3A_406] {strides = array<i32>} : memref<128xi32, #tpu.memory_space<vmem>>, vector<16xi32>,
    %swap3A_408 = vector.shape_cast %swap3A_407 : vector<16xi32> to vector<16xi32>
    %swap3A_409 = vector.shape_cast %add3A_405 : vector<16xi32> to vector<16xi32>
    tpu.vector_store %arg6[%swap3A_406], %swap3A_409 {strides = array<i32>} : memref<128xi32, #tpu.memory_space<vmem>>, vector<16xi32>,
    %iota3A_410 = tpu.iota {dimensions = array<i32: 0>} : vector<16xi32>
    %add3A_411 = arith.constant 96 : i32
    %add3A_412 = arith.addi %add3A_235, %add3A_411 : i32
    %add3A_413 = vector.broadcast %add3A_412 : i32 to vector<16xi32>
    %add3A_414 = arith.addi %iota3A_410, %add3A_413 : vector<16xi32>
    %shift_right_logical3A_415 = arith.constant 1 : i32
    %shift_right_logical3A_416 = vector.broadcast %shift_right_logical3A_415 : i32 to vector<16xi32>
    %shift_right_logical3A_417 = arith.shrui %add3A_414, %shift_right_logical3A_416 : vector<16xi32>
    %and3A_418 = arith.constant 1 : i32
    %and3A_419 = vector.broadcast %and3A_418 : i32 to vector<16xi32>
    %and3A_420 = arith.andi %add3A_414, %and3A_419 : vector<16xi32>
    %and3A_421 = arith.constant 1023 : i32
    %and3A_422 = vector.broadcast %and3A_421 : i32 to vector<16xi32>
    %and3A_423 = arith.andi %shift_right_logical3A_417, %and3A_422 : vector<16xi32>
    %shift_right_logical3A_424 = arith.constant 10 : i32
    %shift_right_logical3A_425 = vector.broadcast %shift_right_logical3A_424 : i32 to vector<16xi32>
    %shift_right_logical3A_426 = arith.shrui %shift_right_logical3A_417, %shift_right_logical3A_425 : vector<16xi32>
    %mul3A_427 = arith.constant 200 : i32
    %mul3A_428 = vector.broadcast %mul3A_427 : i32 to vector<16xi32>
    %mul3A_429 = arith.muli %and3A_423, %mul3A_428 : vector<16xi32>
    %mul3A_430 = arith.constant 2 : i32
    %mul3A_431 = vector.broadcast %mul3A_430 : i32 to vector<16xi32>
    %mul3A_432 = arith.muli %mul3A_431, %shift_right_logical3A_426 : vector<16xi32>
    %add3A_433 = arith.addi %mul3A_429, %mul3A_432 : vector<16xi32>
    %add3A_434 = arith.addi %add3A_433, %and3A_420 : vector<16xi32>
    %swap3A_435 = arith.constant 96 : index
    %swap3A_436 = tpu.vector_load %arg6[%swap3A_435] {strides = array<i32>} : memref<128xi32, #tpu.memory_space<vmem>>, vector<16xi32>,
    %swap3A_437 = vector.shape_cast %swap3A_436 : vector<16xi32> to vector<16xi32>
    %swap3A_438 = vector.shape_cast %add3A_434 : vector<16xi32> to vector<16xi32>
    tpu.vector_store %arg6[%swap3A_435], %swap3A_438 {strides = array<i32>} : memref<128xi32, #tpu.memory_space<vmem>>, vector<16xi32>,
    %iota3A_439 = tpu.iota {dimensions = array<i32: 0>} : vector<16xi32>
    %add3A_440 = arith.constant 112 : i32
    %add3A_441 = arith.addi %add3A_235, %add3A_440 : i32
    %add3A_442 = vector.broadcast %add3A_441 : i32 to vector<16xi32>
    %add3A_443 = arith.addi %iota3A_439, %add3A_442 : vector<16xi32>
    %shift_right_logical3A_444 = arith.constant 1 : i32
    %shift_right_logical3A_445 = vector.broadcast %shift_right_logical3A_444 : i32 to vector<16xi32>
    %shift_right_logical3A_446 = arith.shrui %add3A_443, %shift_right_logical3A_445 : vector<16xi32>
    %and3A_447 = arith.constant 1 : i32
    %and3A_448 = vector.broadcast %and3A_447 : i32 to vector<16xi32>
    %and3A_449 = arith.andi %add3A_443, %and3A_448 : vector<16xi32>
    %and3A_450 = arith.constant 1023 : i32
    %and3A_451 = vector.broadcast %and3A_450 : i32 to vector<16xi32>
    %and3A_452 = arith.andi %shift_right_logical3A_446, %and3A_451 : vector<16xi32>
    %shift_right_logical3A_453 = arith.constant 10 : i32
    %shift_right_logical3A_454 = vector.broadcast %shift_right_logical3A_453 : i32 to vector<16xi32>
    %shift_right_logical3A_455 = arith.shrui %shift_right_logical3A_446, %shift_right_logical3A_454 : vector<16xi32>
    %mul3A_456 = arith.constant 200 : i32
    %mul3A_457 = vector.broadcast %mul3A_456 : i32 to vector<16xi32>
    %mul3A_458 = arith.muli %and3A_452, %mul3A_457 : vector<16xi32>
    %mul3A_459 = arith.constant 2 : i32
    %mul3A_460 = vector.broadcast %mul3A_459 : i32 to vector<16xi32>
    %mul3A_461 = arith.muli %mul3A_460, %shift_right_logical3A_455 : vector<16xi32>
    %add3A_462 = arith.addi %mul3A_458, %mul3A_461 : vector<16xi32>
    %add3A_463 = arith.addi %add3A_462, %and3A_449 : vector<16xi32>
    %swap3A_464 = arith.constant 112 : index
    %swap3A_465 = tpu.vector_load %arg6[%swap3A_464] {strides = array<i32>} : memref<128xi32, #tpu.memory_space<vmem>>, vector<16xi32>,
    %swap3A_466 = vector.shape_cast %swap3A_465 : vector<16xi32> to vector<16xi32>
    %swap3A_467 = vector.shape_cast %add3A_463 : vector<16xi32> to vector<16xi32>
    tpu.vector_store %arg6[%swap3A_464], %swap3A_467 {strides = array<i32>} : memref<128xi32, #tpu.memory_space<vmem>>, vector<16xi32>,
    %dma_start3A_468 = arith.constant 0 : i32
    %dma_start3A_469 = tpu.memref_slice %arg3[%dma_start3A_468] : memref<204800xi32, #tpu.memory_space<hbm>> -> memref<204800xi32, #tpu.memory_space<hbm>>
    tpu.enqueue_indirect_dma source(%dma_start3A_469 : memref<204800xi32, #tpu.memory_space<hbm>>) target(%arg10 : memref<128xi32, #tpu.memory_space<vmem>>) offsets(%arg6 : memref<128xi32, #tpu.memory_space<vmem>>) semaphore(%arg18 : memref<!tpu.dma_semaphore, #tpu.memory_space<semaphore_mem>>)
    %dma_wait3A = arith.constant 0 : i32
    %dma_wait3A_470 = tpu.memref_slice %arg3[%dma_wait3A] : memref<204800xi32, #tpu.memory_space<hbm>> -> memref<204800xi32, #tpu.memory_space<hbm>>
    tpu.wait_indirect_dma semaphore(%arg17 : memref<!tpu.dma_semaphore, #tpu.memory_space<semaphore_mem>>) src(%dma_wait3A_470 : memref<204800xi32, #tpu.memory_space<hbm>>) dst(%arg9 : memref<128xi32, #tpu.memory_space<vmem>>)
    %dma_start3A_471 = arith.constant 0 : i32
    %dma_start3A_472 = arith.constant 0 : i32
    %dma_start3A_473 = tpu.memref_slice %arg2[%dma_start3A_471, %dma_start3A_472] : memref<100000x64xf32, #tpu.memory_space<hbm>> -> memref<100000x64xf32, #tpu.memory_space<hbm>>
    tpu.enqueue_indirect_dma source(%dma_start3A_473 : memref<100000x64xf32, #tpu.memory_space<hbm>>) target(%arg13 : memref<128x64xf32, #tpu.memory_space<vmem>>) offsets(%arg9 : memref<128xi32, #tpu.memory_space<vmem>>) semaphore(%arg21 : memref<!tpu.dma_semaphore, #tpu.memory_space<semaphore_mem>>)
    %add3A_474 = arith.constant 256 : i32
    %add3A_475 = arith.addi %mul3A_2, %add3A_474 : i32
    %iota3A_476 = tpu.iota {dimensions = array<i32: 0>} : vector<16xi32>
    %add3A_477 = arith.constant 0 : i32
    %add3A_478 = arith.addi %add3A_475, %add3A_477 : i32
    %add3A_479 = vector.broadcast %add3A_478 : i32 to vector<16xi32>
    %add3A_480 = arith.addi %iota3A_476, %add3A_479 : vector<16xi32>
    %shift_right_logical3A_481 = arith.constant 1 : i32
    %shift_right_logical3A_482 = vector.broadcast %shift_right_logical3A_481 : i32 to vector<16xi32>
    %shift_right_logical3A_483 = arith.shrui %add3A_480, %shift_right_logical3A_482 : vector<16xi32>
    %and3A_484 = arith.constant 1 : i32
    %and3A_485 = vector.broadcast %and3A_484 : i32 to vector<16xi32>
    %and3A_486 = arith.andi %add3A_480, %and3A_485 : vector<16xi32>
    %and3A_487 = arith.constant 1023 : i32
    %and3A_488 = vector.broadcast %and3A_487 : i32 to vector<16xi32>
    %and3A_489 = arith.andi %shift_right_logical3A_483, %and3A_488 : vector<16xi32>
    %shift_right_logical3A_490 = arith.constant 10 : i32
    %shift_right_logical3A_491 = vector.broadcast %shift_right_logical3A_490 : i32 to vector<16xi32>
    %shift_right_logical3A_492 = arith.shrui %shift_right_logical3A_483, %shift_right_logical3A_491 : vector<16xi32>
    %mul3A_493 = arith.constant 200 : i32
    %mul3A_494 = vector.broadcast %mul3A_493 : i32 to vector<16xi32>
    %mul3A_495 = arith.muli %and3A_489, %mul3A_494 : vector<16xi32>
    %mul3A_496 = arith.constant 2 : i32
    %mul3A_497 = vector.broadcast %mul3A_496 : i32 to vector<16xi32>
    %mul3A_498 = arith.muli %mul3A_497, %shift_right_logical3A_492 : vector<16xi32>
    %add3A_499 = arith.addi %mul3A_495, %mul3A_498 : vector<16xi32>
    %add3A_500 = arith.addi %add3A_499, %and3A_486 : vector<16xi32>
    %swap3A_501 = arith.constant 0 : index
    %swap3A_502 = tpu.vector_load %arg7[%swap3A_501] {strides = array<i32>} : memref<128xi32, #tpu.memory_space<vmem>>, vector<16xi32>,
    %swap3A_503 = vector.shape_cast %swap3A_502 : vector<16xi32> to vector<16xi32>
    %swap3A_504 = vector.shape_cast %add3A_500 : vector<16xi32> to vector<16xi32>
    tpu.vector_store %arg7[%swap3A_501], %swap3A_504 {strides = array<i32>} : memref<128xi32, #tpu.memory_space<vmem>>, vector<16xi32>,
    %iota3A_505 = tpu.iota {dimensions = array<i32: 0>} : vector<16xi32>
    %add3A_506 = arith.constant 16 : i32
    %add3A_507 = arith.addi %add3A_475, %add3A_506 : i32
    %add3A_508 = vector.broadcast %add3A_507 : i32 to vector<16xi32>
    %add3A_509 = arith.addi %iota3A_505, %add3A_508 : vector<16xi32>
    %shift_right_logical3A_510 = arith.constant 1 : i32
    %shift_right_logical3A_511 = vector.broadcast %shift_right_logical3A_510 : i32 to vector<16xi32>
    %shift_right_logical3A_512 = arith.shrui %add3A_509, %shift_right_logical3A_511 : vector<16xi32>
    %and3A_513 = arith.constant 1 : i32
    %and3A_514 = vector.broadcast %and3A_513 : i32 to vector<16xi32>
    %and3A_515 = arith.andi %add3A_509, %and3A_514 : vector<16xi32>
    %and3A_516 = arith.constant 1023 : i32
    %and3A_517 = vector.broadcast %and3A_516 : i32 to vector<16xi32>
    %and3A_518 = arith.andi %shift_right_logical3A_512, %and3A_517 : vector<16xi32>
    %shift_right_logical3A_519 = arith.constant 10 : i32
    %shift_right_logical3A_520 = vector.broadcast %shift_right_logical3A_519 : i32 to vector<16xi32>
    %shift_right_logical3A_521 = arith.shrui %shift_right_logical3A_512, %shift_right_logical3A_520 : vector<16xi32>
    %mul3A_522 = arith.constant 200 : i32
    %mul3A_523 = vector.broadcast %mul3A_522 : i32 to vector<16xi32>
    %mul3A_524 = arith.muli %and3A_518, %mul3A_523 : vector<16xi32>
    %mul3A_525 = arith.constant 2 : i32
    %mul3A_526 = vector.broadcast %mul3A_525 : i32 to vector<16xi32>
    %mul3A_527 = arith.muli %mul3A_526, %shift_right_logical3A_521 : vector<16xi32>
    %add3A_528 = arith.addi %mul3A_524, %mul3A_527 : vector<16xi32>
    %add3A_529 = arith.addi %add3A_528, %and3A_515 : vector<16xi32>
    %swap3A_530 = arith.constant 16 : index
    %swap3A_531 = tpu.vector_load %arg7[%swap3A_530] {strides = array<i32>} : memref<128xi32, #tpu.memory_space<vmem>>, vector<16xi32>,
    %swap3A_532 = vector.shape_cast %swap3A_531 : vector<16xi32> to vector<16xi32>
    %swap3A_533 = vector.shape_cast %add3A_529 : vector<16xi32> to vector<16xi32>
    tpu.vector_store %arg7[%swap3A_530], %swap3A_533 {strides = array<i32>} : memref<128xi32, #tpu.memory_space<vmem>>, vector<16xi32>,
    %iota3A_534 = tpu.iota {dimensions = array<i32: 0>} : vector<16xi32>
    %add3A_535 = arith.constant 32 : i32
    %add3A_536 = arith.addi %add3A_475, %add3A_535 : i32
    %add3A_537 = vector.broadcast %add3A_536 : i32 to vector<16xi32>
    %add3A_538 = arith.addi %iota3A_534, %add3A_537 : vector<16xi32>
    %shift_right_logical3A_539 = arith.constant 1 : i32
    %shift_right_logical3A_540 = vector.broadcast %shift_right_logical3A_539 : i32 to vector<16xi32>
    %shift_right_logical3A_541 = arith.shrui %add3A_538, %shift_right_logical3A_540 : vector<16xi32>
    %and3A_542 = arith.constant 1 : i32
    %and3A_543 = vector.broadcast %and3A_542 : i32 to vector<16xi32>
    %and3A_544 = arith.andi %add3A_538, %and3A_543 : vector<16xi32>
    %and3A_545 = arith.constant 1023 : i32
    %and3A_546 = vector.broadcast %and3A_545 : i32 to vector<16xi32>
    %and3A_547 = arith.andi %shift_right_logical3A_541, %and3A_546 : vector<16xi32>
    %shift_right_logical3A_548 = arith.constant 10 : i32
    %shift_right_logical3A_549 = vector.broadcast %shift_right_logical3A_548 : i32 to vector<16xi32>
    %shift_right_logical3A_550 = arith.shrui %shift_right_logical3A_541, %shift_right_logical3A_549 : vector<16xi32>
    %mul3A_551 = arith.constant 200 : i32
    %mul3A_552 = vector.broadcast %mul3A_551 : i32 to vector<16xi32>
    %mul3A_553 = arith.muli %and3A_547, %mul3A_552 : vector<16xi32>
    %mul3A_554 = arith.constant 2 : i32
    %mul3A_555 = vector.broadcast %mul3A_554 : i32 to vector<16xi32>
    %mul3A_556 = arith.muli %mul3A_555, %shift_right_logical3A_550 : vector<16xi32>
    %add3A_557 = arith.addi %mul3A_553, %mul3A_556 : vector<16xi32>
    %add3A_558 = arith.addi %add3A_557, %and3A_544 : vector<16xi32>
    %swap3A_559 = arith.constant 32 : index
    %swap3A_560 = tpu.vector_load %arg7[%swap3A_559] {strides = array<i32>} : memref<128xi32, #tpu.memory_space<vmem>>, vector<16xi32>,
    %swap3A_561 = vector.shape_cast %swap3A_560 : vector<16xi32> to vector<16xi32>
    %swap3A_562 = vector.shape_cast %add3A_558 : vector<16xi32> to vector<16xi32>
    tpu.vector_store %arg7[%swap3A_559], %swap3A_562 {strides = array<i32>} : memref<128xi32, #tpu.memory_space<vmem>>, vector<16xi32>,
    %iota3A_563 = tpu.iota {dimensions = array<i32: 0>} : vector<16xi32>
    %add3A_564 = arith.constant 48 : i32
    %add3A_565 = arith.addi %add3A_475, %add3A_564 : i32
    %add3A_566 = vector.broadcast %add3A_565 : i32 to vector<16xi32>
    %add3A_567 = arith.addi %iota3A_563, %add3A_566 : vector<16xi32>
    %shift_right_logical3A_568 = arith.constant 1 : i32
    %shift_right_logical3A_569 = vector.broadcast %shift_right_logical3A_568 : i32 to vector<16xi32>
    %shift_right_logical3A_570 = arith.shrui %add3A_567, %shift_right_logical3A_569 : vector<16xi32>
    %and3A_571 = arith.constant 1 : i32
    %and3A_572 = vector.broadcast %and3A_571 : i32 to vector<16xi32>
    %and3A_573 = arith.andi %add3A_567, %and3A_572 : vector<16xi32>
    %and3A_574 = arith.constant 1023 : i32
    %and3A_575 = vector.broadcast %and3A_574 : i32 to vector<16xi32>
    %and3A_576 = arith.andi %shift_right_logical3A_570, %and3A_575 : vector<16xi32>
    %shift_right_logical3A_577 = arith.constant 10 : i32
    %shift_right_logical3A_578 = vector.broadcast %shift_right_logical3A_577 : i32 to vector<16xi32>
    %shift_right_logical3A_579 = arith.shrui %shift_right_logical3A_570, %shift_right_logical3A_578 : vector<16xi32>
    %mul3A_580 = arith.constant 200 : i32
    %mul3A_581 = vector.broadcast %mul3A_580 : i32 to vector<16xi32>
    %mul3A_582 = arith.muli %and3A_576, %mul3A_581 : vector<16xi32>
    %mul3A_583 = arith.constant 2 : i32
    %mul3A_584 = vector.broadcast %mul3A_583 : i32 to vector<16xi32>
    %mul3A_585 = arith.muli %mul3A_584, %shift_right_logical3A_579 : vector<16xi32>
    %add3A_586 = arith.addi %mul3A_582, %mul3A_585 : vector<16xi32>
    %add3A_587 = arith.addi %add3A_586, %and3A_573 : vector<16xi32>
    %swap3A_588 = arith.constant 48 : index
    %swap3A_589 = tpu.vector_load %arg7[%swap3A_588] {strides = array<i32>} : memref<128xi32, #tpu.memory_space<vmem>>, vector<16xi32>,
    %swap3A_590 = vector.shape_cast %swap3A_589 : vector<16xi32> to vector<16xi32>
    %swap3A_591 = vector.shape_cast %add3A_587 : vector<16xi32> to vector<16xi32>
    tpu.vector_store %arg7[%swap3A_588], %swap3A_591 {strides = array<i32>} : memref<128xi32, #tpu.memory_space<vmem>>, vector<16xi32>,
    %iota3A_592 = tpu.iota {dimensions = array<i32: 0>} : vector<16xi32>
    %add3A_593 = arith.constant 64 : i32
    %add3A_594 = arith.addi %add3A_475, %add3A_593 : i32
    %add3A_595 = vector.broadcast %add3A_594 : i32 to vector<16xi32>
    %add3A_596 = arith.addi %iota3A_592, %add3A_595 : vector<16xi32>
    %shift_right_logical3A_597 = arith.constant 1 : i32
    %shift_right_logical3A_598 = vector.broadcast %shift_right_logical3A_597 : i32 to vector<16xi32>
    %shift_right_logical3A_599 = arith.shrui %add3A_596, %shift_right_logical3A_598 : vector<16xi32>
    %and3A_600 = arith.constant 1 : i32
    %and3A_601 = vector.broadcast %and3A_600 : i32 to vector<16xi32>
    %and3A_602 = arith.andi %add3A_596, %and3A_601 : vector<16xi32>
    %and3A_603 = arith.constant 1023 : i32
    %and3A_604 = vector.broadcast %and3A_603 : i32 to vector<16xi32>
    %and3A_605 = arith.andi %shift_right_logical3A_599, %and3A_604 : vector<16xi32>
    %shift_right_logical3A_606 = arith.constant 10 : i32
    %shift_right_logical3A_607 = vector.broadcast %shift_right_logical3A_606 : i32 to vector<16xi32>
    %shift_right_logical3A_608 = arith.shrui %shift_right_logical3A_599, %shift_right_logical3A_607 : vector<16xi32>
    %mul3A_609 = arith.constant 200 : i32
    %mul3A_610 = vector.broadcast %mul3A_609 : i32 to vector<16xi32>
    %mul3A_611 = arith.muli %and3A_605, %mul3A_610 : vector<16xi32>
    %mul3A_612 = arith.constant 2 : i32
    %mul3A_613 = vector.broadcast %mul3A_612 : i32 to vector<16xi32>
    %mul3A_614 = arith.muli %mul3A_613, %shift_right_logical3A_608 : vector<16xi32>
    %add3A_615 = arith.addi %mul3A_611, %mul3A_614 : vector<16xi32>
    %add3A_616 = arith.addi %add3A_615, %and3A_602 : vector<16xi32>
    %swap3A_617 = arith.constant 64 : index
    %swap3A_618 = tpu.vector_load %arg7[%swap3A_617] {strides = array<i32>} : memref<128xi32, #tpu.memory_space<vmem>>, vector<16xi32>,
    %swap3A_619 = vector.shape_cast %swap3A_618 : vector<16xi32> to vector<16xi32>
    %swap3A_620 = vector.shape_cast %add3A_616 : vector<16xi32> to vector<16xi32>
    tpu.vector_store %arg7[%swap3A_617], %swap3A_620 {strides = array<i32>} : memref<128xi32, #tpu.memory_space<vmem>>, vector<16xi32>,
    %iota3A_621 = tpu.iota {dimensions = array<i32: 0>} : vector<16xi32>
    %add3A_622 = arith.constant 80 : i32
    %add3A_623 = arith.addi %add3A_475, %add3A_622 : i32
    %add3A_624 = vector.broadcast %add3A_623 : i32 to vector<16xi32>
    %add3A_625 = arith.addi %iota3A_621, %add3A_624 : vector<16xi32>
    %shift_right_logical3A_626 = arith.constant 1 : i32
    %shift_right_logical3A_627 = vector.broadcast %shift_right_logical3A_626 : i32 to vector<16xi32>
    %shift_right_logical3A_628 = arith.shrui %add3A_625, %shift_right_logical3A_627 : vector<16xi32>
    %and3A_629 = arith.constant 1 : i32
    %and3A_630 = vector.broadcast %and3A_629 : i32 to vector<16xi32>
    %and3A_631 = arith.andi %add3A_625, %and3A_630 : vector<16xi32>
    %and3A_632 = arith.constant 1023 : i32
    %and3A_633 = vector.broadcast %and3A_632 : i32 to vector<16xi32>
    %and3A_634 = arith.andi %shift_right_logical3A_628, %and3A_633 : vector<16xi32>
    %shift_right_logical3A_635 = arith.constant 10 : i32
    %shift_right_logical3A_636 = vector.broadcast %shift_right_logical3A_635 : i32 to vector<16xi32>
    %shift_right_logical3A_637 = arith.shrui %shift_right_logical3A_628, %shift_right_logical3A_636 : vector<16xi32>
    %mul3A_638 = arith.constant 200 : i32
    %mul3A_639 = vector.broadcast %mul3A_638 : i32 to vector<16xi32>
    %mul3A_640 = arith.muli %and3A_634, %mul3A_639 : vector<16xi32>
    %mul3A_641 = arith.constant 2 : i32
    %mul3A_642 = vector.broadcast %mul3A_641 : i32 to vector<16xi32>
    %mul3A_643 = arith.muli %mul3A_642, %shift_right_logical3A_637 : vector<16xi32>
    %add3A_644 = arith.addi %mul3A_640, %mul3A_643 : vector<16xi32>
    %add3A_645 = arith.addi %add3A_644, %and3A_631 : vector<16xi32>
    %swap3A_646 = arith.constant 80 : index
    %swap3A_647 = tpu.vector_load %arg7[%swap3A_646] {strides = array<i32>} : memref<128xi32, #tpu.memory_space<vmem>>, vector<16xi32>,
    %swap3A_648 = vector.shape_cast %swap3A_647 : vector<16xi32> to vector<16xi32>
    %swap3A_649 = vector.shape_cast %add3A_645 : vector<16xi32> to vector<16xi32>
    tpu.vector_store %arg7[%swap3A_646], %swap3A_649 {strides = array<i32>} : memref<128xi32, #tpu.memory_space<vmem>>, vector<16xi32>,
    %iota3A_650 = tpu.iota {dimensions = array<i32: 0>} : vector<16xi32>
    %add3A_651 = arith.constant 96 : i32
    %add3A_652 = arith.addi %add3A_475, %add3A_651 : i32
    %add3A_653 = vector.broadcast %add3A_652 : i32 to vector<16xi32>
    %add3A_654 = arith.addi %iota3A_650, %add3A_653 : vector<16xi32>
    %shift_right_logical3A_655 = arith.constant 1 : i32
    %shift_right_logical3A_656 = vector.broadcast %shift_right_logical3A_655 : i32 to vector<16xi32>
    %shift_right_logical3A_657 = arith.shrui %add3A_654, %shift_right_logical3A_656 : vector<16xi32>
    %and3A_658 = arith.constant 1 : i32
    %and3A_659 = vector.broadcast %and3A_658 : i32 to vector<16xi32>
    %and3A_660 = arith.andi %add3A_654, %and3A_659 : vector<16xi32>
    %and3A_661 = arith.constant 1023 : i32
    %and3A_662 = vector.broadcast %and3A_661 : i32 to vector<16xi32>
    %and3A_663 = arith.andi %shift_right_logical3A_657, %and3A_662 : vector<16xi32>
    %shift_right_logical3A_664 = arith.constant 10 : i32
    %shift_right_logical3A_665 = vector.broadcast %shift_right_logical3A_664 : i32 to vector<16xi32>
    %shift_right_logical3A_666 = arith.shrui %shift_right_logical3A_657, %shift_right_logical3A_665 : vector<16xi32>
    %mul3A_667 = arith.constant 200 : i32
    %mul3A_668 = vector.broadcast %mul3A_667 : i32 to vector<16xi32>
    %mul3A_669 = arith.muli %and3A_663, %mul3A_668 : vector<16xi32>
    %mul3A_670 = arith.constant 2 : i32
    %mul3A_671 = vector.broadcast %mul3A_670 : i32 to vector<16xi32>
    %mul3A_672 = arith.muli %mul3A_671, %shift_right_logical3A_666 : vector<16xi32>
    %add3A_673 = arith.addi %mul3A_669, %mul3A_672 : vector<16xi32>
    %add3A_674 = arith.addi %add3A_673, %and3A_660 : vector<16xi32>
    %swap3A_675 = arith.constant 96 : index
    %swap3A_676 = tpu.vector_load %arg7[%swap3A_675] {strides = array<i32>} : memref<128xi32, #tpu.memory_space<vmem>>, vector<16xi32>,
    %swap3A_677 = vector.shape_cast %swap3A_676 : vector<16xi32> to vector<16xi32>
    %swap3A_678 = vector.shape_cast %add3A_674 : vector<16xi32> to vector<16xi32>
    tpu.vector_store %arg7[%swap3A_675], %swap3A_678 {strides = array<i32>} : memref<128xi32, #tpu.memory_space<vmem>>, vector<16xi32>,
    %iota3A_679 = tpu.iota {dimensions = array<i32: 0>} : vector<16xi32>
    %add3A_680 = arith.constant 112 : i32
    %add3A_681 = arith.addi %add3A_475, %add3A_680 : i32
    %add3A_682 = vector.broadcast %add3A_681 : i32 to vector<16xi32>
    %add3A_683 = arith.addi %iota3A_679, %add3A_682 : vector<16xi32>
    %shift_right_logical3A_684 = arith.constant 1 : i32
    %shift_right_logical3A_685 = vector.broadcast %shift_right_logical3A_684 : i32 to vector<16xi32>
    %shift_right_logical3A_686 = arith.shrui %add3A_683, %shift_right_logical3A_685 : vector<16xi32>
    %and3A_687 = arith.constant 1 : i32
    %and3A_688 = vector.broadcast %and3A_687 : i32 to vector<16xi32>
    %and3A_689 = arith.andi %add3A_683, %and3A_688 : vector<16xi32>
    %and3A_690 = arith.constant 1023 : i32
    %and3A_691 = vector.broadcast %and3A_690 : i32 to vector<16xi32>
    %and3A_692 = arith.andi %shift_right_logical3A_686, %and3A_691 : vector<16xi32>
    %shift_right_logical3A_693 = arith.constant 10 : i32
    %shift_right_logical3A_694 = vector.broadcast %shift_right_logical3A_693 : i32 to vector<16xi32>
    %shift_right_logical3A_695 = arith.shrui %shift_right_logical3A_686, %shift_right_logical3A_694 : vector<16xi32>
    %mul3A_696 = arith.constant 200 : i32
    %mul3A_697 = vector.broadcast %mul3A_696 : i32 to vector<16xi32>
    %mul3A_698 = arith.muli %and3A_692, %mul3A_697 : vector<16xi32>
    %mul3A_699 = arith.constant 2 : i32
    %mul3A_700 = vector.broadcast %mul3A_699 : i32 to vector<16xi32>
    %mul3A_701 = arith.muli %mul3A_700, %shift_right_logical3A_695 : vector<16xi32>
    %add3A_702 = arith.addi %mul3A_698, %mul3A_701 : vector<16xi32>
    %add3A_703 = arith.addi %add3A_702, %and3A_689 : vector<16xi32>
    %swap3A_704 = arith.constant 112 : index
    %swap3A_705 = tpu.vector_load %arg7[%swap3A_704] {strides = array<i32>} : memref<128xi32, #tpu.memory_space<vmem>>, vector<16xi32>,
    %swap3A_706 = vector.shape_cast %swap3A_705 : vector<16xi32> to vector<16xi32>
    %swap3A_707 = vector.shape_cast %add3A_703 : vector<16xi32> to vector<16xi32>
    tpu.vector_store %arg7[%swap3A_704], %swap3A_707 {strides = array<i32>} : memref<128xi32, #tpu.memory_space<vmem>>, vector<16xi32>,
    %dma_start3A_708 = arith.constant 0 : i32
    %dma_start3A_709 = tpu.memref_slice %arg3[%dma_start3A_708] : memref<204800xi32, #tpu.memory_space<hbm>> -> memref<204800xi32, #tpu.memory_space<hbm>>
    tpu.enqueue_indirect_dma source(%dma_start3A_709 : memref<204800xi32, #tpu.memory_space<hbm>>) target(%arg11 : memref<128xi32, #tpu.memory_space<vmem>>) offsets(%arg7 : memref<128xi32, #tpu.memory_space<vmem>>) semaphore(%arg19 : memref<!tpu.dma_semaphore, #tpu.memory_space<semaphore_mem>>)
    %dma_wait3A_710 = arith.constant 0 : i32
    %dma_wait3A_711 = tpu.memref_slice %arg3[%dma_wait3A_710] : memref<204800xi32, #tpu.memory_space<hbm>> -> memref<204800xi32, #tpu.memory_space<hbm>>
    tpu.wait_indirect_dma semaphore(%arg18 : memref<!tpu.dma_semaphore, #tpu.memory_space<semaphore_mem>>) src(%dma_wait3A_711 : memref<204800xi32, #tpu.memory_space<hbm>>) dst(%arg10 : memref<128xi32, #tpu.memory_space<vmem>>)
    %dma_start3A_712 = arith.constant 0 : i32
    %dma_start3A_713 = arith.constant 0 : i32
    %dma_start3A_714 = tpu.memref_slice %arg2[%dma_start3A_712, %dma_start3A_713] : memref<100000x64xf32, #tpu.memory_space<hbm>> -> memref<100000x64xf32, #tpu.memory_space<hbm>>
    tpu.enqueue_indirect_dma source(%dma_start3A_714 : memref<100000x64xf32, #tpu.memory_space<hbm>>) target(%arg14 : memref<128x64xf32, #tpu.memory_space<vmem>>) offsets(%arg10 : memref<128xi32, #tpu.memory_space<vmem>>) semaphore(%arg22 : memref<!tpu.dma_semaphore, #tpu.memory_space<semaphore_mem>>)
    %add3A_715 = arith.constant 384 : i32
    %add3A_716 = arith.addi %mul3A_2, %add3A_715 : i32
    %iota3A_717 = tpu.iota {dimensions = array<i32: 0>} : vector<16xi32>
    %add3A_718 = arith.constant 0 : i32
    %add3A_719 = arith.addi %add3A_716, %add3A_718 : i32
    %add3A_720 = vector.broadcast %add3A_719 : i32 to vector<16xi32>
    %add3A_721 = arith.addi %iota3A_717, %add3A_720 : vector<16xi32>
    %shift_right_logical3A_722 = arith.constant 1 : i32
    %shift_right_logical3A_723 = vector.broadcast %shift_right_logical3A_722 : i32 to vector<16xi32>
    %shift_right_logical3A_724 = arith.shrui %add3A_721, %shift_right_logical3A_723 : vector<16xi32>
    %and3A_725 = arith.constant 1 : i32
    %and3A_726 = vector.broadcast %and3A_725 : i32 to vector<16xi32>
    %and3A_727 = arith.andi %add3A_721, %and3A_726 : vector<16xi32>
    %and3A_728 = arith.constant 1023 : i32
    %and3A_729 = vector.broadcast %and3A_728 : i32 to vector<16xi32>
    %and3A_730 = arith.andi %shift_right_logical3A_724, %and3A_729 : vector<16xi32>
    %shift_right_logical3A_731 = arith.constant 10 : i32
    %shift_right_logical3A_732 = vector.broadcast %shift_right_logical3A_731 : i32 to vector<16xi32>
    %shift_right_logical3A_733 = arith.shrui %shift_right_logical3A_724, %shift_right_logical3A_732 : vector<16xi32>
    %mul3A_734 = arith.constant 200 : i32
    %mul3A_735 = vector.broadcast %mul3A_734 : i32 to vector<16xi32>
    %mul3A_736 = arith.muli %and3A_730, %mul3A_735 : vector<16xi32>
    %mul3A_737 = arith.constant 2 : i32
    %mul3A_738 = vector.broadcast %mul3A_737 : i32 to vector<16xi32>
    %mul3A_739 = arith.muli %mul3A_738, %shift_right_logical3A_733 : vector<16xi32>
    %add3A_740 = arith.addi %mul3A_736, %mul3A_739 : vector<16xi32>
    %add3A_741 = arith.addi %add3A_740, %and3A_727 : vector<16xi32>
    %swap3A_742 = arith.constant 0 : index
    %swap3A_743 = tpu.vector_load %arg8[%swap3A_742] {strides = array<i32>} : memref<128xi32, #tpu.memory_space<vmem>>, vector<16xi32>,
    %swap3A_744 = vector.shape_cast %swap3A_743 : vector<16xi32> to vector<16xi32>
    %swap3A_745 = vector.shape_cast %add3A_741 : vector<16xi32> to vector<16xi32>
    tpu.vector_store %arg8[%swap3A_742], %swap3A_745 {strides = array<i32>} : memref<128xi32, #tpu.memory_space<vmem>>, vector<16xi32>,
    %iota3A_746 = tpu.iota {dimensions = array<i32: 0>} : vector<16xi32>
    %add3A_747 = arith.constant 16 : i32
    %add3A_748 = arith.addi %add3A_716, %add3A_747 : i32
    %add3A_749 = vector.broadcast %add3A_748 : i32 to vector<16xi32>
    %add3A_750 = arith.addi %iota3A_746, %add3A_749 : vector<16xi32>
    %shift_right_logical3A_751 = arith.constant 1 : i32
    %shift_right_logical3A_752 = vector.broadcast %shift_right_logical3A_751 : i32 to vector<16xi32>
    %shift_right_logical3A_753 = arith.shrui %add3A_750, %shift_right_logical3A_752 : vector<16xi32>
    %and3A_754 = arith.constant 1 : i32
    %and3A_755 = vector.broadcast %and3A_754 : i32 to vector<16xi32>
    %and3A_756 = arith.andi %add3A_750, %and3A_755 : vector<16xi32>
    %and3A_757 = arith.constant 1023 : i32
    %and3A_758 = vector.broadcast %and3A_757 : i32 to vector<16xi32>
    %and3A_759 = arith.andi %shift_right_logical3A_753, %and3A_758 : vector<16xi32>
    %shift_right_logical3A_760 = arith.constant 10 : i32
    %shift_right_logical3A_761 = vector.broadcast %shift_right_logical3A_760 : i32 to vector<16xi32>
    %shift_right_logical3A_762 = arith.shrui %shift_right_logical3A_753, %shift_right_logical3A_761 : vector<16xi32>
    %mul3A_763 = arith.constant 200 : i32
    %mul3A_764 = vector.broadcast %mul3A_763 : i32 to vector<16xi32>
    %mul3A_765 = arith.muli %and3A_759, %mul3A_764 : vector<16xi32>
    %mul3A_766 = arith.constant 2 : i32
    %mul3A_767 = vector.broadcast %mul3A_766 : i32 to vector<16xi32>
    %mul3A_768 = arith.muli %mul3A_767, %shift_right_logical3A_762 : vector<16xi32>
    %add3A_769 = arith.addi %mul3A_765, %mul3A_768 : vector<16xi32>
    %add3A_770 = arith.addi %add3A_769, %and3A_756 : vector<16xi32>
    %swap3A_771 = arith.constant 16 : index
    %swap3A_772 = tpu.vector_load %arg8[%swap3A_771] {strides = array<i32>} : memref<128xi32, #tpu.memory_space<vmem>>, vector<16xi32>,
    %swap3A_773 = vector.shape_cast %swap3A_772 : vector<16xi32> to vector<16xi32>
    %swap3A_774 = vector.shape_cast %add3A_770 : vector<16xi32> to vector<16xi32>
    tpu.vector_store %arg8[%swap3A_771], %swap3A_774 {strides = array<i32>} : memref<128xi32, #tpu.memory_space<vmem>>, vector<16xi32>,
    %iota3A_775 = tpu.iota {dimensions = array<i32: 0>} : vector<16xi32>
    %add3A_776 = arith.constant 32 : i32
    %add3A_777 = arith.addi %add3A_716, %add3A_776 : i32
    %add3A_778 = vector.broadcast %add3A_777 : i32 to vector<16xi32>
    %add3A_779 = arith.addi %iota3A_775, %add3A_778 : vector<16xi32>
    %shift_right_logical3A_780 = arith.constant 1 : i32
    %shift_right_logical3A_781 = vector.broadcast %shift_right_logical3A_780 : i32 to vector<16xi32>
    %shift_right_logical3A_782 = arith.shrui %add3A_779, %shift_right_logical3A_781 : vector<16xi32>
    %and3A_783 = arith.constant 1 : i32
    %and3A_784 = vector.broadcast %and3A_783 : i32 to vector<16xi32>
    %and3A_785 = arith.andi %add3A_779, %and3A_784 : vector<16xi32>
    %and3A_786 = arith.constant 1023 : i32
    %and3A_787 = vector.broadcast %and3A_786 : i32 to vector<16xi32>
    %and3A_788 = arith.andi %shift_right_logical3A_782, %and3A_787 : vector<16xi32>
    %shift_right_logical3A_789 = arith.constant 10 : i32
    %shift_right_logical3A_790 = vector.broadcast %shift_right_logical3A_789 : i32 to vector<16xi32>
    %shift_right_logical3A_791 = arith.shrui %shift_right_logical3A_782, %shift_right_logical3A_790 : vector<16xi32>
    %mul3A_792 = arith.constant 200 : i32
    %mul3A_793 = vector.broadcast %mul3A_792 : i32 to vector<16xi32>
    %mul3A_794 = arith.muli %and3A_788, %mul3A_793 : vector<16xi32>
    %mul3A_795 = arith.constant 2 : i32
    %mul3A_796 = vector.broadcast %mul3A_795 : i32 to vector<16xi32>
    %mul3A_797 = arith.muli %mul3A_796, %shift_right_logical3A_791 : vector<16xi32>
    %add3A_798 = arith.addi %mul3A_794, %mul3A_797 : vector<16xi32>
    %add3A_799 = arith.addi %add3A_798, %and3A_785 : vector<16xi32>
    %swap3A_800 = arith.constant 32 : index
    %swap3A_801 = tpu.vector_load %arg8[%swap3A_800] {strides = array<i32>} : memref<128xi32, #tpu.memory_space<vmem>>, vector<16xi32>,
    %swap3A_802 = vector.shape_cast %swap3A_801 : vector<16xi32> to vector<16xi32>
    %swap3A_803 = vector.shape_cast %add3A_799 : vector<16xi32> to vector<16xi32>
    tpu.vector_store %arg8[%swap3A_800], %swap3A_803 {strides = array<i32>} : memref<128xi32, #tpu.memory_space<vmem>>, vector<16xi32>,
    %iota3A_804 = tpu.iota {dimensions = array<i32: 0>} : vector<16xi32>
    %add3A_805 = arith.constant 48 : i32
    %add3A_806 = arith.addi %add3A_716, %add3A_805 : i32
    %add3A_807 = vector.broadcast %add3A_806 : i32 to vector<16xi32>
    %add3A_808 = arith.addi %iota3A_804, %add3A_807 : vector<16xi32>
    %shift_right_logical3A_809 = arith.constant 1 : i32
    %shift_right_logical3A_810 = vector.broadcast %shift_right_logical3A_809 : i32 to vector<16xi32>
    %shift_right_logical3A_811 = arith.shrui %add3A_808, %shift_right_logical3A_810 : vector<16xi32>
    %and3A_812 = arith.constant 1 : i32
    %and3A_813 = vector.broadcast %and3A_812 : i32 to vector<16xi32>
    %and3A_814 = arith.andi %add3A_808, %and3A_813 : vector<16xi32>
    %and3A_815 = arith.constant 1023 : i32
    %and3A_816 = vector.broadcast %and3A_815 : i32 to vector<16xi32>
    %and3A_817 = arith.andi %shift_right_logical3A_811, %and3A_816 : vector<16xi32>
    %shift_right_logical3A_818 = arith.constant 10 : i32
    %shift_right_logical3A_819 = vector.broadcast %shift_right_logical3A_818 : i32 to vector<16xi32>
    %shift_right_logical3A_820 = arith.shrui %shift_right_logical3A_811, %shift_right_logical3A_819 : vector<16xi32>
    %mul3A_821 = arith.constant 200 : i32
    %mul3A_822 = vector.broadcast %mul3A_821 : i32 to vector<16xi32>
    %mul3A_823 = arith.muli %and3A_817, %mul3A_822 : vector<16xi32>
    %mul3A_824 = arith.constant 2 : i32
    %mul3A_825 = vector.broadcast %mul3A_824 : i32 to vector<16xi32>
    %mul3A_826 = arith.muli %mul3A_825, %shift_right_logical3A_820 : vector<16xi32>
    %add3A_827 = arith.addi %mul3A_823, %mul3A_826 : vector<16xi32>
    %add3A_828 = arith.addi %add3A_827, %and3A_814 : vector<16xi32>
    %swap3A_829 = arith.constant 48 : index
    %swap3A_830 = tpu.vector_load %arg8[%swap3A_829] {strides = array<i32>} : memref<128xi32, #tpu.memory_space<vmem>>, vector<16xi32>,
    %swap3A_831 = vector.shape_cast %swap3A_830 : vector<16xi32> to vector<16xi32>
    %swap3A_832 = vector.shape_cast %add3A_828 : vector<16xi32> to vector<16xi32>
    tpu.vector_store %arg8[%swap3A_829], %swap3A_832 {strides = array<i32>} : memref<128xi32, #tpu.memory_space<vmem>>, vector<16xi32>,
    %iota3A_833 = tpu.iota {dimensions = array<i32: 0>} : vector<16xi32>
    %add3A_834 = arith.constant 64 : i32
    %add3A_835 = arith.addi %add3A_716, %add3A_834 : i32
    %add3A_836 = vector.broadcast %add3A_835 : i32 to vector<16xi32>
    %add3A_837 = arith.addi %iota3A_833, %add3A_836 : vector<16xi32>
    %shift_right_logical3A_838 = arith.constant 1 : i32
    %shift_right_logical3A_839 = vector.broadcast %shift_right_logical3A_838 : i32 to vector<16xi32>
    %shift_right_logical3A_840 = arith.shrui %add3A_837, %shift_right_logical3A_839 : vector<16xi32>
    %and3A_841 = arith.constant 1 : i32
    %and3A_842 = vector.broadcast %and3A_841 : i32 to vector<16xi32>
    %and3A_843 = arith.andi %add3A_837, %and3A_842 : vector<16xi32>
    %and3A_844 = arith.constant 1023 : i32
    %and3A_845 = vector.broadcast %and3A_844 : i32 to vector<16xi32>
    %and3A_846 = arith.andi %shift_right_logical3A_840, %and3A_845 : vector<16xi32>
    %shift_right_logical3A_847 = arith.constant 10 : i32
    %shift_right_logical3A_848 = vector.broadcast %shift_right_logical3A_847 : i32 to vector<16xi32>
    %shift_right_logical3A_849 = arith.shrui %shift_right_logical3A_840, %shift_right_logical3A_848 : vector<16xi32>
    %mul3A_850 = arith.constant 200 : i32
    %mul3A_851 = vector.broadcast %mul3A_850 : i32 to vector<16xi32>
    %mul3A_852 = arith.muli %and3A_846, %mul3A_851 : vector<16xi32>
    %mul3A_853 = arith.constant 2 : i32
    %mul3A_854 = vector.broadcast %mul3A_853 : i32 to vector<16xi32>
    %mul3A_855 = arith.muli %mul3A_854, %shift_right_logical3A_849 : vector<16xi32>
    %add3A_856 = arith.addi %mul3A_852, %mul3A_855 : vector<16xi32>
    %add3A_857 = arith.addi %add3A_856, %and3A_843 : vector<16xi32>
    %swap3A_858 = arith.constant 64 : index
    %swap3A_859 = tpu.vector_load %arg8[%swap3A_858] {strides = array<i32>} : memref<128xi32, #tpu.memory_space<vmem>>, vector<16xi32>,
    %swap3A_860 = vector.shape_cast %swap3A_859 : vector<16xi32> to vector<16xi32>
    %swap3A_861 = vector.shape_cast %add3A_857 : vector<16xi32> to vector<16xi32>
    tpu.vector_store %arg8[%swap3A_858], %swap3A_861 {strides = array<i32>} : memref<128xi32, #tpu.memory_space<vmem>>, vector<16xi32>,
    %iota3A_862 = tpu.iota {dimensions = array<i32: 0>} : vector<16xi32>
    %add3A_863 = arith.constant 80 : i32
    %add3A_864 = arith.addi %add3A_716, %add3A_863 : i32
    %add3A_865 = vector.broadcast %add3A_864 : i32 to vector<16xi32>
    %add3A_866 = arith.addi %iota3A_862, %add3A_865 : vector<16xi32>
    %shift_right_logical3A_867 = arith.constant 1 : i32
    %shift_right_logical3A_868 = vector.broadcast %shift_right_logical3A_867 : i32 to vector<16xi32>
    %shift_right_logical3A_869 = arith.shrui %add3A_866, %shift_right_logical3A_868 : vector<16xi32>
    %and3A_870 = arith.constant 1 : i32
    %and3A_871 = vector.broadcast %and3A_870 : i32 to vector<16xi32>
    %and3A_872 = arith.andi %add3A_866, %and3A_871 : vector<16xi32>
    %and3A_873 = arith.constant 1023 : i32
    %and3A_874 = vector.broadcast %and3A_873 : i32 to vector<16xi32>
    %and3A_875 = arith.andi %shift_right_logical3A_869, %and3A_874 : vector<16xi32>
    %shift_right_logical3A_876 = arith.constant 10 : i32
    %shift_right_logical3A_877 = vector.broadcast %shift_right_logical3A_876 : i32 to vector<16xi32>
    %shift_right_logical3A_878 = arith.shrui %shift_right_logical3A_869, %shift_right_logical3A_877 : vector<16xi32>
    %mul3A_879 = arith.constant 200 : i32
    %mul3A_880 = vector.broadcast %mul3A_879 : i32 to vector<16xi32>
    %mul3A_881 = arith.muli %and3A_875, %mul3A_880 : vector<16xi32>
    %mul3A_882 = arith.constant 2 : i32
    %mul3A_883 = vector.broadcast %mul3A_882 : i32 to vector<16xi32>
    %mul3A_884 = arith.muli %mul3A_883, %shift_right_logical3A_878 : vector<16xi32>
    %add3A_885 = arith.addi %mul3A_881, %mul3A_884 : vector<16xi32>
    %add3A_886 = arith.addi %add3A_885, %and3A_872 : vector<16xi32>
    %swap3A_887 = arith.constant 80 : index
    %swap3A_888 = tpu.vector_load %arg8[%swap3A_887] {strides = array<i32>} : memref<128xi32, #tpu.memory_space<vmem>>, vector<16xi32>,
    %swap3A_889 = vector.shape_cast %swap3A_888 : vector<16xi32> to vector<16xi32>
    %swap3A_890 = vector.shape_cast %add3A_886 : vector<16xi32> to vector<16xi32>
    tpu.vector_store %arg8[%swap3A_887], %swap3A_890 {strides = array<i32>} : memref<128xi32, #tpu.memory_space<vmem>>, vector<16xi32>,
    %iota3A_891 = tpu.iota {dimensions = array<i32: 0>} : vector<16xi32>
    %add3A_892 = arith.constant 96 : i32
    %add3A_893 = arith.addi %add3A_716, %add3A_892 : i32
    %add3A_894 = vector.broadcast %add3A_893 : i32 to vector<16xi32>
    %add3A_895 = arith.addi %iota3A_891, %add3A_894 : vector<16xi32>
    %shift_right_logical3A_896 = arith.constant 1 : i32
    %shift_right_logical3A_897 = vector.broadcast %shift_right_logical3A_896 : i32 to vector<16xi32>
    %shift_right_logical3A_898 = arith.shrui %add3A_895, %shift_right_logical3A_897 : vector<16xi32>
    %and3A_899 = arith.constant 1 : i32
    %and3A_900 = vector.broadcast %and3A_899 : i32 to vector<16xi32>
    %and3A_901 = arith.andi %add3A_895, %and3A_900 : vector<16xi32>
    %and3A_902 = arith.constant 1023 : i32
    %and3A_903 = vector.broadcast %and3A_902 : i32 to vector<16xi32>
    %and3A_904 = arith.andi %shift_right_logical3A_898, %and3A_903 : vector<16xi32>
    %shift_right_logical3A_905 = arith.constant 10 : i32
    %shift_right_logical3A_906 = vector.broadcast %shift_right_logical3A_905 : i32 to vector<16xi32>
    %shift_right_logical3A_907 = arith.shrui %shift_right_logical3A_898, %shift_right_logical3A_906 : vector<16xi32>
    %mul3A_908 = arith.constant 200 : i32
    %mul3A_909 = vector.broadcast %mul3A_908 : i32 to vector<16xi32>
    %mul3A_910 = arith.muli %and3A_904, %mul3A_909 : vector<16xi32>
    %mul3A_911 = arith.constant 2 : i32
    %mul3A_912 = vector.broadcast %mul3A_911 : i32 to vector<16xi32>
    %mul3A_913 = arith.muli %mul3A_912, %shift_right_logical3A_907 : vector<16xi32>
    %add3A_914 = arith.addi %mul3A_910, %mul3A_913 : vector<16xi32>
    %add3A_915 = arith.addi %add3A_914, %and3A_901 : vector<16xi32>
    %swap3A_916 = arith.constant 96 : index
    %swap3A_917 = tpu.vector_load %arg8[%swap3A_916] {strides = array<i32>} : memref<128xi32, #tpu.memory_space<vmem>>, vector<16xi32>,
    %swap3A_918 = vector.shape_cast %swap3A_917 : vector<16xi32> to vector<16xi32>
    %swap3A_919 = vector.shape_cast %add3A_915 : vector<16xi32> to vector<16xi32>
    tpu.vector_store %arg8[%swap3A_916], %swap3A_919 {strides = array<i32>} : memref<128xi32, #tpu.memory_space<vmem>>, vector<16xi32>,
    %iota3A_920 = tpu.iota {dimensions = array<i32: 0>} : vector<16xi32>
    %add3A_921 = arith.constant 112 : i32
    %add3A_922 = arith.addi %add3A_716, %add3A_921 : i32
    %add3A_923 = vector.broadcast %add3A_922 : i32 to vector<16xi32>
    %add3A_924 = arith.addi %iota3A_920, %add3A_923 : vector<16xi32>
    %shift_right_logical3A_925 = arith.constant 1 : i32
    %shift_right_logical3A_926 = vector.broadcast %shift_right_logical3A_925 : i32 to vector<16xi32>
    %shift_right_logical3A_927 = arith.shrui %add3A_924, %shift_right_logical3A_926 : vector<16xi32>
    %and3A_928 = arith.constant 1 : i32
    %and3A_929 = vector.broadcast %and3A_928 : i32 to vector<16xi32>
    %and3A_930 = arith.andi %add3A_924, %and3A_929 : vector<16xi32>
    %and3A_931 = arith.constant 1023 : i32
    %and3A_932 = vector.broadcast %and3A_931 : i32 to vector<16xi32>
    %and3A_933 = arith.andi %shift_right_logical3A_927, %and3A_932 : vector<16xi32>
    %shift_right_logical3A_934 = arith.constant 10 : i32
    %shift_right_logical3A_935 = vector.broadcast %shift_right_logical3A_934 : i32 to vector<16xi32>
    %shift_right_logical3A_936 = arith.shrui %shift_right_logical3A_927, %shift_right_logical3A_935 : vector<16xi32>
    %mul3A_937 = arith.constant 200 : i32
    %mul3A_938 = vector.broadcast %mul3A_937 : i32 to vector<16xi32>
    %mul3A_939 = arith.muli %and3A_933, %mul3A_938 : vector<16xi32>
    %mul3A_940 = arith.constant 2 : i32
    %mul3A_941 = vector.broadcast %mul3A_940 : i32 to vector<16xi32>
    %mul3A_942 = arith.muli %mul3A_941, %shift_right_logical3A_936 : vector<16xi32>
    %add3A_943 = arith.addi %mul3A_939, %mul3A_942 : vector<16xi32>
    %add3A_944 = arith.addi %add3A_943, %and3A_930 : vector<16xi32>
    %swap3A_945 = arith.constant 112 : index
    %swap3A_946 = tpu.vector_load %arg8[%swap3A_945] {strides = array<i32>} : memref<128xi32, #tpu.memory_space<vmem>>, vector<16xi32>,
    %swap3A_947 = vector.shape_cast %swap3A_946 : vector<16xi32> to vector<16xi32>
    %swap3A_948 = vector.shape_cast %add3A_944 : vector<16xi32> to vector<16xi32>
    tpu.vector_store %arg8[%swap3A_945], %swap3A_948 {strides = array<i32>} : memref<128xi32, #tpu.memory_space<vmem>>, vector<16xi32>,
    %dma_start3A_949 = arith.constant 0 : i32
    %dma_start3A_950 = tpu.memref_slice %arg3[%dma_start3A_949] : memref<204800xi32, #tpu.memory_space<hbm>> -> memref<204800xi32, #tpu.memory_space<hbm>>
    tpu.enqueue_indirect_dma source(%dma_start3A_950 : memref<204800xi32, #tpu.memory_space<hbm>>) target(%arg12 : memref<128xi32, #tpu.memory_space<vmem>>) offsets(%arg8 : memref<128xi32, #tpu.memory_space<vmem>>) semaphore(%arg20 : memref<!tpu.dma_semaphore, #tpu.memory_space<semaphore_mem>>)
    %dma_wait3A_951 = arith.constant 0 : i32
    %dma_wait3A_952 = tpu.memref_slice %arg3[%dma_wait3A_951] : memref<204800xi32, #tpu.memory_space<hbm>> -> memref<204800xi32, #tpu.memory_space<hbm>>
    tpu.wait_indirect_dma semaphore(%arg19 : memref<!tpu.dma_semaphore, #tpu.memory_space<semaphore_mem>>) src(%dma_wait3A_952 : memref<204800xi32, #tpu.memory_space<hbm>>) dst(%arg11 : memref<128xi32, #tpu.memory_space<vmem>>)
    %dma_start3A_953 = arith.constant 0 : i32
    %dma_start3A_954 = arith.constant 0 : i32
    %dma_start3A_955 = tpu.memref_slice %arg2[%dma_start3A_953, %dma_start3A_954] : memref<100000x64xf32, #tpu.memory_space<hbm>> -> memref<100000x64xf32, #tpu.memory_space<hbm>>
    tpu.enqueue_indirect_dma source(%dma_start3A_955 : memref<100000x64xf32, #tpu.memory_space<hbm>>) target(%arg15 : memref<128x64xf32, #tpu.memory_space<vmem>>) offsets(%arg11 : memref<128xi32, #tpu.memory_space<vmem>>) semaphore(%arg23 : memref<!tpu.dma_semaphore, #tpu.memory_space<semaphore_mem>>)
    %dma_wait3A_956 = arith.constant 0 : i32
    %dma_wait3A_957 = arith.constant 0 : i32
    %dma_wait3A_958 = tpu.memref_slice %arg2[%dma_wait3A_956, %dma_wait3A_957] : memref<100000x64xf32, #tpu.memory_space<hbm>> -> memref<100000x64xf32, #tpu.memory_space<hbm>>
    tpu.wait_indirect_dma semaphore(%arg21 : memref<!tpu.dma_semaphore, #tpu.memory_space<semaphore_mem>>) src(%dma_wait3A_958 : memref<100000x64xf32, #tpu.memory_space<hbm>>) dst(%arg13 : memref<128x64xf32, #tpu.memory_space<vmem>>)
    %add3A_959 = arith.constant 0 : i32
    %add3A_960 = arith.addi %mul3A_2, %add3A_959 : i32
    %dma_start3A_961 = arith.constant 0 : i32
    %dma_start3A_962 = tpu.memref_slice %arg4[%add3A_960, %dma_start3A_961] : memref<204800x64xf32, #tpu.memory_space<hbm>> -> memref<128x64xf32, #tpu.memory_space<hbm>>
    %dma_start3A_963 = arith.constant 0 : i32
    %dma_start3A_964 = tpu.memref_slice %arg4[%add3A_960, %dma_start3A_963] : memref<204800x64xf32, #tpu.memory_space<hbm>> -> memref<128x64xf32, #tpu.memory_space<hbm>>
    tpu.enqueue_dma source(%arg13 : memref<128x64xf32, #tpu.memory_space<vmem>>) target(%dma_start3A_964 : memref<128x64xf32, #tpu.memory_space<hbm>>) target_semaphore(%arg25 : memref<!tpu.dma_semaphore, #tpu.memory_space<semaphore_mem>>)
    %add3A_965 = arith.constant 512 : i32
    %add3A_966 = arith.addi %mul3A_2, %add3A_965 : i32
    %iota3A_967 = tpu.iota {dimensions = array<i32: 0>} : vector<16xi32>
    %add3A_968 = arith.constant 0 : i32
    %add3A_969 = arith.addi %add3A_966, %add3A_968 : i32
    %add3A_970 = vector.broadcast %add3A_969 : i32 to vector<16xi32>
    %add3A_971 = arith.addi %iota3A_967, %add3A_970 : vector<16xi32>
    %shift_right_logical3A_972 = arith.constant 1 : i32
    %shift_right_logical3A_973 = vector.broadcast %shift_right_logical3A_972 : i32 to vector<16xi32>
    %shift_right_logical3A_974 = arith.shrui %add3A_971, %shift_right_logical3A_973 : vector<16xi32>
    %and3A_975 = arith.constant 1 : i32
    %and3A_976 = vector.broadcast %and3A_975 : i32 to vector<16xi32>
    %and3A_977 = arith.andi %add3A_971, %and3A_976 : vector<16xi32>
    %and3A_978 = arith.constant 1023 : i32
    %and3A_979 = vector.broadcast %and3A_978 : i32 to vector<16xi32>
    %and3A_980 = arith.andi %shift_right_logical3A_974, %and3A_979 : vector<16xi32>
    %shift_right_logical3A_981 = arith.constant 10 : i32
    %shift_right_logical3A_982 = vector.broadcast %shift_right_logical3A_981 : i32 to vector<16xi32>
    %shift_right_logical3A_983 = arith.shrui %shift_right_logical3A_974, %shift_right_logical3A_982 : vector<16xi32>
    %mul3A_984 = arith.constant 200 : i32
    %mul3A_985 = vector.broadcast %mul3A_984 : i32 to vector<16xi32>
    %mul3A_986 = arith.muli %and3A_980, %mul3A_985 : vector<16xi32>
    %mul3A_987 = arith.constant 2 : i32
    %mul3A_988 = vector.broadcast %mul3A_987 : i32 to vector<16xi32>
    %mul3A_989 = arith.muli %mul3A_988, %shift_right_logical3A_983 : vector<16xi32>
    %add3A_990 = arith.addi %mul3A_986, %mul3A_989 : vector<16xi32>
    %add3A_991 = arith.addi %add3A_990, %and3A_977 : vector<16xi32>
    %swap3A_992 = arith.constant 0 : index
    %swap3A_993 = tpu.vector_load %arg5[%swap3A_992] {strides = array<i32>} : memref<128xi32, #tpu.memory_space<vmem>>, vector<16xi32>,
    %swap3A_994 = vector.shape_cast %swap3A_993 : vector<16xi32> to vector<16xi32>
    %swap3A_995 = vector.shape_cast %add3A_991 : vector<16xi32> to vector<16xi32>
    tpu.vector_store %arg5[%swap3A_992], %swap3A_995 {strides = array<i32>} : memref<128xi32, #tpu.memory_space<vmem>>, vector<16xi32>,
    %iota3A_996 = tpu.iota {dimensions = array<i32: 0>} : vector<16xi32>
    %add3A_997 = arith.constant 16 : i32
    %add3A_998 = arith.addi %add3A_966, %add3A_997 : i32
    %add3A_999 = vector.broadcast %add3A_998 : i32 to vector<16xi32>
    %add3A_1000 = arith.addi %iota3A_996, %add3A_999 : vector<16xi32>
    %shift_right_logical3A_1001 = arith.constant 1 : i32
    %shift_right_logical3A_1002 = vector.broadcast %shift_right_logical3A_1001 : i32 to vector<16xi32>
    %shift_right_logical3A_1003 = arith.shrui %add3A_1000, %shift_right_logical3A_1002 : vector<16xi32>
    %and3A_1004 = arith.constant 1 : i32
    %and3A_1005 = vector.broadcast %and3A_1004 : i32 to vector<16xi32>
    %and3A_1006 = arith.andi %add3A_1000, %and3A_1005 : vector<16xi32>
    %and3A_1007 = arith.constant 1023 : i32
    %and3A_1008 = vector.broadcast %and3A_1007 : i32 to vector<16xi32>
    %and3A_1009 = arith.andi %shift_right_logical3A_1003, %and3A_1008 : vector<16xi32>
    %shift_right_logical3A_1010 = arith.constant 10 : i32
    %shift_right_logical3A_1011 = vector.broadcast %shift_right_logical3A_1010 : i32 to vector<16xi32>
    %shift_right_logical3A_1012 = arith.shrui %shift_right_logical3A_1003, %shift_right_logical3A_1011 : vector<16xi32>
    %mul3A_1013 = arith.constant 200 : i32
    %mul3A_1014 = vector.broadcast %mul3A_1013 : i32 to vector<16xi32>
    %mul3A_1015 = arith.muli %and3A_1009, %mul3A_1014 : vector<16xi32>
    %mul3A_1016 = arith.constant 2 : i32
    %mul3A_1017 = vector.broadcast %mul3A_1016 : i32 to vector<16xi32>
    %mul3A_1018 = arith.muli %mul3A_1017, %shift_right_logical3A_1012 : vector<16xi32>
    %add3A_1019 = arith.addi %mul3A_1015, %mul3A_1018 : vector<16xi32>
    %add3A_1020 = arith.addi %add3A_1019, %and3A_1006 : vector<16xi32>
    %swap3A_1021 = arith.constant 16 : index
    %swap3A_1022 = tpu.vector_load %arg5[%swap3A_1021] {strides = array<i32>} : memref<128xi32, #tpu.memory_space<vmem>>, vector<16xi32>,
    %swap3A_1023 = vector.shape_cast %swap3A_1022 : vector<16xi32> to vector<16xi32>
    %swap3A_1024 = vector.shape_cast %add3A_1020 : vector<16xi32> to vector<16xi32>
    tpu.vector_store %arg5[%swap3A_1021], %swap3A_1024 {strides = array<i32>} : memref<128xi32, #tpu.memory_space<vmem>>, vector<16xi32>,
    %iota3A_1025 = tpu.iota {dimensions = array<i32: 0>} : vector<16xi32>
    %add3A_1026 = arith.constant 32 : i32
    %add3A_1027 = arith.addi %add3A_966, %add3A_1026 : i32
    %add3A_1028 = vector.broadcast %add3A_1027 : i32 to vector<16xi32>
    %add3A_1029 = arith.addi %iota3A_1025, %add3A_1028 : vector<16xi32>
    %shift_right_logical3A_1030 = arith.constant 1 : i32
    %shift_right_logical3A_1031 = vector.broadcast %shift_right_logical3A_1030 : i32 to vector<16xi32>
    %shift_right_logical3A_1032 = arith.shrui %add3A_1029, %shift_right_logical3A_1031 : vector<16xi32>
    %and3A_1033 = arith.constant 1 : i32
    %and3A_1034 = vector.broadcast %and3A_1033 : i32 to vector<16xi32>
    %and3A_1035 = arith.andi %add3A_1029, %and3A_1034 : vector<16xi32>
    %and3A_1036 = arith.constant 1023 : i32
    %and3A_1037 = vector.broadcast %and3A_1036 : i32 to vector<16xi32>
    %and3A_1038 = arith.andi %shift_right_logical3A_1032, %and3A_1037 : vector<16xi32>
    %shift_right_logical3A_1039 = arith.constant 10 : i32
    %shift_right_logical3A_1040 = vector.broadcast %shift_right_logical3A_1039 : i32 to vector<16xi32>
    %shift_right_logical3A_1041 = arith.shrui %shift_right_logical3A_1032, %shift_right_logical3A_1040 : vector<16xi32>
    %mul3A_1042 = arith.constant 200 : i32
    %mul3A_1043 = vector.broadcast %mul3A_1042 : i32 to vector<16xi32>
    %mul3A_1044 = arith.muli %and3A_1038, %mul3A_1043 : vector<16xi32>
    %mul3A_1045 = arith.constant 2 : i32
    %mul3A_1046 = vector.broadcast %mul3A_1045 : i32 to vector<16xi32>
    %mul3A_1047 = arith.muli %mul3A_1046, %shift_right_logical3A_1041 : vector<16xi32>
    %add3A_1048 = arith.addi %mul3A_1044, %mul3A_1047 : vector<16xi32>
    %add3A_1049 = arith.addi %add3A_1048, %and3A_1035 : vector<16xi32>
    %swap3A_1050 = arith.constant 32 : index
    %swap3A_1051 = tpu.vector_load %arg5[%swap3A_1050] {strides = array<i32>} : memref<128xi32, #tpu.memory_space<vmem>>, vector<16xi32>,
    %swap3A_1052 = vector.shape_cast %swap3A_1051 : vector<16xi32> to vector<16xi32>
    %swap3A_1053 = vector.shape_cast %add3A_1049 : vector<16xi32> to vector<16xi32>
    tpu.vector_store %arg5[%swap3A_1050], %swap3A_1053 {strides = array<i32>} : memref<128xi32, #tpu.memory_space<vmem>>, vector<16xi32>,
    %iota3A_1054 = tpu.iota {dimensions = array<i32: 0>} : vector<16xi32>
    %add3A_1055 = arith.constant 48 : i32
    %add3A_1056 = arith.addi %add3A_966, %add3A_1055 : i32
    %add3A_1057 = vector.broadcast %add3A_1056 : i32 to vector<16xi32>
    %add3A_1058 = arith.addi %iota3A_1054, %add3A_1057 : vector<16xi32>
    %shift_right_logical3A_1059 = arith.constant 1 : i32
    %shift_right_logical3A_1060 = vector.broadcast %shift_right_logical3A_1059 : i32 to vector<16xi32>
    %shift_right_logical3A_1061 = arith.shrui %add3A_1058, %shift_right_logical3A_1060 : vector<16xi32>
    %and3A_1062 = arith.constant 1 : i32
    %and3A_1063 = vector.broadcast %and3A_1062 : i32 to vector<16xi32>
    %and3A_1064 = arith.andi %add3A_1058, %and3A_1063 : vector<16xi32>
    %and3A_1065 = arith.constant 1023 : i32
    %and3A_1066 = vector.broadcast %and3A_1065 : i32 to vector<16xi32>
    %and3A_1067 = arith.andi %shift_right_logical3A_1061, %and3A_1066 : vector<16xi32>
    %shift_right_logical3A_1068 = arith.constant 10 : i32
    %shift_right_logical3A_1069 = vector.broadcast %shift_right_logical3A_1068 : i32 to vector<16xi32>
    %shift_right_logical3A_1070 = arith.shrui %shift_right_logical3A_1061, %shift_right_logical3A_1069 : vector<16xi32>
    %mul3A_1071 = arith.constant 200 : i32
    %mul3A_1072 = vector.broadcast %mul3A_1071 : i32 to vector<16xi32>
    %mul3A_1073 = arith.muli %and3A_1067, %mul3A_1072 : vector<16xi32>
    %mul3A_1074 = arith.constant 2 : i32
    %mul3A_1075 = vector.broadcast %mul3A_1074 : i32 to vector<16xi32>
    %mul3A_1076 = arith.muli %mul3A_1075, %shift_right_logical3A_1070 : vector<16xi32>
    %add3A_1077 = arith.addi %mul3A_1073, %mul3A_1076 : vector<16xi32>
    %add3A_1078 = arith.addi %add3A_1077, %and3A_1064 : vector<16xi32>
    %swap3A_1079 = arith.constant 48 : index
    %swap3A_1080 = tpu.vector_load %arg5[%swap3A_1079] {strides = array<i32>} : memref<128xi32, #tpu.memory_space<vmem>>, vector<16xi32>,
    %swap3A_1081 = vector.shape_cast %swap3A_1080 : vector<16xi32> to vector<16xi32>
    %swap3A_1082 = vector.shape_cast %add3A_1078 : vector<16xi32> to vector<16xi32>
    tpu.vector_store %arg5[%swap3A_1079], %swap3A_1082 {strides = array<i32>} : memref<128xi32, #tpu.memory_space<vmem>>, vector<16xi32>,
    %iota3A_1083 = tpu.iota {dimensions = array<i32: 0>} : vector<16xi32>
    %add3A_1084 = arith.constant 64 : i32
    %add3A_1085 = arith.addi %add3A_966, %add3A_1084 : i32
    %add3A_1086 = vector.broadcast %add3A_1085 : i32 to vector<16xi32>
    %add3A_1087 = arith.addi %iota3A_1083, %add3A_1086 : vector<16xi32>
    %shift_right_logical3A_1088 = arith.constant 1 : i32
    %shift_right_logical3A_1089 = vector.broadcast %shift_right_logical3A_1088 : i32 to vector<16xi32>
    %shift_right_logical3A_1090 = arith.shrui %add3A_1087, %shift_right_logical3A_1089 : vector<16xi32>
    %and3A_1091 = arith.constant 1 : i32
    %and3A_1092 = vector.broadcast %and3A_1091 : i32 to vector<16xi32>
    %and3A_1093 = arith.andi %add3A_1087, %and3A_1092 : vector<16xi32>
    %and3A_1094 = arith.constant 1023 : i32
    %and3A_1095 = vector.broadcast %and3A_1094 : i32 to vector<16xi32>
    %and3A_1096 = arith.andi %shift_right_logical3A_1090, %and3A_1095 : vector<16xi32>
    %shift_right_logical3A_1097 = arith.constant 10 : i32
    %shift_right_logical3A_1098 = vector.broadcast %shift_right_logical3A_1097 : i32 to vector<16xi32>
    %shift_right_logical3A_1099 = arith.shrui %shift_right_logical3A_1090, %shift_right_logical3A_1098 : vector<16xi32>
    %mul3A_1100 = arith.constant 200 : i32
    %mul3A_1101 = vector.broadcast %mul3A_1100 : i32 to vector<16xi32>
    %mul3A_1102 = arith.muli %and3A_1096, %mul3A_1101 : vector<16xi32>
    %mul3A_1103 = arith.constant 2 : i32
    %mul3A_1104 = vector.broadcast %mul3A_1103 : i32 to vector<16xi32>
    %mul3A_1105 = arith.muli %mul3A_1104, %shift_right_logical3A_1099 : vector<16xi32>
    %add3A_1106 = arith.addi %mul3A_1102, %mul3A_1105 : vector<16xi32>
    %add3A_1107 = arith.addi %add3A_1106, %and3A_1093 : vector<16xi32>
    %swap3A_1108 = arith.constant 64 : index
    %swap3A_1109 = tpu.vector_load %arg5[%swap3A_1108] {strides = array<i32>} : memref<128xi32, #tpu.memory_space<vmem>>, vector<16xi32>,
    %swap3A_1110 = vector.shape_cast %swap3A_1109 : vector<16xi32> to vector<16xi32>
    %swap3A_1111 = vector.shape_cast %add3A_1107 : vector<16xi32> to vector<16xi32>
    tpu.vector_store %arg5[%swap3A_1108], %swap3A_1111 {strides = array<i32>} : memref<128xi32, #tpu.memory_space<vmem>>, vector<16xi32>,
    %iota3A_1112 = tpu.iota {dimensions = array<i32: 0>} : vector<16xi32>
    %add3A_1113 = arith.constant 80 : i32
    %add3A_1114 = arith.addi %add3A_966, %add3A_1113 : i32
    %add3A_1115 = vector.broadcast %add3A_1114 : i32 to vector<16xi32>
    %add3A_1116 = arith.addi %iota3A_1112, %add3A_1115 : vector<16xi32>
    %shift_right_logical3A_1117 = arith.constant 1 : i32
    %shift_right_logical3A_1118 = vector.broadcast %shift_right_logical3A_1117 : i32 to vector<16xi32>
    %shift_right_logical3A_1119 = arith.shrui %add3A_1116, %shift_right_logical3A_1118 : vector<16xi32>
    %and3A_1120 = arith.constant 1 : i32
    %and3A_1121 = vector.broadcast %and3A_1120 : i32 to vector<16xi32>
    %and3A_1122 = arith.andi %add3A_1116, %and3A_1121 : vector<16xi32>
    %and3A_1123 = arith.constant 1023 : i32
    %and3A_1124 = vector.broadcast %and3A_1123 : i32 to vector<16xi32>
    %and3A_1125 = arith.andi %shift_right_logical3A_1119, %and3A_1124 : vector<16xi32>
    %shift_right_logical3A_1126 = arith.constant 10 : i32
    %shift_right_logical3A_1127 = vector.broadcast %shift_right_logical3A_1126 : i32 to vector<16xi32>
    %shift_right_logical3A_1128 = arith.shrui %shift_right_logical3A_1119, %shift_right_logical3A_1127 : vector<16xi32>
    %mul3A_1129 = arith.constant 200 : i32
    %mul3A_1130 = vector.broadcast %mul3A_1129 : i32 to vector<16xi32>
    %mul3A_1131 = arith.muli %and3A_1125, %mul3A_1130 : vector<16xi32>
    %mul3A_1132 = arith.constant 2 : i32
    %mul3A_1133 = vector.broadcast %mul3A_1132 : i32 to vector<16xi32>
    %mul3A_1134 = arith.muli %mul3A_1133, %shift_right_logical3A_1128 : vector<16xi32>
    %add3A_1135 = arith.addi %mul3A_1131, %mul3A_1134 : vector<16xi32>
    %add3A_1136 = arith.addi %add3A_1135, %and3A_1122 : vector<16xi32>
    %swap3A_1137 = arith.constant 80 : index
    %swap3A_1138 = tpu.vector_load %arg5[%swap3A_1137] {strides = array<i32>} : memref<128xi32, #tpu.memory_space<vmem>>, vector<16xi32>,
    %swap3A_1139 = vector.shape_cast %swap3A_1138 : vector<16xi32> to vector<16xi32>
    %swap3A_1140 = vector.shape_cast %add3A_1136 : vector<16xi32> to vector<16xi32>
    tpu.vector_store %arg5[%swap3A_1137], %swap3A_1140 {strides = array<i32>} : memref<128xi32, #tpu.memory_space<vmem>>, vector<16xi32>,
    %iota3A_1141 = tpu.iota {dimensions = array<i32: 0>} : vector<16xi32>
    %add3A_1142 = arith.constant 96 : i32
    %add3A_1143 = arith.addi %add3A_966, %add3A_1142 : i32
    %add3A_1144 = vector.broadcast %add3A_1143 : i32 to vector<16xi32>
    %add3A_1145 = arith.addi %iota3A_1141, %add3A_1144 : vector<16xi32>
    %shift_right_logical3A_1146 = arith.constant 1 : i32
    %shift_right_logical3A_1147 = vector.broadcast %shift_right_logical3A_1146 : i32 to vector<16xi32>
    %shift_right_logical3A_1148 = arith.shrui %add3A_1145, %shift_right_logical3A_1147 : vector<16xi32>
    %and3A_1149 = arith.constant 1 : i32
    %and3A_1150 = vector.broadcast %and3A_1149 : i32 to vector<16xi32>
    %and3A_1151 = arith.andi %add3A_1145, %and3A_1150 : vector<16xi32>
    %and3A_1152 = arith.constant 1023 : i32
    %and3A_1153 = vector.broadcast %and3A_1152 : i32 to vector<16xi32>
    %and3A_1154 = arith.andi %shift_right_logical3A_1148, %and3A_1153 : vector<16xi32>
    %shift_right_logical3A_1155 = arith.constant 10 : i32
    %shift_right_logical3A_1156 = vector.broadcast %shift_right_logical3A_1155 : i32 to vector<16xi32>
    %shift_right_logical3A_1157 = arith.shrui %shift_right_logical3A_1148, %shift_right_logical3A_1156 : vector<16xi32>
    %mul3A_1158 = arith.constant 200 : i32
    %mul3A_1159 = vector.broadcast %mul3A_1158 : i32 to vector<16xi32>
    %mul3A_1160 = arith.muli %and3A_1154, %mul3A_1159 : vector<16xi32>
    %mul3A_1161 = arith.constant 2 : i32
    %mul3A_1162 = vector.broadcast %mul3A_1161 : i32 to vector<16xi32>
    %mul3A_1163 = arith.muli %mul3A_1162, %shift_right_logical3A_1157 : vector<16xi32>
    %add3A_1164 = arith.addi %mul3A_1160, %mul3A_1163 : vector<16xi32>
    %add3A_1165 = arith.addi %add3A_1164, %and3A_1151 : vector<16xi32>
    %swap3A_1166 = arith.constant 96 : index
    %swap3A_1167 = tpu.vector_load %arg5[%swap3A_1166] {strides = array<i32>} : memref<128xi32, #tpu.memory_space<vmem>>, vector<16xi32>,
    %swap3A_1168 = vector.shape_cast %swap3A_1167 : vector<16xi32> to vector<16xi32>
    %swap3A_1169 = vector.shape_cast %add3A_1165 : vector<16xi32> to vector<16xi32>
    tpu.vector_store %arg5[%swap3A_1166], %swap3A_1169 {strides = array<i32>} : memref<128xi32, #tpu.memory_space<vmem>>, vector<16xi32>,
    %iota3A_1170 = tpu.iota {dimensions = array<i32: 0>} : vector<16xi32>
    %add3A_1171 = arith.constant 112 : i32
    %add3A_1172 = arith.addi %add3A_966, %add3A_1171 : i32
    %add3A_1173 = vector.broadcast %add3A_1172 : i32 to vector<16xi32>
    %add3A_1174 = arith.addi %iota3A_1170, %add3A_1173 : vector<16xi32>
    %shift_right_logical3A_1175 = arith.constant 1 : i32
    %shift_right_logical3A_1176 = vector.broadcast %shift_right_logical3A_1175 : i32 to vector<16xi32>
    %shift_right_logical3A_1177 = arith.shrui %add3A_1174, %shift_right_logical3A_1176 : vector<16xi32>
    %and3A_1178 = arith.constant 1 : i32
    %and3A_1179 = vector.broadcast %and3A_1178 : i32 to vector<16xi32>
    %and3A_1180 = arith.andi %add3A_1174, %and3A_1179 : vector<16xi32>
    %and3A_1181 = arith.constant 1023 : i32
    %and3A_1182 = vector.broadcast %and3A_1181 : i32 to vector<16xi32>
    %and3A_1183 = arith.andi %shift_right_logical3A_1177, %and3A_1182 : vector<16xi32>
    %shift_right_logical3A_1184 = arith.constant 10 : i32
    %shift_right_logical3A_1185 = vector.broadcast %shift_right_logical3A_1184 : i32 to vector<16xi32>
    %shift_right_logical3A_1186 = arith.shrui %shift_right_logical3A_1177, %shift_right_logical3A_1185 : vector<16xi32>
    %mul3A_1187 = arith.constant 200 : i32
    %mul3A_1188 = vector.broadcast %mul3A_1187 : i32 to vector<16xi32>
    %mul3A_1189 = arith.muli %and3A_1183, %mul3A_1188 : vector<16xi32>
    %mul3A_1190 = arith.constant 2 : i32
    %mul3A_1191 = vector.broadcast %mul3A_1190 : i32 to vector<16xi32>
    %mul3A_1192 = arith.muli %mul3A_1191, %shift_right_logical3A_1186 : vector<16xi32>
    %add3A_1193 = arith.addi %mul3A_1189, %mul3A_1192 : vector<16xi32>
    %add3A_1194 = arith.addi %add3A_1193, %and3A_1180 : vector<16xi32>
    %swap3A_1195 = arith.constant 112 : index
    %swap3A_1196 = tpu.vector_load %arg5[%swap3A_1195] {strides = array<i32>} : memref<128xi32, #tpu.memory_space<vmem>>, vector<16xi32>,
    %swap3A_1197 = vector.shape_cast %swap3A_1196 : vector<16xi32> to vector<16xi32>
    %swap3A_1198 = vector.shape_cast %add3A_1194 : vector<16xi32> to vector<16xi32>
    tpu.vector_store %arg5[%swap3A_1195], %swap3A_1198 {strides = array<i32>} : memref<128xi32, #tpu.memory_space<vmem>>, vector<16xi32>,
    %dma_start3A_1199 = arith.constant 0 : i32
    %dma_start3A_1200 = tpu.memref_slice %arg3[%dma_start3A_1199] : memref<204800xi32, #tpu.memory_space<hbm>> -> memref<204800xi32, #tpu.memory_space<hbm>>
    tpu.enqueue_indirect_dma source(%dma_start3A_1200 : memref<204800xi32, #tpu.memory_space<hbm>>) target(%arg9 : memref<128xi32, #tpu.memory_space<vmem>>) offsets(%arg5 : memref<128xi32, #tpu.memory_space<vmem>>) semaphore(%arg17 : memref<!tpu.dma_semaphore, #tpu.memory_space<semaphore_mem>>)
    %dma_wait3A_1201 = arith.constant 0 : i32
    %dma_wait3A_1202 = tpu.memref_slice %arg3[%dma_wait3A_1201] : memref<204800xi32, #tpu.memory_space<hbm>> -> memref<204800xi32, #tpu.memory_space<hbm>>
    tpu.wait_indirect_dma semaphore(%arg20 : memref<!tpu.dma_semaphore, #tpu.memory_space<semaphore_mem>>) src(%dma_wait3A_1202 : memref<204800xi32, #tpu.memory_space<hbm>>) dst(%arg12 : memref<128xi32, #tpu.memory_space<vmem>>)
    %dma_start3A_1203 = arith.constant 0 : i32
    %dma_start3A_1204 = arith.constant 0 : i32
    %dma_start3A_1205 = tpu.memref_slice %arg2[%dma_start3A_1203, %dma_start3A_1204] : memref<100000x64xf32, #tpu.memory_space<hbm>> -> memref<100000x64xf32, #tpu.memory_space<hbm>>
    tpu.enqueue_indirect_dma source(%dma_start3A_1205 : memref<100000x64xf32, #tpu.memory_space<hbm>>) target(%arg16 : memref<128x64xf32, #tpu.memory_space<vmem>>) offsets(%arg12 : memref<128xi32, #tpu.memory_space<vmem>>) semaphore(%arg24 : memref<!tpu.dma_semaphore, #tpu.memory_space<semaphore_mem>>)
    %dma_wait3A_1206 = arith.constant 0 : i32
    %dma_wait3A_1207 = arith.constant 0 : i32
    %dma_wait3A_1208 = tpu.memref_slice %arg2[%dma_wait3A_1206, %dma_wait3A_1207] : memref<100000x64xf32, #tpu.memory_space<hbm>> -> memref<100000x64xf32, #tpu.memory_space<hbm>>
    tpu.wait_indirect_dma semaphore(%arg22 : memref<!tpu.dma_semaphore, #tpu.memory_space<semaphore_mem>>) src(%dma_wait3A_1208 : memref<100000x64xf32, #tpu.memory_space<hbm>>) dst(%arg14 : memref<128x64xf32, #tpu.memory_space<vmem>>)
    %add3A_1209 = arith.constant 128 : i32
    %add3A_1210 = arith.addi %mul3A_2, %add3A_1209 : i32
    %dma_start3A_1211 = arith.constant 0 : i32
    %dma_start3A_1212 = tpu.memref_slice %arg4[%add3A_1210, %dma_start3A_1211] : memref<204800x64xf32, #tpu.memory_space<hbm>> -> memref<128x64xf32, #tpu.memory_space<hbm>>
    %dma_start3A_1213 = arith.constant 0 : i32
    %dma_start3A_1214 = tpu.memref_slice %arg4[%add3A_1210, %dma_start3A_1213] : memref<204800x64xf32, #tpu.memory_space<hbm>> -> memref<128x64xf32, #tpu.memory_space<hbm>>
    tpu.enqueue_dma source(%arg14 : memref<128x64xf32, #tpu.memory_space<vmem>>) target(%dma_start3A_1214 : memref<128x64xf32, #tpu.memory_space<hbm>>) target_semaphore(%arg26 : memref<!tpu.dma_semaphore, #tpu.memory_space<semaphore_mem>>)
    %add3A_1215 = arith.constant 640 : i32
    %add3A_1216 = arith.addi %mul3A_2, %add3A_1215 : i32
    %iota3A_1217 = tpu.iota {dimensions = array<i32: 0>} : vector<16xi32>
    %add3A_1218 = arith.constant 0 : i32
    %add3A_1219 = arith.addi %add3A_1216, %add3A_1218 : i32
    %add3A_1220 = vector.broadcast %add3A_1219 : i32 to vector<16xi32>
    %add3A_1221 = arith.addi %iota3A_1217, %add3A_1220 : vector<16xi32>
    %shift_right_logical3A_1222 = arith.constant 1 : i32
    %shift_right_logical3A_1223 = vector.broadcast %shift_right_logical3A_1222 : i32 to vector<16xi32>
    %shift_right_logical3A_1224 = arith.shrui %add3A_1221, %shift_right_logical3A_1223 : vector<16xi32>
    %and3A_1225 = arith.constant 1 : i32
    %and3A_1226 = vector.broadcast %and3A_1225 : i32 to vector<16xi32>
    %and3A_1227 = arith.andi %add3A_1221, %and3A_1226 : vector<16xi32>
    %and3A_1228 = arith.constant 1023 : i32
    %and3A_1229 = vector.broadcast %and3A_1228 : i32 to vector<16xi32>
    %and3A_1230 = arith.andi %shift_right_logical3A_1224, %and3A_1229 : vector<16xi32>
    %shift_right_logical3A_1231 = arith.constant 10 : i32
    %shift_right_logical3A_1232 = vector.broadcast %shift_right_logical3A_1231 : i32 to vector<16xi32>
    %shift_right_logical3A_1233 = arith.shrui %shift_right_logical3A_1224, %shift_right_logical3A_1232 : vector<16xi32>
    %mul3A_1234 = arith.constant 200 : i32
    %mul3A_1235 = vector.broadcast %mul3A_1234 : i32 to vector<16xi32>
    %mul3A_1236 = arith.muli %and3A_1230, %mul3A_1235 : vector<16xi32>
    %mul3A_1237 = arith.constant 2 : i32
    %mul3A_1238 = vector.broadcast %mul3A_1237 : i32 to vector<16xi32>
    %mul3A_1239 = arith.muli %mul3A_1238, %shift_right_logical3A_1233 : vector<16xi32>
    %add3A_1240 = arith.addi %mul3A_1236, %mul3A_1239 : vector<16xi32>
    %add3A_1241 = arith.addi %add3A_1240, %and3A_1227 : vector<16xi32>
    %swap3A_1242 = arith.constant 0 : index
    %swap3A_1243 = tpu.vector_load %arg6[%swap3A_1242] {strides = array<i32>} : memref<128xi32, #tpu.memory_space<vmem>>, vector<16xi32>,
    %swap3A_1244 = vector.shape_cast %swap3A_1243 : vector<16xi32> to vector<16xi32>
    %swap3A_1245 = vector.shape_cast %add3A_1241 : vector<16xi32> to vector<16xi32>
    tpu.vector_store %arg6[%swap3A_1242], %swap3A_1245 {strides = array<i32>} : memref<128xi32, #tpu.memory_space<vmem>>, vector<16xi32>,
    %iota3A_1246 = tpu.iota {dimensions = array<i32: 0>} : vector<16xi32>
    %add3A_1247 = arith.constant 16 : i32
    %add3A_1248 = arith.addi %add3A_1216, %add3A_1247 : i32
    %add3A_1249 = vector.broadcast %add3A_1248 : i32 to vector<16xi32>
    %add3A_1250 = arith.addi %iota3A_1246, %add3A_1249 : vector<16xi32>
    %shift_right_logical3A_1251 = arith.constant 1 : i32
    %shift_right_logical3A_1252 = vector.broadcast %shift_right_logical3A_1251 : i32 to vector<16xi32>
    %shift_right_logical3A_1253 = arith.shrui %add3A_1250, %shift_right_logical3A_1252 : vector<16xi32>
    %and3A_1254 = arith.constant 1 : i32
    %and3A_1255 = vector.broadcast %and3A_1254 : i32 to vector<16xi32>
    %and3A_1256 = arith.andi %add3A_1250, %and3A_1255 : vector<16xi32>
    %and3A_1257 = arith.constant 1023 : i32
    %and3A_1258 = vector.broadcast %and3A_1257 : i32 to vector<16xi32>
    %and3A_1259 = arith.andi %shift_right_logical3A_1253, %and3A_1258 : vector<16xi32>
    %shift_right_logical3A_1260 = arith.constant 10 : i32
    %shift_right_logical3A_1261 = vector.broadcast %shift_right_logical3A_1260 : i32 to vector<16xi32>
    %shift_right_logical3A_1262 = arith.shrui %shift_right_logical3A_1253, %shift_right_logical3A_1261 : vector<16xi32>
    %mul3A_1263 = arith.constant 200 : i32
    %mul3A_1264 = vector.broadcast %mul3A_1263 : i32 to vector<16xi32>
    %mul3A_1265 = arith.muli %and3A_1259, %mul3A_1264 : vector<16xi32>
    %mul3A_1266 = arith.constant 2 : i32
    %mul3A_1267 = vector.broadcast %mul3A_1266 : i32 to vector<16xi32>
    %mul3A_1268 = arith.muli %mul3A_1267, %shift_right_logical3A_1262 : vector<16xi32>
    %add3A_1269 = arith.addi %mul3A_1265, %mul3A_1268 : vector<16xi32>
    %add3A_1270 = arith.addi %add3A_1269, %and3A_1256 : vector<16xi32>
    %swap3A_1271 = arith.constant 16 : index
    %swap3A_1272 = tpu.vector_load %arg6[%swap3A_1271] {strides = array<i32>} : memref<128xi32, #tpu.memory_space<vmem>>, vector<16xi32>,
    %swap3A_1273 = vector.shape_cast %swap3A_1272 : vector<16xi32> to vector<16xi32>
    %swap3A_1274 = vector.shape_cast %add3A_1270 : vector<16xi32> to vector<16xi32>
    tpu.vector_store %arg6[%swap3A_1271], %swap3A_1274 {strides = array<i32>} : memref<128xi32, #tpu.memory_space<vmem>>, vector<16xi32>,
    %iota3A_1275 = tpu.iota {dimensions = array<i32: 0>} : vector<16xi32>
    %add3A_1276 = arith.constant 32 : i32
    %add3A_1277 = arith.addi %add3A_1216, %add3A_1276 : i32
    %add3A_1278 = vector.broadcast %add3A_1277 : i32 to vector<16xi32>
    %add3A_1279 = arith.addi %iota3A_1275, %add3A_1278 : vector<16xi32>
    %shift_right_logical3A_1280 = arith.constant 1 : i32
    %shift_right_logical3A_1281 = vector.broadcast %shift_right_logical3A_1280 : i32 to vector<16xi32>
    %shift_right_logical3A_1282 = arith.shrui %add3A_1279, %shift_right_logical3A_1281 : vector<16xi32>
    %and3A_1283 = arith.constant 1 : i32
    %and3A_1284 = vector.broadcast %and3A_1283 : i32 to vector<16xi32>
    %and3A_1285 = arith.andi %add3A_1279, %and3A_1284 : vector<16xi32>
    %and3A_1286 = arith.constant 1023 : i32
    %and3A_1287 = vector.broadcast %and3A_1286 : i32 to vector<16xi32>
    %and3A_1288 = arith.andi %shift_right_logical3A_1282, %and3A_1287 : vector<16xi32>
    %shift_right_logical3A_1289 = arith.constant 10 : i32
    %shift_right_logical3A_1290 = vector.broadcast %shift_right_logical3A_1289 : i32 to vector<16xi32>
    %shift_right_logical3A_1291 = arith.shrui %shift_right_logical3A_1282, %shift_right_logical3A_1290 : vector<16xi32>
    %mul3A_1292 = arith.constant 200 : i32
    %mul3A_1293 = vector.broadcast %mul3A_1292 : i32 to vector<16xi32>
    %mul3A_1294 = arith.muli %and3A_1288, %mul3A_1293 : vector<16xi32>
    %mul3A_1295 = arith.constant 2 : i32
    %mul3A_1296 = vector.broadcast %mul3A_1295 : i32 to vector<16xi32>
    %mul3A_1297 = arith.muli %mul3A_1296, %shift_right_logical3A_1291 : vector<16xi32>
    %add3A_1298 = arith.addi %mul3A_1294, %mul3A_1297 : vector<16xi32>
    %add3A_1299 = arith.addi %add3A_1298, %and3A_1285 : vector<16xi32>
    %swap3A_1300 = arith.constant 32 : index
    %swap3A_1301 = tpu.vector_load %arg6[%swap3A_1300] {strides = array<i32>} : memref<128xi32, #tpu.memory_space<vmem>>, vector<16xi32>,
    %swap3A_1302 = vector.shape_cast %swap3A_1301 : vector<16xi32> to vector<16xi32>
    %swap3A_1303 = vector.shape_cast %add3A_1299 : vector<16xi32> to vector<16xi32>
    tpu.vector_store %arg6[%swap3A_1300], %swap3A_1303 {strides = array<i32>} : memref<128xi32, #tpu.memory_space<vmem>>, vector<16xi32>,
    %iota3A_1304 = tpu.iota {dimensions = array<i32: 0>} : vector<16xi32>
    %add3A_1305 = arith.constant 48 : i32
    %add3A_1306 = arith.addi %add3A_1216, %add3A_1305 : i32
    %add3A_1307 = vector.broadcast %add3A_1306 : i32 to vector<16xi32>
    %add3A_1308 = arith.addi %iota3A_1304, %add3A_1307 : vector<16xi32>
    %shift_right_logical3A_1309 = arith.constant 1 : i32
    %shift_right_logical3A_1310 = vector.broadcast %shift_right_logical3A_1309 : i32 to vector<16xi32>
    %shift_right_logical3A_1311 = arith.shrui %add3A_1308, %shift_right_logical3A_1310 : vector<16xi32>
    %and3A_1312 = arith.constant 1 : i32
    %and3A_1313 = vector.broadcast %and3A_1312 : i32 to vector<16xi32>
    %and3A_1314 = arith.andi %add3A_1308, %and3A_1313 : vector<16xi32>
    %and3A_1315 = arith.constant 1023 : i32
    %and3A_1316 = vector.broadcast %and3A_1315 : i32 to vector<16xi32>
    %and3A_1317 = arith.andi %shift_right_logical3A_1311, %and3A_1316 : vector<16xi32>
    %shift_right_logical3A_1318 = arith.constant 10 : i32
    %shift_right_logical3A_1319 = vector.broadcast %shift_right_logical3A_1318 : i32 to vector<16xi32>
    %shift_right_logical3A_1320 = arith.shrui %shift_right_logical3A_1311, %shift_right_logical3A_1319 : vector<16xi32>
    %mul3A_1321 = arith.constant 200 : i32
    %mul3A_1322 = vector.broadcast %mul3A_1321 : i32 to vector<16xi32>
    %mul3A_1323 = arith.muli %and3A_1317, %mul3A_1322 : vector<16xi32>
    %mul3A_1324 = arith.constant 2 : i32
    %mul3A_1325 = vector.broadcast %mul3A_1324 : i32 to vector<16xi32>
    %mul3A_1326 = arith.muli %mul3A_1325, %shift_right_logical3A_1320 : vector<16xi32>
    %add3A_1327 = arith.addi %mul3A_1323, %mul3A_1326 : vector<16xi32>
    %add3A_1328 = arith.addi %add3A_1327, %and3A_1314 : vector<16xi32>
    %swap3A_1329 = arith.constant 48 : index
    %swap3A_1330 = tpu.vector_load %arg6[%swap3A_1329] {strides = array<i32>} : memref<128xi32, #tpu.memory_space<vmem>>, vector<16xi32>,
    %swap3A_1331 = vector.shape_cast %swap3A_1330 : vector<16xi32> to vector<16xi32>
    %swap3A_1332 = vector.shape_cast %add3A_1328 : vector<16xi32> to vector<16xi32>
    tpu.vector_store %arg6[%swap3A_1329], %swap3A_1332 {strides = array<i32>} : memref<128xi32, #tpu.memory_space<vmem>>, vector<16xi32>,
    %iota3A_1333 = tpu.iota {dimensions = array<i32: 0>} : vector<16xi32>
    %add3A_1334 = arith.constant 64 : i32
    %add3A_1335 = arith.addi %add3A_1216, %add3A_1334 : i32
    %add3A_1336 = vector.broadcast %add3A_1335 : i32 to vector<16xi32>
    %add3A_1337 = arith.addi %iota3A_1333, %add3A_1336 : vector<16xi32>
    %shift_right_logical3A_1338 = arith.constant 1 : i32
    %shift_right_logical3A_1339 = vector.broadcast %shift_right_logical3A_1338 : i32 to vector<16xi32>
    %shift_right_logical3A_1340 = arith.shrui %add3A_1337, %shift_right_logical3A_1339 : vector<16xi32>
    %and3A_1341 = arith.constant 1 : i32
    %and3A_1342 = vector.broadcast %and3A_1341 : i32 to vector<16xi32>
    %and3A_1343 = arith.andi %add3A_1337, %and3A_1342 : vector<16xi32>
    %and3A_1344 = arith.constant 1023 : i32
    %and3A_1345 = vector.broadcast %and3A_1344 : i32 to vector<16xi32>
    %and3A_1346 = arith.andi %shift_right_logical3A_1340, %and3A_1345 : vector<16xi32>
    %shift_right_logical3A_1347 = arith.constant 10 : i32
    %shift_right_logical3A_1348 = vector.broadcast %shift_right_logical3A_1347 : i32 to vector<16xi32>
    %shift_right_logical3A_1349 = arith.shrui %shift_right_logical3A_1340, %shift_right_logical3A_1348 : vector<16xi32>
    %mul3A_1350 = arith.constant 200 : i32
    %mul3A_1351 = vector.broadcast %mul3A_1350 : i32 to vector<16xi32>
    %mul3A_1352 = arith.muli %and3A_1346, %mul3A_1351 : vector<16xi32>
    %mul3A_1353 = arith.constant 2 : i32
    %mul3A_1354 = vector.broadcast %mul3A_1353 : i32 to vector<16xi32>
    %mul3A_1355 = arith.muli %mul3A_1354, %shift_right_logical3A_1349 : vector<16xi32>
    %add3A_1356 = arith.addi %mul3A_1352, %mul3A_1355 : vector<16xi32>
    %add3A_1357 = arith.addi %add3A_1356, %and3A_1343 : vector<16xi32>
    %swap3A_1358 = arith.constant 64 : index
    %swap3A_1359 = tpu.vector_load %arg6[%swap3A_1358] {strides = array<i32>} : memref<128xi32, #tpu.memory_space<vmem>>, vector<16xi32>,
    %swap3A_1360 = vector.shape_cast %swap3A_1359 : vector<16xi32> to vector<16xi32>
    %swap3A_1361 = vector.shape_cast %add3A_1357 : vector<16xi32> to vector<16xi32>
    tpu.vector_store %arg6[%swap3A_1358], %swap3A_1361 {strides = array<i32>} : memref<128xi32, #tpu.memory_space<vmem>>, vector<16xi32>,
    %iota3A_1362 = tpu.iota {dimensions = array<i32: 0>} : vector<16xi32>
    %add3A_1363 = arith.constant 80 : i32
    %add3A_1364 = arith.addi %add3A_1216, %add3A_1363 : i32
    %add3A_1365 = vector.broadcast %add3A_1364 : i32 to vector<16xi32>
    %add3A_1366 = arith.addi %iota3A_1362, %add3A_1365 : vector<16xi32>
    %shift_right_logical3A_1367 = arith.constant 1 : i32
    %shift_right_logical3A_1368 = vector.broadcast %shift_right_logical3A_1367 : i32 to vector<16xi32>
    %shift_right_logical3A_1369 = arith.shrui %add3A_1366, %shift_right_logical3A_1368 : vector<16xi32>
    %and3A_1370 = arith.constant 1 : i32
    %and3A_1371 = vector.broadcast %and3A_1370 : i32 to vector<16xi32>
    %and3A_1372 = arith.andi %add3A_1366, %and3A_1371 : vector<16xi32>
    %and3A_1373 = arith.constant 1023 : i32
    %and3A_1374 = vector.broadcast %and3A_1373 : i32 to vector<16xi32>
    %and3A_1375 = arith.andi %shift_right_logical3A_1369, %and3A_1374 : vector<16xi32>
    %shift_right_logical3A_1376 = arith.constant 10 : i32
    %shift_right_logical3A_1377 = vector.broadcast %shift_right_logical3A_1376 : i32 to vector<16xi32>
    %shift_right_logical3A_1378 = arith.shrui %shift_right_logical3A_1369, %shift_right_logical3A_1377 : vector<16xi32>
    %mul3A_1379 = arith.constant 200 : i32
    %mul3A_1380 = vector.broadcast %mul3A_1379 : i32 to vector<16xi32>
    %mul3A_1381 = arith.muli %and3A_1375, %mul3A_1380 : vector<16xi32>
    %mul3A_1382 = arith.constant 2 : i32
    %mul3A_1383 = vector.broadcast %mul3A_1382 : i32 to vector<16xi32>
    %mul3A_1384 = arith.muli %mul3A_1383, %shift_right_logical3A_1378 : vector<16xi32>
    %add3A_1385 = arith.addi %mul3A_1381, %mul3A_1384 : vector<16xi32>
    %add3A_1386 = arith.addi %add3A_1385, %and3A_1372 : vector<16xi32>
    %swap3A_1387 = arith.constant 80 : index
    %swap3A_1388 = tpu.vector_load %arg6[%swap3A_1387] {strides = array<i32>} : memref<128xi32, #tpu.memory_space<vmem>>, vector<16xi32>,
    %swap3A_1389 = vector.shape_cast %swap3A_1388 : vector<16xi32> to vector<16xi32>
    %swap3A_1390 = vector.shape_cast %add3A_1386 : vector<16xi32> to vector<16xi32>
    tpu.vector_store %arg6[%swap3A_1387], %swap3A_1390 {strides = array<i32>} : memref<128xi32, #tpu.memory_space<vmem>>, vector<16xi32>,
    %iota3A_1391 = tpu.iota {dimensions = array<i32: 0>} : vector<16xi32>
    %add3A_1392 = arith.constant 96 : i32
    %add3A_1393 = arith.addi %add3A_1216, %add3A_1392 : i32
    %add3A_1394 = vector.broadcast %add3A_1393 : i32 to vector<16xi32>
    %add3A_1395 = arith.addi %iota3A_1391, %add3A_1394 : vector<16xi32>
    %shift_right_logical3A_1396 = arith.constant 1 : i32
    %shift_right_logical3A_1397 = vector.broadcast %shift_right_logical3A_1396 : i32 to vector<16xi32>
    %shift_right_logical3A_1398 = arith.shrui %add3A_1395, %shift_right_logical3A_1397 : vector<16xi32>
    %and3A_1399 = arith.constant 1 : i32
    %and3A_1400 = vector.broadcast %and3A_1399 : i32 to vector<16xi32>
    %and3A_1401 = arith.andi %add3A_1395, %and3A_1400 : vector<16xi32>
    %and3A_1402 = arith.constant 1023 : i32
    %and3A_1403 = vector.broadcast %and3A_1402 : i32 to vector<16xi32>
    %and3A_1404 = arith.andi %shift_right_logical3A_1398, %and3A_1403 : vector<16xi32>
    %shift_right_logical3A_1405 = arith.constant 10 : i32
    %shift_right_logical3A_1406 = vector.broadcast %shift_right_logical3A_1405 : i32 to vector<16xi32>
    %shift_right_logical3A_1407 = arith.shrui %shift_right_logical3A_1398, %shift_right_logical3A_1406 : vector<16xi32>
    %mul3A_1408 = arith.constant 200 : i32
    %mul3A_1409 = vector.broadcast %mul3A_1408 : i32 to vector<16xi32>
    %mul3A_1410 = arith.muli %and3A_1404, %mul3A_1409 : vector<16xi32>
    %mul3A_1411 = arith.constant 2 : i32
    %mul3A_1412 = vector.broadcast %mul3A_1411 : i32 to vector<16xi32>
    %mul3A_1413 = arith.muli %mul3A_1412, %shift_right_logical3A_1407 : vector<16xi32>
    %add3A_1414 = arith.addi %mul3A_1410, %mul3A_1413 : vector<16xi32>
    %add3A_1415 = arith.addi %add3A_1414, %and3A_1401 : vector<16xi32>
    %swap3A_1416 = arith.constant 96 : index
    %swap3A_1417 = tpu.vector_load %arg6[%swap3A_1416] {strides = array<i32>} : memref<128xi32, #tpu.memory_space<vmem>>, vector<16xi32>,
    %swap3A_1418 = vector.shape_cast %swap3A_1417 : vector<16xi32> to vector<16xi32>
    %swap3A_1419 = vector.shape_cast %add3A_1415 : vector<16xi32> to vector<16xi32>
    tpu.vector_store %arg6[%swap3A_1416], %swap3A_1419 {strides = array<i32>} : memref<128xi32, #tpu.memory_space<vmem>>, vector<16xi32>,
    %iota3A_1420 = tpu.iota {dimensions = array<i32: 0>} : vector<16xi32>
    %add3A_1421 = arith.constant 112 : i32
    %add3A_1422 = arith.addi %add3A_1216, %add3A_1421 : i32
    %add3A_1423 = vector.broadcast %add3A_1422 : i32 to vector<16xi32>
    %add3A_1424 = arith.addi %iota3A_1420, %add3A_1423 : vector<16xi32>
    %shift_right_logical3A_1425 = arith.constant 1 : i32
    %shift_right_logical3A_1426 = vector.broadcast %shift_right_logical3A_1425 : i32 to vector<16xi32>
    %shift_right_logical3A_1427 = arith.shrui %add3A_1424, %shift_right_logical3A_1426 : vector<16xi32>
    %and3A_1428 = arith.constant 1 : i32
    %and3A_1429 = vector.broadcast %and3A_1428 : i32 to vector<16xi32>
    %and3A_1430 = arith.andi %add3A_1424, %and3A_1429 : vector<16xi32>
    %and3A_1431 = arith.constant 1023 : i32
    %and3A_1432 = vector.broadcast %and3A_1431 : i32 to vector<16xi32>
    %and3A_1433 = arith.andi %shift_right_logical3A_1427, %and3A_1432 : vector<16xi32>
    %shift_right_logical3A_1434 = arith.constant 10 : i32
    %shift_right_logical3A_1435 = vector.broadcast %shift_right_logical3A_1434 : i32 to vector<16xi32>
    %shift_right_logical3A_1436 = arith.shrui %shift_right_logical3A_1427, %shift_right_logical3A_1435 : vector<16xi32>
    %mul3A_1437 = arith.constant 200 : i32
    %mul3A_1438 = vector.broadcast %mul3A_1437 : i32 to vector<16xi32>
    %mul3A_1439 = arith.muli %and3A_1433, %mul3A_1438 : vector<16xi32>
    %mul3A_1440 = arith.constant 2 : i32
    %mul3A_1441 = vector.broadcast %mul3A_1440 : i32 to vector<16xi32>
    %mul3A_1442 = arith.muli %mul3A_1441, %shift_right_logical3A_1436 : vector<16xi32>
    %add3A_1443 = arith.addi %mul3A_1439, %mul3A_1442 : vector<16xi32>
    %add3A_1444 = arith.addi %add3A_1443, %and3A_1430 : vector<16xi32>
    %swap3A_1445 = arith.constant 112 : index
    %swap3A_1446 = tpu.vector_load %arg6[%swap3A_1445] {strides = array<i32>} : memref<128xi32, #tpu.memory_space<vmem>>, vector<16xi32>,
    %swap3A_1447 = vector.shape_cast %swap3A_1446 : vector<16xi32> to vector<16xi32>
    %swap3A_1448 = vector.shape_cast %add3A_1444 : vector<16xi32> to vector<16xi32>
    tpu.vector_store %arg6[%swap3A_1445], %swap3A_1448 {strides = array<i32>} : memref<128xi32, #tpu.memory_space<vmem>>, vector<16xi32>,
    %dma_start3A_1449 = arith.constant 0 : i32
    %dma_start3A_1450 = tpu.memref_slice %arg3[%dma_start3A_1449] : memref<204800xi32, #tpu.memory_space<hbm>> -> memref<204800xi32, #tpu.memory_space<hbm>>
    tpu.enqueue_indirect_dma source(%dma_start3A_1450 : memref<204800xi32, #tpu.memory_space<hbm>>) target(%arg10 : memref<128xi32, #tpu.memory_space<vmem>>) offsets(%arg6 : memref<128xi32, #tpu.memory_space<vmem>>) semaphore(%arg18 : memref<!tpu.dma_semaphore, #tpu.memory_space<semaphore_mem>>)
    %scan3A = arith.constant 0 : i32
    %scan3A_1451 = arith.constant 11 : i32
    %scan3A_1452 = arith.addi %scan3A, %scan3A_1451 : i32
    %scan3A_1453 = arith.constant 1 : i32
    scf.for %scan3A_1537 = %scan3A to %scan3A_1452 step %scan3A_1453  : i32 {
      %mul3A_1538 = arith.constant 4 : i32
      %mul3A_1539 = arith.muli %scan3A_1537, %mul3A_1538 : i32
      %add3A_1540 = arith.constant 2 : i32
      %add3A_1541 = arith.addi %add3A_1540, %mul3A_1539 : i32
      %add3A_1542 = arith.constant 0 : i32
      %add3A_1543 = arith.addi %add3A_1541, %add3A_1542 : i32
      %add3A_1544 = arith.constant 2 : i32
      %add3A_1545 = arith.addi %add3A_1543, %add3A_1544 : i32
      %dma_wait3A_1546 = arith.constant 0 : i32
      %dma_wait3A_1547 = tpu.memref_slice %arg3[%dma_wait3A_1546] : memref<204800xi32, #tpu.memory_space<hbm>> -> memref<204800xi32, #tpu.memory_space<hbm>>
      tpu.wait_indirect_dma semaphore(%arg17 : memref<!tpu.dma_semaphore, #tpu.memory_space<semaphore_mem>>) src(%dma_wait3A_1547 : memref<204800xi32, #tpu.memory_space<hbm>>) dst(%arg9 : memref<128xi32, #tpu.memory_space<vmem>>)
      %sub3A = arith.constant 4 : i32
      %sub3A_1548 = arith.subi %add3A_1545, %sub3A : i32
      %mul3A_1549 = arith.constant 128 : i32
      %mul3A_1550 = arith.muli %sub3A_1548, %mul3A_1549 : i32
      %add3A_1551 = arith.addi %mul3A_2, %mul3A_1550 : i32
      %dma_wait3A_1552 = arith.constant 0 : i32
      %dma_wait3A_1553 = tpu.memref_slice %arg4[%add3A_1551, %dma_wait3A_1552] : memref<204800x64xf32, #tpu.memory_space<hbm>> -> memref<128x64xf32, #tpu.memory_space<hbm>>
      %dma_wait3A_1554 = arith.constant 0 : i32
      %dma_wait3A_1555 = tpu.memref_slice %arg4[%add3A_1551, %dma_wait3A_1554] : memref<204800x64xf32, #tpu.memory_space<hbm>> -> memref<128x64xf32, #tpu.memory_space<hbm>>
      tpu.wait_dma2 semaphore(%arg25 : memref<!tpu.dma_semaphore, #tpu.memory_space<semaphore_mem>>) src(%arg13 : memref<128x64xf32, #tpu.memory_space<vmem>>) dst(%dma_wait3A_1555 : memref<128x64xf32, #tpu.memory_space<hbm>>)
      %dma_start3A_1556 = arith.constant 0 : i32
      %dma_start3A_1557 = arith.constant 0 : i32
      %dma_start3A_1558 = tpu.memref_slice %arg2[%dma_start3A_1556, %dma_start3A_1557] : memref<100000x64xf32, #tpu.memory_space<hbm>> -> memref<100000x64xf32, #tpu.memory_space<hbm>>
      tpu.enqueue_indirect_dma source(%dma_start3A_1558 : memref<100000x64xf32, #tpu.memory_space<hbm>>) target(%arg13 : memref<128x64xf32, #tpu.memory_space<vmem>>) offsets(%arg9 : memref<128xi32, #tpu.memory_space<vmem>>) semaphore(%arg21 : memref<!tpu.dma_semaphore, #tpu.memory_space<semaphore_mem>>)
      %dma_wait3A_1559 = arith.constant 0 : i32
      %dma_wait3A_1560 = arith.constant 0 : i32
      %dma_wait3A_1561 = tpu.memref_slice %arg2[%dma_wait3A_1559, %dma_wait3A_1560] : memref<100000x64xf32, #tpu.memory_space<hbm>> -> memref<100000x64xf32, #tpu.memory_space<hbm>>
      tpu.wait_indirect_dma semaphore(%arg23 : memref<!tpu.dma_semaphore, #tpu.memory_space<semaphore_mem>>) src(%dma_wait3A_1561 : memref<100000x64xf32, #tpu.memory_space<hbm>>) dst(%arg15 : memref<128x64xf32, #tpu.memory_space<vmem>>)
      %mul3A_1562 = arith.constant 128 : i32
      %mul3A_1563 = arith.muli %add3A_1543, %mul3A_1562 : i32
      %add3A_1564 = arith.addi %mul3A_2, %mul3A_1563 : i32
      %dma_start3A_1565 = arith.constant 0 : i32
      %dma_start3A_1566 = tpu.memref_slice %arg4[%add3A_1564, %dma_start3A_1565] : memref<204800x64xf32, #tpu.memory_space<hbm>> -> memref<128x64xf32, #tpu.memory_space<hbm>>
      %dma_start3A_1567 = arith.constant 0 : i32
      %dma_start3A_1568 = tpu.memref_slice %arg4[%add3A_1564, %dma_start3A_1567] : memref<204800x64xf32, #tpu.memory_space<hbm>> -> memref<128x64xf32, #tpu.memory_space<hbm>>
      tpu.enqueue_dma source(%arg15 : memref<128x64xf32, #tpu.memory_space<vmem>>) target(%dma_start3A_1568 : memref<128x64xf32, #tpu.memory_space<hbm>>) target_semaphore(%arg27 : memref<!tpu.dma_semaphore, #tpu.memory_space<semaphore_mem>>)
      %add3A_1569 = arith.constant 4 : i32
      %add3A_1570 = arith.addi %add3A_1543, %add3A_1569 : i32
      %mul3A_1571 = arith.constant 128 : i32
      %mul3A_1572 = arith.muli %add3A_1570, %mul3A_1571 : i32
      %add3A_1573 = arith.addi %mul3A_2, %mul3A_1572 : i32
      %iota3A_1574 = tpu.iota {dimensions = array<i32: 0>} : vector<16xi32>
      %add3A_1575 = arith.constant 0 : i32
      %add3A_1576 = arith.addi %add3A_1573, %add3A_1575 : i32
      %add3A_1577 = vector.broadcast %add3A_1576 : i32 to vector<16xi32>
      %add3A_1578 = arith.addi %iota3A_1574, %add3A_1577 : vector<16xi32>
      %shift_right_logical3A_1579 = arith.constant 1 : i32
      %shift_right_logical3A_1580 = vector.broadcast %shift_right_logical3A_1579 : i32 to vector<16xi32>
      %shift_right_logical3A_1581 = arith.shrui %add3A_1578, %shift_right_logical3A_1580 : vector<16xi32>
      %and3A_1582 = arith.constant 1 : i32
      %and3A_1583 = vector.broadcast %and3A_1582 : i32 to vector<16xi32>
      %and3A_1584 = arith.andi %add3A_1578, %and3A_1583 : vector<16xi32>
      %and3A_1585 = arith.constant 1023 : i32
      %and3A_1586 = vector.broadcast %and3A_1585 : i32 to vector<16xi32>
      %and3A_1587 = arith.andi %shift_right_logical3A_1581, %and3A_1586 : vector<16xi32>
      %shift_right_logical3A_1588 = arith.constant 10 : i32
      %shift_right_logical3A_1589 = vector.broadcast %shift_right_logical3A_1588 : i32 to vector<16xi32>
      %shift_right_logical3A_1590 = arith.shrui %shift_right_logical3A_1581, %shift_right_logical3A_1589 : vector<16xi32>
      %mul3A_1591 = arith.constant 200 : i32
      %mul3A_1592 = vector.broadcast %mul3A_1591 : i32 to vector<16xi32>
      %mul3A_1593 = arith.muli %and3A_1587, %mul3A_1592 : vector<16xi32>
      %mul3A_1594 = arith.constant 2 : i32
      %mul3A_1595 = vector.broadcast %mul3A_1594 : i32 to vector<16xi32>
      %mul3A_1596 = arith.muli %mul3A_1595, %shift_right_logical3A_1590 : vector<16xi32>
      %add3A_1597 = arith.addi %mul3A_1593, %mul3A_1596 : vector<16xi32>
      %add3A_1598 = arith.addi %add3A_1597, %and3A_1584 : vector<16xi32>
      %swap3A_1599 = arith.constant 0 : index
      %swap3A_1600 = tpu.vector_load %arg7[%swap3A_1599] {strides = array<i32>} : memref<128xi32, #tpu.memory_space<vmem>>, vector<16xi32>,
      %swap3A_1601 = vector.shape_cast %swap3A_1600 : vector<16xi32> to vector<16xi32>
      %swap3A_1602 = vector.shape_cast %add3A_1598 : vector<16xi32> to vector<16xi32>
      tpu.vector_store %arg7[%swap3A_1599], %swap3A_1602 {strides = array<i32>} : memref<128xi32, #tpu.memory_space<vmem>>, vector<16xi32>,
      %iota3A_1603 = tpu.iota {dimensions = array<i32: 0>} : vector<16xi32>
      %add3A_1604 = arith.constant 16 : i32
      %add3A_1605 = arith.addi %add3A_1573, %add3A_1604 : i32
      %add3A_1606 = vector.broadcast %add3A_1605 : i32 to vector<16xi32>
      %add3A_1607 = arith.addi %iota3A_1603, %add3A_1606 : vector<16xi32>
      %shift_right_logical3A_1608 = arith.constant 1 : i32
      %shift_right_logical3A_1609 = vector.broadcast %shift_right_logical3A_1608 : i32 to vector<16xi32>
      %shift_right_logical3A_1610 = arith.shrui %add3A_1607, %shift_right_logical3A_1609 : vector<16xi32>
      %and3A_1611 = arith.constant 1 : i32
      %and3A_1612 = vector.broadcast %and3A_1611 : i32 to vector<16xi32>
      %and3A_1613 = arith.andi %add3A_1607, %and3A_1612 : vector<16xi32>
      %and3A_1614 = arith.constant 1023 : i32
      %and3A_1615 = vector.broadcast %and3A_1614 : i32 to vector<16xi32>
      %and3A_1616 = arith.andi %shift_right_logical3A_1610, %and3A_1615 : vector<16xi32>
      %shift_right_logical3A_1617 = arith.constant 10 : i32
      %shift_right_logical3A_1618 = vector.broadcast %shift_right_logical3A_1617 : i32 to vector<16xi32>
      %shift_right_logical3A_1619 = arith.shrui %shift_right_logical3A_1610, %shift_right_logical3A_1618 : vector<16xi32>
      %mul3A_1620 = arith.constant 200 : i32
      %mul3A_1621 = vector.broadcast %mul3A_1620 : i32 to vector<16xi32>
      %mul3A_1622 = arith.muli %and3A_1616, %mul3A_1621 : vector<16xi32>
      %mul3A_1623 = arith.constant 2 : i32
      %mul3A_1624 = vector.broadcast %mul3A_1623 : i32 to vector<16xi32>
      %mul3A_1625 = arith.muli %mul3A_1624, %shift_right_logical3A_1619 : vector<16xi32>
      %add3A_1626 = arith.addi %mul3A_1622, %mul3A_1625 : vector<16xi32>
      %add3A_1627 = arith.addi %add3A_1626, %and3A_1613 : vector<16xi32>
      %swap3A_1628 = arith.constant 16 : index
      %swap3A_1629 = tpu.vector_load %arg7[%swap3A_1628] {strides = array<i32>} : memref<128xi32, #tpu.memory_space<vmem>>, vector<16xi32>,
      %swap3A_1630 = vector.shape_cast %swap3A_1629 : vector<16xi32> to vector<16xi32>
      %swap3A_1631 = vector.shape_cast %add3A_1627 : vector<16xi32> to vector<16xi32>
      tpu.vector_store %arg7[%swap3A_1628], %swap3A_1631 {strides = array<i32>} : memref<128xi32, #tpu.memory_space<vmem>>, vector<16xi32>,
      %iota3A_1632 = tpu.iota {dimensions = array<i32: 0>} : vector<16xi32>
      %add3A_1633 = arith.constant 32 : i32
      %add3A_1634 = arith.addi %add3A_1573, %add3A_1633 : i32
      %add3A_1635 = vector.broadcast %add3A_1634 : i32 to vector<16xi32>
      %add3A_1636 = arith.addi %iota3A_1632, %add3A_1635 : vector<16xi32>
      %shift_right_logical3A_1637 = arith.constant 1 : i32
      %shift_right_logical3A_1638 = vector.broadcast %shift_right_logical3A_1637 : i32 to vector<16xi32>
      %shift_right_logical3A_1639 = arith.shrui %add3A_1636, %shift_right_logical3A_1638 : vector<16xi32>
      %and3A_1640 = arith.constant 1 : i32
      %and3A_1641 = vector.broadcast %and3A_1640 : i32 to vector<16xi32>
      %and3A_1642 = arith.andi %add3A_1636, %and3A_1641 : vector<16xi32>
      %and3A_1643 = arith.constant 1023 : i32
      %and3A_1644 = vector.broadcast %and3A_1643 : i32 to vector<16xi32>
      %and3A_1645 = arith.andi %shift_right_logical3A_1639, %and3A_1644 : vector<16xi32>
      %shift_right_logical3A_1646 = arith.constant 10 : i32
      %shift_right_logical3A_1647 = vector.broadcast %shift_right_logical3A_1646 : i32 to vector<16xi32>
      %shift_right_logical3A_1648 = arith.shrui %shift_right_logical3A_1639, %shift_right_logical3A_1647 : vector<16xi32>
      %mul3A_1649 = arith.constant 200 : i32
      %mul3A_1650 = vector.broadcast %mul3A_1649 : i32 to vector<16xi32>
      %mul3A_1651 = arith.muli %and3A_1645, %mul3A_1650 : vector<16xi32>
      %mul3A_1652 = arith.constant 2 : i32
      %mul3A_1653 = vector.broadcast %mul3A_1652 : i32 to vector<16xi32>
      %mul3A_1654 = arith.muli %mul3A_1653, %shift_right_logical3A_1648 : vector<16xi32>
      %add3A_1655 = arith.addi %mul3A_1651, %mul3A_1654 : vector<16xi32>
      %add3A_1656 = arith.addi %add3A_1655, %and3A_1642 : vector<16xi32>
      %swap3A_1657 = arith.constant 32 : index
      %swap3A_1658 = tpu.vector_load %arg7[%swap3A_1657] {strides = array<i32>} : memref<128xi32, #tpu.memory_space<vmem>>, vector<16xi32>,
      %swap3A_1659 = vector.shape_cast %swap3A_1658 : vector<16xi32> to vector<16xi32>
      %swap3A_1660 = vector.shape_cast %add3A_1656 : vector<16xi32> to vector<16xi32>
      tpu.vector_store %arg7[%swap3A_1657], %swap3A_1660 {strides = array<i32>} : memref<128xi32, #tpu.memory_space<vmem>>, vector<16xi32>,
      %iota3A_1661 = tpu.iota {dimensions = array<i32: 0>} : vector<16xi32>
      %add3A_1662 = arith.constant 48 : i32
      %add3A_1663 = arith.addi %add3A_1573, %add3A_1662 : i32
      %add3A_1664 = vector.broadcast %add3A_1663 : i32 to vector<16xi32>
      %add3A_1665 = arith.addi %iota3A_1661, %add3A_1664 : vector<16xi32>
      %shift_right_logical3A_1666 = arith.constant 1 : i32
      %shift_right_logical3A_1667 = vector.broadcast %shift_right_logical3A_1666 : i32 to vector<16xi32>
      %shift_right_logical3A_1668 = arith.shrui %add3A_1665, %shift_right_logical3A_1667 : vector<16xi32>
      %and3A_1669 = arith.constant 1 : i32
      %and3A_1670 = vector.broadcast %and3A_1669 : i32 to vector<16xi32>
      %and3A_1671 = arith.andi %add3A_1665, %and3A_1670 : vector<16xi32>
      %and3A_1672 = arith.constant 1023 : i32
      %and3A_1673 = vector.broadcast %and3A_1672 : i32 to vector<16xi32>
      %and3A_1674 = arith.andi %shift_right_logical3A_1668, %and3A_1673 : vector<16xi32>
      %shift_right_logical3A_1675 = arith.constant 10 : i32
      %shift_right_logical3A_1676 = vector.broadcast %shift_right_logical3A_1675 : i32 to vector<16xi32>
      %shift_right_logical3A_1677 = arith.shrui %shift_right_logical3A_1668, %shift_right_logical3A_1676 : vector<16xi32>
      %mul3A_1678 = arith.constant 200 : i32
      %mul3A_1679 = vector.broadcast %mul3A_1678 : i32 to vector<16xi32>
      %mul3A_1680 = arith.muli %and3A_1674, %mul3A_1679 : vector<16xi32>
      %mul3A_1681 = arith.constant 2 : i32
      %mul3A_1682 = vector.broadcast %mul3A_1681 : i32 to vector<16xi32>
      %mul3A_1683 = arith.muli %mul3A_1682, %shift_right_logical3A_1677 : vector<16xi32>
      %add3A_1684 = arith.addi %mul3A_1680, %mul3A_1683 : vector<16xi32>
      %add3A_1685 = arith.addi %add3A_1684, %and3A_1671 : vector<16xi32>
      %swap3A_1686 = arith.constant 48 : index
      %swap3A_1687 = tpu.vector_load %arg7[%swap3A_1686] {strides = array<i32>} : memref<128xi32, #tpu.memory_space<vmem>>, vector<16xi32>,
      %swap3A_1688 = vector.shape_cast %swap3A_1687 : vector<16xi32> to vector<16xi32>
      %swap3A_1689 = vector.shape_cast %add3A_1685 : vector<16xi32> to vector<16xi32>
      tpu.vector_store %arg7[%swap3A_1686], %swap3A_1689 {strides = array<i32>} : memref<128xi32, #tpu.memory_space<vmem>>, vector<16xi32>,
      %iota3A_1690 = tpu.iota {dimensions = array<i32: 0>} : vector<16xi32>
      %add3A_1691 = arith.constant 64 : i32
      %add3A_1692 = arith.addi %add3A_1573, %add3A_1691 : i32
      %add3A_1693 = vector.broadcast %add3A_1692 : i32 to vector<16xi32>
      %add3A_1694 = arith.addi %iota3A_1690, %add3A_1693 : vector<16xi32>
      %shift_right_logical3A_1695 = arith.constant 1 : i32
      %shift_right_logical3A_1696 = vector.broadcast %shift_right_logical3A_1695 : i32 to vector<16xi32>
      %shift_right_logical3A_1697 = arith.shrui %add3A_1694, %shift_right_logical3A_1696 : vector<16xi32>
      %and3A_1698 = arith.constant 1 : i32
      %and3A_1699 = vector.broadcast %and3A_1698 : i32 to vector<16xi32>
      %and3A_1700 = arith.andi %add3A_1694, %and3A_1699 : vector<16xi32>
      %and3A_1701 = arith.constant 1023 : i32
      %and3A_1702 = vector.broadcast %and3A_1701 : i32 to vector<16xi32>
      %and3A_1703 = arith.andi %shift_right_logical3A_1697, %and3A_1702 : vector<16xi32>
      %shift_right_logical3A_1704 = arith.constant 10 : i32
      %shift_right_logical3A_1705 = vector.broadcast %shift_right_logical3A_1704 : i32 to vector<16xi32>
      %shift_right_logical3A_1706 = arith.shrui %shift_right_logical3A_1697, %shift_right_logical3A_1705 : vector<16xi32>
      %mul3A_1707 = arith.constant 200 : i32
      %mul3A_1708 = vector.broadcast %mul3A_1707 : i32 to vector<16xi32>
      %mul3A_1709 = arith.muli %and3A_1703, %mul3A_1708 : vector<16xi32>
      %mul3A_1710 = arith.constant 2 : i32
      %mul3A_1711 = vector.broadcast %mul3A_1710 : i32 to vector<16xi32>
      %mul3A_1712 = arith.muli %mul3A_1711, %shift_right_logical3A_1706 : vector<16xi32>
      %add3A_1713 = arith.addi %mul3A_1709, %mul3A_1712 : vector<16xi32>
      %add3A_1714 = arith.addi %add3A_1713, %and3A_1700 : vector<16xi32>
      %swap3A_1715 = arith.constant 64 : index
      %swap3A_1716 = tpu.vector_load %arg7[%swap3A_1715] {strides = array<i32>} : memref<128xi32, #tpu.memory_space<vmem>>, vector<16xi32>,
      %swap3A_1717 = vector.shape_cast %swap3A_1716 : vector<16xi32> to vector<16xi32>
      %swap3A_1718 = vector.shape_cast %add3A_1714 : vector<16xi32> to vector<16xi32>
      tpu.vector_store %arg7[%swap3A_1715], %swap3A_1718 {strides = array<i32>} : memref<128xi32, #tpu.memory_space<vmem>>, vector<16xi32>,
      %iota3A_1719 = tpu.iota {dimensions = array<i32: 0>} : vector<16xi32>
      %add3A_1720 = arith.constant 80 : i32
      %add3A_1721 = arith.addi %add3A_1573, %add3A_1720 : i32
      %add3A_1722 = vector.broadcast %add3A_1721 : i32 to vector<16xi32>
      %add3A_1723 = arith.addi %iota3A_1719, %add3A_1722 : vector<16xi32>
      %shift_right_logical3A_1724 = arith.constant 1 : i32
      %shift_right_logical3A_1725 = vector.broadcast %shift_right_logical3A_1724 : i32 to vector<16xi32>
      %shift_right_logical3A_1726 = arith.shrui %add3A_1723, %shift_right_logical3A_1725 : vector<16xi32>
      %and3A_1727 = arith.constant 1 : i32
      %and3A_1728 = vector.broadcast %and3A_1727 : i32 to vector<16xi32>
      %and3A_1729 = arith.andi %add3A_1723, %and3A_1728 : vector<16xi32>
      %and3A_1730 = arith.constant 1023 : i32
      %and3A_1731 = vector.broadcast %and3A_1730 : i32 to vector<16xi32>
      %and3A_1732 = arith.andi %shift_right_logical3A_1726, %and3A_1731 : vector<16xi32>
      %shift_right_logical3A_1733 = arith.constant 10 : i32
      %shift_right_logical3A_1734 = vector.broadcast %shift_right_logical3A_1733 : i32 to vector<16xi32>
      %shift_right_logical3A_1735 = arith.shrui %shift_right_logical3A_1726, %shift_right_logical3A_1734 : vector<16xi32>
      %mul3A_1736 = arith.constant 200 : i32
      %mul3A_1737 = vector.broadcast %mul3A_1736 : i32 to vector<16xi32>
      %mul3A_1738 = arith.muli %and3A_1732, %mul3A_1737 : vector<16xi32>
      %mul3A_1739 = arith.constant 2 : i32
      %mul3A_1740 = vector.broadcast %mul3A_1739 : i32 to vector<16xi32>
      %mul3A_1741 = arith.muli %mul3A_1740, %shift_right_logical3A_1735 : vector<16xi32>
      %add3A_1742 = arith.addi %mul3A_1738, %mul3A_1741 : vector<16xi32>
      %add3A_1743 = arith.addi %add3A_1742, %and3A_1729 : vector<16xi32>
      %swap3A_1744 = arith.constant 80 : index
      %swap3A_1745 = tpu.vector_load %arg7[%swap3A_1744] {strides = array<i32>} : memref<128xi32, #tpu.memory_space<vmem>>, vector<16xi32>,
      %swap3A_1746 = vector.shape_cast %swap3A_1745 : vector<16xi32> to vector<16xi32>
      %swap3A_1747 = vector.shape_cast %add3A_1743 : vector<16xi32> to vector<16xi32>
      tpu.vector_store %arg7[%swap3A_1744], %swap3A_1747 {strides = array<i32>} : memref<128xi32, #tpu.memory_space<vmem>>, vector<16xi32>,
      %iota3A_1748 = tpu.iota {dimensions = array<i32: 0>} : vector<16xi32>
      %add3A_1749 = arith.constant 96 : i32
      %add3A_1750 = arith.addi %add3A_1573, %add3A_1749 : i32
      %add3A_1751 = vector.broadcast %add3A_1750 : i32 to vector<16xi32>
      %add3A_1752 = arith.addi %iota3A_1748, %add3A_1751 : vector<16xi32>
      %shift_right_logical3A_1753 = arith.constant 1 : i32
      %shift_right_logical3A_1754 = vector.broadcast %shift_right_logical3A_1753 : i32 to vector<16xi32>
      %shift_right_logical3A_1755 = arith.shrui %add3A_1752, %shift_right_logical3A_1754 : vector<16xi32>
      %and3A_1756 = arith.constant 1 : i32
      %and3A_1757 = vector.broadcast %and3A_1756 : i32 to vector<16xi32>
      %and3A_1758 = arith.andi %add3A_1752, %and3A_1757 : vector<16xi32>
      %and3A_1759 = arith.constant 1023 : i32
      %and3A_1760 = vector.broadcast %and3A_1759 : i32 to vector<16xi32>
      %and3A_1761 = arith.andi %shift_right_logical3A_1755, %and3A_1760 : vector<16xi32>
      %shift_right_logical3A_1762 = arith.constant 10 : i32
      %shift_right_logical3A_1763 = vector.broadcast %shift_right_logical3A_1762 : i32 to vector<16xi32>
      %shift_right_logical3A_1764 = arith.shrui %shift_right_logical3A_1755, %shift_right_logical3A_1763 : vector<16xi32>
      %mul3A_1765 = arith.constant 200 : i32
      %mul3A_1766 = vector.broadcast %mul3A_1765 : i32 to vector<16xi32>
      %mul3A_1767 = arith.muli %and3A_1761, %mul3A_1766 : vector<16xi32>
      %mul3A_1768 = arith.constant 2 : i32
      %mul3A_1769 = vector.broadcast %mul3A_1768 : i32 to vector<16xi32>
      %mul3A_1770 = arith.muli %mul3A_1769, %shift_right_logical3A_1764 : vector<16xi32>
      %add3A_1771 = arith.addi %mul3A_1767, %mul3A_1770 : vector<16xi32>
      %add3A_1772 = arith.addi %add3A_1771, %and3A_1758 : vector<16xi32>
      %swap3A_1773 = arith.constant 96 : index
      %swap3A_1774 = tpu.vector_load %arg7[%swap3A_1773] {strides = array<i32>} : memref<128xi32, #tpu.memory_space<vmem>>, vector<16xi32>,
      %swap3A_1775 = vector.shape_cast %swap3A_1774 : vector<16xi32> to vector<16xi32>
      %swap3A_1776 = vector.shape_cast %add3A_1772 : vector<16xi32> to vector<16xi32>
      tpu.vector_store %arg7[%swap3A_1773], %swap3A_1776 {strides = array<i32>} : memref<128xi32, #tpu.memory_space<vmem>>, vector<16xi32>,
      %iota3A_1777 = tpu.iota {dimensions = array<i32: 0>} : vector<16xi32>
      %add3A_1778 = arith.constant 112 : i32
      %add3A_1779 = arith.addi %add3A_1573, %add3A_1778 : i32
      %add3A_1780 = vector.broadcast %add3A_1779 : i32 to vector<16xi32>
      %add3A_1781 = arith.addi %iota3A_1777, %add3A_1780 : vector<16xi32>
      %shift_right_logical3A_1782 = arith.constant 1 : i32
      %shift_right_logical3A_1783 = vector.broadcast %shift_right_logical3A_1782 : i32 to vector<16xi32>
      %shift_right_logical3A_1784 = arith.shrui %add3A_1781, %shift_right_logical3A_1783 : vector<16xi32>
      %and3A_1785 = arith.constant 1 : i32
      %and3A_1786 = vector.broadcast %and3A_1785 : i32 to vector<16xi32>
      %and3A_1787 = arith.andi %add3A_1781, %and3A_1786 : vector<16xi32>
      %and3A_1788 = arith.constant 1023 : i32
      %and3A_1789 = vector.broadcast %and3A_1788 : i32 to vector<16xi32>
      %and3A_1790 = arith.andi %shift_right_logical3A_1784, %and3A_1789 : vector<16xi32>
      %shift_right_logical3A_1791 = arith.constant 10 : i32
      %shift_right_logical3A_1792 = vector.broadcast %shift_right_logical3A_1791 : i32 to vector<16xi32>
      %shift_right_logical3A_1793 = arith.shrui %shift_right_logical3A_1784, %shift_right_logical3A_1792 : vector<16xi32>
      %mul3A_1794 = arith.constant 200 : i32
      %mul3A_1795 = vector.broadcast %mul3A_1794 : i32 to vector<16xi32>
      %mul3A_1796 = arith.muli %and3A_1790, %mul3A_1795 : vector<16xi32>
      %mul3A_1797 = arith.constant 2 : i32
      %mul3A_1798 = vector.broadcast %mul3A_1797 : i32 to vector<16xi32>
      %mul3A_1799 = arith.muli %mul3A_1798, %shift_right_logical3A_1793 : vector<16xi32>
      %add3A_1800 = arith.addi %mul3A_1796, %mul3A_1799 : vector<16xi32>
      %add3A_1801 = arith.addi %add3A_1800, %and3A_1787 : vector<16xi32>
      %swap3A_1802 = arith.constant 112 : index
      %swap3A_1803 = tpu.vector_load %arg7[%swap3A_1802] {strides = array<i32>} : memref<128xi32, #tpu.memory_space<vmem>>, vector<16xi32>,
      %swap3A_1804 = vector.shape_cast %swap3A_1803 : vector<16xi32> to vector<16xi32>
      %swap3A_1805 = vector.shape_cast %add3A_1801 : vector<16xi32> to vector<16xi32>
      tpu.vector_store %arg7[%swap3A_1802], %swap3A_1805 {strides = array<i32>} : memref<128xi32, #tpu.memory_space<vmem>>, vector<16xi32>,
      %dma_start3A_1806 = arith.constant 0 : i32
      %dma_start3A_1807 = tpu.memref_slice %arg3[%dma_start3A_1806] : memref<204800xi32, #tpu.memory_space<hbm>> -> memref<204800xi32, #tpu.memory_space<hbm>>
      tpu.enqueue_indirect_dma source(%dma_start3A_1807 : memref<204800xi32, #tpu.memory_space<hbm>>) target(%arg11 : memref<128xi32, #tpu.memory_space<vmem>>) offsets(%arg7 : memref<128xi32, #tpu.memory_space<vmem>>) semaphore(%arg19 : memref<!tpu.dma_semaphore, #tpu.memory_space<semaphore_mem>>)
      %add3A_1808 = arith.constant 1 : i32
      %add3A_1809 = arith.addi %add3A_1541, %add3A_1808 : i32
      %add3A_1810 = arith.constant 2 : i32
      %add3A_1811 = arith.addi %add3A_1809, %add3A_1810 : i32
      %dma_wait3A_1812 = arith.constant 0 : i32
      %dma_wait3A_1813 = tpu.memref_slice %arg3[%dma_wait3A_1812] : memref<204800xi32, #tpu.memory_space<hbm>> -> memref<204800xi32, #tpu.memory_space<hbm>>
      tpu.wait_indirect_dma semaphore(%arg18 : memref<!tpu.dma_semaphore, #tpu.memory_space<semaphore_mem>>) src(%dma_wait3A_1813 : memref<204800xi32, #tpu.memory_space<hbm>>) dst(%arg10 : memref<128xi32, #tpu.memory_space<vmem>>)
      %sub3A_1814 = arith.constant 4 : i32
      %sub3A_1815 = arith.subi %add3A_1811, %sub3A_1814 : i32
      %mul3A_1816 = arith.constant 128 : i32
      %mul3A_1817 = arith.muli %sub3A_1815, %mul3A_1816 : i32
      %add3A_1818 = arith.addi %mul3A_2, %mul3A_1817 : i32
      %dma_wait3A_1819 = arith.constant 0 : i32
      %dma_wait3A_1820 = tpu.memref_slice %arg4[%add3A_1818, %dma_wait3A_1819] : memref<204800x64xf32, #tpu.memory_space<hbm>> -> memref<128x64xf32, #tpu.memory_space<hbm>>
      %dma_wait3A_1821 = arith.constant 0 : i32
      %dma_wait3A_1822 = tpu.memref_slice %arg4[%add3A_1818, %dma_wait3A_1821] : memref<204800x64xf32, #tpu.memory_space<hbm>> -> memref<128x64xf32, #tpu.memory_space<hbm>>
      tpu.wait_dma2 semaphore(%arg26 : memref<!tpu.dma_semaphore, #tpu.memory_space<semaphore_mem>>) src(%arg14 : memref<128x64xf32, #tpu.memory_space<vmem>>) dst(%dma_wait3A_1822 : memref<128x64xf32, #tpu.memory_space<hbm>>)
      %dma_start3A_1823 = arith.constant 0 : i32
      %dma_start3A_1824 = arith.constant 0 : i32
      %dma_start3A_1825 = tpu.memref_slice %arg2[%dma_start3A_1823, %dma_start3A_1824] : memref<100000x64xf32, #tpu.memory_space<hbm>> -> memref<100000x64xf32, #tpu.memory_space<hbm>>
      tpu.enqueue_indirect_dma source(%dma_start3A_1825 : memref<100000x64xf32, #tpu.memory_space<hbm>>) target(%arg14 : memref<128x64xf32, #tpu.memory_space<vmem>>) offsets(%arg10 : memref<128xi32, #tpu.memory_space<vmem>>) semaphore(%arg22 : memref<!tpu.dma_semaphore, #tpu.memory_space<semaphore_mem>>)
      %dma_wait3A_1826 = arith.constant 0 : i32
      %dma_wait3A_1827 = arith.constant 0 : i32
      %dma_wait3A_1828 = tpu.memref_slice %arg2[%dma_wait3A_1826, %dma_wait3A_1827] : memref<100000x64xf32, #tpu.memory_space<hbm>> -> memref<100000x64xf32, #tpu.memory_space<hbm>>
      tpu.wait_indirect_dma semaphore(%arg24 : memref<!tpu.dma_semaphore, #tpu.memory_space<semaphore_mem>>) src(%dma_wait3A_1828 : memref<100000x64xf32, #tpu.memory_space<hbm>>) dst(%arg16 : memref<128x64xf32, #tpu.memory_space<vmem>>)
      %mul3A_1829 = arith.constant 128 : i32
      %mul3A_1830 = arith.muli %add3A_1809, %mul3A_1829 : i32
      %add3A_1831 = arith.addi %mul3A_2, %mul3A_1830 : i32
      %dma_start3A_1832 = arith.constant 0 : i32
      %dma_start3A_1833 = tpu.memref_slice %arg4[%add3A_1831, %dma_start3A_1832] : memref<204800x64xf32, #tpu.memory_space<hbm>> -> memref<128x64xf32, #tpu.memory_space<hbm>>
      %dma_start3A_1834 = arith.constant 0 : i32
      %dma_start3A_1835 = tpu.memref_slice %arg4[%add3A_1831, %dma_start3A_1834] : memref<204800x64xf32, #tpu.memory_space<hbm>> -> memref<128x64xf32, #tpu.memory_space<hbm>>
      tpu.enqueue_dma source(%arg16 : memref<128x64xf32, #tpu.memory_space<vmem>>) target(%dma_start3A_1835 : memref<128x64xf32, #tpu.memory_space<hbm>>) target_semaphore(%arg28 : memref<!tpu.dma_semaphore, #tpu.memory_space<semaphore_mem>>)
      %add3A_1836 = arith.constant 4 : i32
      %add3A_1837 = arith.addi %add3A_1809, %add3A_1836 : i32
      %mul3A_1838 = arith.constant 128 : i32
      %mul3A_1839 = arith.muli %add3A_1837, %mul3A_1838 : i32
      %add3A_1840 = arith.addi %mul3A_2, %mul3A_1839 : i32
      %iota3A_1841 = tpu.iota {dimensions = array<i32: 0>} : vector<16xi32>
      %add3A_1842 = arith.constant 0 : i32
      %add3A_1843 = arith.addi %add3A_1840, %add3A_1842 : i32
      %add3A_1844 = vector.broadcast %add3A_1843 : i32 to vector<16xi32>
      %add3A_1845 = arith.addi %iota3A_1841, %add3A_1844 : vector<16xi32>
      %shift_right_logical3A_1846 = arith.constant 1 : i32
      %shift_right_logical3A_1847 = vector.broadcast %shift_right_logical3A_1846 : i32 to vector<16xi32>
      %shift_right_logical3A_1848 = arith.shrui %add3A_1845, %shift_right_logical3A_1847 : vector<16xi32>
      %and3A_1849 = arith.constant 1 : i32
      %and3A_1850 = vector.broadcast %and3A_1849 : i32 to vector<16xi32>
      %and3A_1851 = arith.andi %add3A_1845, %and3A_1850 : vector<16xi32>
      %and3A_1852 = arith.constant 1023 : i32
      %and3A_1853 = vector.broadcast %and3A_1852 : i32 to vector<16xi32>
      %and3A_1854 = arith.andi %shift_right_logical3A_1848, %and3A_1853 : vector<16xi32>
      %shift_right_logical3A_1855 = arith.constant 10 : i32
      %shift_right_logical3A_1856 = vector.broadcast %shift_right_logical3A_1855 : i32 to vector<16xi32>
      %shift_right_logical3A_1857 = arith.shrui %shift_right_logical3A_1848, %shift_right_logical3A_1856 : vector<16xi32>
      %mul3A_1858 = arith.constant 200 : i32
      %mul3A_1859 = vector.broadcast %mul3A_1858 : i32 to vector<16xi32>
      %mul3A_1860 = arith.muli %and3A_1854, %mul3A_1859 : vector<16xi32>
      %mul3A_1861 = arith.constant 2 : i32
      %mul3A_1862 = vector.broadcast %mul3A_1861 : i32 to vector<16xi32>
      %mul3A_1863 = arith.muli %mul3A_1862, %shift_right_logical3A_1857 : vector<16xi32>
      %add3A_1864 = arith.addi %mul3A_1860, %mul3A_1863 : vector<16xi32>
      %add3A_1865 = arith.addi %add3A_1864, %and3A_1851 : vector<16xi32>
      %swap3A_1866 = arith.constant 0 : index
      %swap3A_1867 = tpu.vector_load %arg8[%swap3A_1866] {strides = array<i32>} : memref<128xi32, #tpu.memory_space<vmem>>, vector<16xi32>,
      %swap3A_1868 = vector.shape_cast %swap3A_1867 : vector<16xi32> to vector<16xi32>
      %swap3A_1869 = vector.shape_cast %add3A_1865 : vector<16xi32> to vector<16xi32>
      tpu.vector_store %arg8[%swap3A_1866], %swap3A_1869 {strides = array<i32>} : memref<128xi32, #tpu.memory_space<vmem>>, vector<16xi32>,
      %iota3A_1870 = tpu.iota {dimensions = array<i32: 0>} : vector<16xi32>
      %add3A_1871 = arith.constant 16 : i32
      %add3A_1872 = arith.addi %add3A_1840, %add3A_1871 : i32
      %add3A_1873 = vector.broadcast %add3A_1872 : i32 to vector<16xi32>
      %add3A_1874 = arith.addi %iota3A_1870, %add3A_1873 : vector<16xi32>
      %shift_right_logical3A_1875 = arith.constant 1 : i32
      %shift_right_logical3A_1876 = vector.broadcast %shift_right_logical3A_1875 : i32 to vector<16xi32>
      %shift_right_logical3A_1877 = arith.shrui %add3A_1874, %shift_right_logical3A_1876 : vector<16xi32>
      %and3A_1878 = arith.constant 1 : i32
      %and3A_1879 = vector.broadcast %and3A_1878 : i32 to vector<16xi32>
      %and3A_1880 = arith.andi %add3A_1874, %and3A_1879 : vector<16xi32>
      %and3A_1881 = arith.constant 1023 : i32
      %and3A_1882 = vector.broadcast %and3A_1881 : i32 to vector<16xi32>
      %and3A_1883 = arith.andi %shift_right_logical3A_1877, %and3A_1882 : vector<16xi32>
      %shift_right_logical3A_1884 = arith.constant 10 : i32
      %shift_right_logical3A_1885 = vector.broadcast %shift_right_logical3A_1884 : i32 to vector<16xi32>
      %shift_right_logical3A_1886 = arith.shrui %shift_right_logical3A_1877, %shift_right_logical3A_1885 : vector<16xi32>
      %mul3A_1887 = arith.constant 200 : i32
      %mul3A_1888 = vector.broadcast %mul3A_1887 : i32 to vector<16xi32>
      %mul3A_1889 = arith.muli %and3A_1883, %mul3A_1888 : vector<16xi32>
      %mul3A_1890 = arith.constant 2 : i32
      %mul3A_1891 = vector.broadcast %mul3A_1890 : i32 to vector<16xi32>
      %mul3A_1892 = arith.muli %mul3A_1891, %shift_right_logical3A_1886 : vector<16xi32>
      %add3A_1893 = arith.addi %mul3A_1889, %mul3A_1892 : vector<16xi32>
      %add3A_1894 = arith.addi %add3A_1893, %and3A_1880 : vector<16xi32>
      %swap3A_1895 = arith.constant 16 : index
      %swap3A_1896 = tpu.vector_load %arg8[%swap3A_1895] {strides = array<i32>} : memref<128xi32, #tpu.memory_space<vmem>>, vector<16xi32>,
      %swap3A_1897 = vector.shape_cast %swap3A_1896 : vector<16xi32> to vector<16xi32>
      %swap3A_1898 = vector.shape_cast %add3A_1894 : vector<16xi32> to vector<16xi32>
      tpu.vector_store %arg8[%swap3A_1895], %swap3A_1898 {strides = array<i32>} : memref<128xi32, #tpu.memory_space<vmem>>, vector<16xi32>,
      %iota3A_1899 = tpu.iota {dimensions = array<i32: 0>} : vector<16xi32>
      %add3A_1900 = arith.constant 32 : i32
      %add3A_1901 = arith.addi %add3A_1840, %add3A_1900 : i32
      %add3A_1902 = vector.broadcast %add3A_1901 : i32 to vector<16xi32>
      %add3A_1903 = arith.addi %iota3A_1899, %add3A_1902 : vector<16xi32>
      %shift_right_logical3A_1904 = arith.constant 1 : i32
      %shift_right_logical3A_1905 = vector.broadcast %shift_right_logical3A_1904 : i32 to vector<16xi32>
      %shift_right_logical3A_1906 = arith.shrui %add3A_1903, %shift_right_logical3A_1905 : vector<16xi32>
      %and3A_1907 = arith.constant 1 : i32
      %and3A_1908 = vector.broadcast %and3A_1907 : i32 to vector<16xi32>
      %and3A_1909 = arith.andi %add3A_1903, %and3A_1908 : vector<16xi32>
      %and3A_1910 = arith.constant 1023 : i32
      %and3A_1911 = vector.broadcast %and3A_1910 : i32 to vector<16xi32>
      %and3A_1912 = arith.andi %shift_right_logical3A_1906, %and3A_1911 : vector<16xi32>
      %shift_right_logical3A_1913 = arith.constant 10 : i32
      %shift_right_logical3A_1914 = vector.broadcast %shift_right_logical3A_1913 : i32 to vector<16xi32>
      %shift_right_logical3A_1915 = arith.shrui %shift_right_logical3A_1906, %shift_right_logical3A_1914 : vector<16xi32>
      %mul3A_1916 = arith.constant 200 : i32
      %mul3A_1917 = vector.broadcast %mul3A_1916 : i32 to vector<16xi32>
      %mul3A_1918 = arith.muli %and3A_1912, %mul3A_1917 : vector<16xi32>
      %mul3A_1919 = arith.constant 2 : i32
      %mul3A_1920 = vector.broadcast %mul3A_1919 : i32 to vector<16xi32>
      %mul3A_1921 = arith.muli %mul3A_1920, %shift_right_logical3A_1915 : vector<16xi32>
      %add3A_1922 = arith.addi %mul3A_1918, %mul3A_1921 : vector<16xi32>
      %add3A_1923 = arith.addi %add3A_1922, %and3A_1909 : vector<16xi32>
      %swap3A_1924 = arith.constant 32 : index
      %swap3A_1925 = tpu.vector_load %arg8[%swap3A_1924] {strides = array<i32>} : memref<128xi32, #tpu.memory_space<vmem>>, vector<16xi32>,
      %swap3A_1926 = vector.shape_cast %swap3A_1925 : vector<16xi32> to vector<16xi32>
      %swap3A_1927 = vector.shape_cast %add3A_1923 : vector<16xi32> to vector<16xi32>
      tpu.vector_store %arg8[%swap3A_1924], %swap3A_1927 {strides = array<i32>} : memref<128xi32, #tpu.memory_space<vmem>>, vector<16xi32>,
      %iota3A_1928 = tpu.iota {dimensions = array<i32: 0>} : vector<16xi32>
      %add3A_1929 = arith.constant 48 : i32
      %add3A_1930 = arith.addi %add3A_1840, %add3A_1929 : i32
      %add3A_1931 = vector.broadcast %add3A_1930 : i32 to vector<16xi32>
      %add3A_1932 = arith.addi %iota3A_1928, %add3A_1931 : vector<16xi32>
      %shift_right_logical3A_1933 = arith.constant 1 : i32
      %shift_right_logical3A_1934 = vector.broadcast %shift_right_logical3A_1933 : i32 to vector<16xi32>
      %shift_right_logical3A_1935 = arith.shrui %add3A_1932, %shift_right_logical3A_1934 : vector<16xi32>
      %and3A_1936 = arith.constant 1 : i32
      %and3A_1937 = vector.broadcast %and3A_1936 : i32 to vector<16xi32>
      %and3A_1938 = arith.andi %add3A_1932, %and3A_1937 : vector<16xi32>
      %and3A_1939 = arith.constant 1023 : i32
      %and3A_1940 = vector.broadcast %and3A_1939 : i32 to vector<16xi32>
      %and3A_1941 = arith.andi %shift_right_logical3A_1935, %and3A_1940 : vector<16xi32>
      %shift_right_logical3A_1942 = arith.constant 10 : i32
      %shift_right_logical3A_1943 = vector.broadcast %shift_right_logical3A_1942 : i32 to vector<16xi32>
      %shift_right_logical3A_1944 = arith.shrui %shift_right_logical3A_1935, %shift_right_logical3A_1943 : vector<16xi32>
      %mul3A_1945 = arith.constant 200 : i32
      %mul3A_1946 = vector.broadcast %mul3A_1945 : i32 to vector<16xi32>
      %mul3A_1947 = arith.muli %and3A_1941, %mul3A_1946 : vector<16xi32>
      %mul3A_1948 = arith.constant 2 : i32
      %mul3A_1949 = vector.broadcast %mul3A_1948 : i32 to vector<16xi32>
      %mul3A_1950 = arith.muli %mul3A_1949, %shift_right_logical3A_1944 : vector<16xi32>
      %add3A_1951 = arith.addi %mul3A_1947, %mul3A_1950 : vector<16xi32>
      %add3A_1952 = arith.addi %add3A_1951, %and3A_1938 : vector<16xi32>
      %swap3A_1953 = arith.constant 48 : index
      %swap3A_1954 = tpu.vector_load %arg8[%swap3A_1953] {strides = array<i32>} : memref<128xi32, #tpu.memory_space<vmem>>, vector<16xi32>,
      %swap3A_1955 = vector.shape_cast %swap3A_1954 : vector<16xi32> to vector<16xi32>
      %swap3A_1956 = vector.shape_cast %add3A_1952 : vector<16xi32> to vector<16xi32>
      tpu.vector_store %arg8[%swap3A_1953], %swap3A_1956 {strides = array<i32>} : memref<128xi32, #tpu.memory_space<vmem>>, vector<16xi32>,
      %iota3A_1957 = tpu.iota {dimensions = array<i32: 0>} : vector<16xi32>
      %add3A_1958 = arith.constant 64 : i32
      %add3A_1959 = arith.addi %add3A_1840, %add3A_1958 : i32
      %add3A_1960 = vector.broadcast %add3A_1959 : i32 to vector<16xi32>
      %add3A_1961 = arith.addi %iota3A_1957, %add3A_1960 : vector<16xi32>
      %shift_right_logical3A_1962 = arith.constant 1 : i32
      %shift_right_logical3A_1963 = vector.broadcast %shift_right_logical3A_1962 : i32 to vector<16xi32>
      %shift_right_logical3A_1964 = arith.shrui %add3A_1961, %shift_right_logical3A_1963 : vector<16xi32>
      %and3A_1965 = arith.constant 1 : i32
      %and3A_1966 = vector.broadcast %and3A_1965 : i32 to vector<16xi32>
      %and3A_1967 = arith.andi %add3A_1961, %and3A_1966 : vector<16xi32>
      %and3A_1968 = arith.constant 1023 : i32
      %and3A_1969 = vector.broadcast %and3A_1968 : i32 to vector<16xi32>
      %and3A_1970 = arith.andi %shift_right_logical3A_1964, %and3A_1969 : vector<16xi32>
      %shift_right_logical3A_1971 = arith.constant 10 : i32
      %shift_right_logical3A_1972 = vector.broadcast %shift_right_logical3A_1971 : i32 to vector<16xi32>
      %shift_right_logical3A_1973 = arith.shrui %shift_right_logical3A_1964, %shift_right_logical3A_1972 : vector<16xi32>
      %mul3A_1974 = arith.constant 200 : i32
      %mul3A_1975 = vector.broadcast %mul3A_1974 : i32 to vector<16xi32>
      %mul3A_1976 = arith.muli %and3A_1970, %mul3A_1975 : vector<16xi32>
      %mul3A_1977 = arith.constant 2 : i32
      %mul3A_1978 = vector.broadcast %mul3A_1977 : i32 to vector<16xi32>
      %mul3A_1979 = arith.muli %mul3A_1978, %shift_right_logical3A_1973 : vector<16xi32>
      %add3A_1980 = arith.addi %mul3A_1976, %mul3A_1979 : vector<16xi32>
      %add3A_1981 = arith.addi %add3A_1980, %and3A_1967 : vector<16xi32>
      %swap3A_1982 = arith.constant 64 : index
      %swap3A_1983 = tpu.vector_load %arg8[%swap3A_1982] {strides = array<i32>} : memref<128xi32, #tpu.memory_space<vmem>>, vector<16xi32>,
      %swap3A_1984 = vector.shape_cast %swap3A_1983 : vector<16xi32> to vector<16xi32>
      %swap3A_1985 = vector.shape_cast %add3A_1981 : vector<16xi32> to vector<16xi32>
      tpu.vector_store %arg8[%swap3A_1982], %swap3A_1985 {strides = array<i32>} : memref<128xi32, #tpu.memory_space<vmem>>, vector<16xi32>,
      %iota3A_1986 = tpu.iota {dimensions = array<i32: 0>} : vector<16xi32>
      %add3A_1987 = arith.constant 80 : i32
      %add3A_1988 = arith.addi %add3A_1840, %add3A_1987 : i32
      %add3A_1989 = vector.broadcast %add3A_1988 : i32 to vector<16xi32>
      %add3A_1990 = arith.addi %iota3A_1986, %add3A_1989 : vector<16xi32>
      %shift_right_logical3A_1991 = arith.constant 1 : i32
      %shift_right_logical3A_1992 = vector.broadcast %shift_right_logical3A_1991 : i32 to vector<16xi32>
      %shift_right_logical3A_1993 = arith.shrui %add3A_1990, %shift_right_logical3A_1992 : vector<16xi32>
      %and3A_1994 = arith.constant 1 : i32
      %and3A_1995 = vector.broadcast %and3A_1994 : i32 to vector<16xi32>
      %and3A_1996 = arith.andi %add3A_1990, %and3A_1995 : vector<16xi32>
      %and3A_1997 = arith.constant 1023 : i32
      %and3A_1998 = vector.broadcast %and3A_1997 : i32 to vector<16xi32>
      %and3A_1999 = arith.andi %shift_right_logical3A_1993, %and3A_1998 : vector<16xi32>
      %shift_right_logical3A_2000 = arith.constant 10 : i32
      %shift_right_logical3A_2001 = vector.broadcast %shift_right_logical3A_2000 : i32 to vector<16xi32>
      %shift_right_logical3A_2002 = arith.shrui %shift_right_logical3A_1993, %shift_right_logical3A_2001 : vector<16xi32>
      %mul3A_2003 = arith.constant 200 : i32
      %mul3A_2004 = vector.broadcast %mul3A_2003 : i32 to vector<16xi32>
      %mul3A_2005 = arith.muli %and3A_1999, %mul3A_2004 : vector<16xi32>
      %mul3A_2006 = arith.constant 2 : i32
      %mul3A_2007 = vector.broadcast %mul3A_2006 : i32 to vector<16xi32>
      %mul3A_2008 = arith.muli %mul3A_2007, %shift_right_logical3A_2002 : vector<16xi32>
      %add3A_2009 = arith.addi %mul3A_2005, %mul3A_2008 : vector<16xi32>
      %add3A_2010 = arith.addi %add3A_2009, %and3A_1996 : vector<16xi32>
      %swap3A_2011 = arith.constant 80 : index
      %swap3A_2012 = tpu.vector_load %arg8[%swap3A_2011] {strides = array<i32>} : memref<128xi32, #tpu.memory_space<vmem>>, vector<16xi32>,
      %swap3A_2013 = vector.shape_cast %swap3A_2012 : vector<16xi32> to vector<16xi32>
      %swap3A_2014 = vector.shape_cast %add3A_2010 : vector<16xi32> to vector<16xi32>
      tpu.vector_store %arg8[%swap3A_2011], %swap3A_2014 {strides = array<i32>} : memref<128xi32, #tpu.memory_space<vmem>>, vector<16xi32>,
      %iota3A_2015 = tpu.iota {dimensions = array<i32: 0>} : vector<16xi32>
      %add3A_2016 = arith.constant 96 : i32
      %add3A_2017 = arith.addi %add3A_1840, %add3A_2016 : i32
      %add3A_2018 = vector.broadcast %add3A_2017 : i32 to vector<16xi32>
      %add3A_2019 = arith.addi %iota3A_2015, %add3A_2018 : vector<16xi32>
      %shift_right_logical3A_2020 = arith.constant 1 : i32
      %shift_right_logical3A_2021 = vector.broadcast %shift_right_logical3A_2020 : i32 to vector<16xi32>
      %shift_right_logical3A_2022 = arith.shrui %add3A_2019, %shift_right_logical3A_2021 : vector<16xi32>
      %and3A_2023 = arith.constant 1 : i32
      %and3A_2024 = vector.broadcast %and3A_2023 : i32 to vector<16xi32>
      %and3A_2025 = arith.andi %add3A_2019, %and3A_2024 : vector<16xi32>
      %and3A_2026 = arith.constant 1023 : i32
      %and3A_2027 = vector.broadcast %and3A_2026 : i32 to vector<16xi32>
      %and3A_2028 = arith.andi %shift_right_logical3A_2022, %and3A_2027 : vector<16xi32>
      %shift_right_logical3A_2029 = arith.constant 10 : i32
      %shift_right_logical3A_2030 = vector.broadcast %shift_right_logical3A_2029 : i32 to vector<16xi32>
      %shift_right_logical3A_2031 = arith.shrui %shift_right_logical3A_2022, %shift_right_logical3A_2030 : vector<16xi32>
      %mul3A_2032 = arith.constant 200 : i32
      %mul3A_2033 = vector.broadcast %mul3A_2032 : i32 to vector<16xi32>
      %mul3A_2034 = arith.muli %and3A_2028, %mul3A_2033 : vector<16xi32>
      %mul3A_2035 = arith.constant 2 : i32
      %mul3A_2036 = vector.broadcast %mul3A_2035 : i32 to vector<16xi32>
      %mul3A_2037 = arith.muli %mul3A_2036, %shift_right_logical3A_2031 : vector<16xi32>
      %add3A_2038 = arith.addi %mul3A_2034, %mul3A_2037 : vector<16xi32>
      %add3A_2039 = arith.addi %add3A_2038, %and3A_2025 : vector<16xi32>
      %swap3A_2040 = arith.constant 96 : index
      %swap3A_2041 = tpu.vector_load %arg8[%swap3A_2040] {strides = array<i32>} : memref<128xi32, #tpu.memory_space<vmem>>, vector<16xi32>,
      %swap3A_2042 = vector.shape_cast %swap3A_2041 : vector<16xi32> to vector<16xi32>
      %swap3A_2043 = vector.shape_cast %add3A_2039 : vector<16xi32> to vector<16xi32>
      tpu.vector_store %arg8[%swap3A_2040], %swap3A_2043 {strides = array<i32>} : memref<128xi32, #tpu.memory_space<vmem>>, vector<16xi32>,
      %iota3A_2044 = tpu.iota {dimensions = array<i32: 0>} : vector<16xi32>
      %add3A_2045 = arith.constant 112 : i32
      %add3A_2046 = arith.addi %add3A_1840, %add3A_2045 : i32
      %add3A_2047 = vector.broadcast %add3A_2046 : i32 to vector<16xi32>
      %add3A_2048 = arith.addi %iota3A_2044, %add3A_2047 : vector<16xi32>
      %shift_right_logical3A_2049 = arith.constant 1 : i32
      %shift_right_logical3A_2050 = vector.broadcast %shift_right_logical3A_2049 : i32 to vector<16xi32>
      %shift_right_logical3A_2051 = arith.shrui %add3A_2048, %shift_right_logical3A_2050 : vector<16xi32>
      %and3A_2052 = arith.constant 1 : i32
      %and3A_2053 = vector.broadcast %and3A_2052 : i32 to vector<16xi32>
      %and3A_2054 = arith.andi %add3A_2048, %and3A_2053 : vector<16xi32>
      %and3A_2055 = arith.constant 1023 : i32
      %and3A_2056 = vector.broadcast %and3A_2055 : i32 to vector<16xi32>
      %and3A_2057 = arith.andi %shift_right_logical3A_2051, %and3A_2056 : vector<16xi32>
      %shift_right_logical3A_2058 = arith.constant 10 : i32
      %shift_right_logical3A_2059 = vector.broadcast %shift_right_logical3A_2058 : i32 to vector<16xi32>
      %shift_right_logical3A_2060 = arith.shrui %shift_right_logical3A_2051, %shift_right_logical3A_2059 : vector<16xi32>
      %mul3A_2061 = arith.constant 200 : i32
      %mul3A_2062 = vector.broadcast %mul3A_2061 : i32 to vector<16xi32>
      %mul3A_2063 = arith.muli %and3A_2057, %mul3A_2062 : vector<16xi32>
      %mul3A_2064 = arith.constant 2 : i32
      %mul3A_2065 = vector.broadcast %mul3A_2064 : i32 to vector<16xi32>
      %mul3A_2066 = arith.muli %mul3A_2065, %shift_right_logical3A_2060 : vector<16xi32>
      %add3A_2067 = arith.addi %mul3A_2063, %mul3A_2066 : vector<16xi32>
      %add3A_2068 = arith.addi %add3A_2067, %and3A_2054 : vector<16xi32>
      %swap3A_2069 = arith.constant 112 : index
      %swap3A_2070 = tpu.vector_load %arg8[%swap3A_2069] {strides = array<i32>} : memref<128xi32, #tpu.memory_space<vmem>>, vector<16xi32>,
      %swap3A_2071 = vector.shape_cast %swap3A_2070 : vector<16xi32> to vector<16xi32>
      %swap3A_2072 = vector.shape_cast %add3A_2068 : vector<16xi32> to vector<16xi32>
      tpu.vector_store %arg8[%swap3A_2069], %swap3A_2072 {strides = array<i32>} : memref<128xi32, #tpu.memory_space<vmem>>, vector<16xi32>,
      %dma_start3A_2073 = arith.constant 0 : i32
      %dma_start3A_2074 = tpu.memref_slice %arg3[%dma_start3A_2073] : memref<204800xi32, #tpu.memory_space<hbm>> -> memref<204800xi32, #tpu.memory_space<hbm>>
      tpu.enqueue_indirect_dma source(%dma_start3A_2074 : memref<204800xi32, #tpu.memory_space<hbm>>) target(%arg12 : memref<128xi32, #tpu.memory_space<vmem>>) offsets(%arg8 : memref<128xi32, #tpu.memory_space<vmem>>) semaphore(%arg20 : memref<!tpu.dma_semaphore, #tpu.memory_space<semaphore_mem>>)
      %add3A_2075 = arith.constant 2 : i32
      %add3A_2076 = arith.addi %add3A_1541, %add3A_2075 : i32
      %add3A_2077 = arith.constant 2 : i32
      %add3A_2078 = arith.addi %add3A_2076, %add3A_2077 : i32
      %dma_wait3A_2079 = arith.constant 0 : i32
      %dma_wait3A_2080 = tpu.memref_slice %arg3[%dma_wait3A_2079] : memref<204800xi32, #tpu.memory_space<hbm>> -> memref<204800xi32, #tpu.memory_space<hbm>>
      tpu.wait_indirect_dma semaphore(%arg19 : memref<!tpu.dma_semaphore, #tpu.memory_space<semaphore_mem>>) src(%dma_wait3A_2080 : memref<204800xi32, #tpu.memory_space<hbm>>) dst(%arg11 : memref<128xi32, #tpu.memory_space<vmem>>)
      %sub3A_2081 = arith.constant 4 : i32
      %sub3A_2082 = arith.subi %add3A_2078, %sub3A_2081 : i32
      %mul3A_2083 = arith.constant 128 : i32
      %mul3A_2084 = arith.muli %sub3A_2082, %mul3A_2083 : i32
      %add3A_2085 = arith.addi %mul3A_2, %mul3A_2084 : i32
      %dma_wait3A_2086 = arith.constant 0 : i32
      %dma_wait3A_2087 = tpu.memref_slice %arg4[%add3A_2085, %dma_wait3A_2086] : memref<204800x64xf32, #tpu.memory_space<hbm>> -> memref<128x64xf32, #tpu.memory_space<hbm>>
      %dma_wait3A_2088 = arith.constant 0 : i32
      %dma_wait3A_2089 = tpu.memref_slice %arg4[%add3A_2085, %dma_wait3A_2088] : memref<204800x64xf32, #tpu.memory_space<hbm>> -> memref<128x64xf32, #tpu.memory_space<hbm>>
      tpu.wait_dma2 semaphore(%arg27 : memref<!tpu.dma_semaphore, #tpu.memory_space<semaphore_mem>>) src(%arg15 : memref<128x64xf32, #tpu.memory_space<vmem>>) dst(%dma_wait3A_2089 : memref<128x64xf32, #tpu.memory_space<hbm>>)
      %dma_start3A_2090 = arith.constant 0 : i32
      %dma_start3A_2091 = arith.constant 0 : i32
      %dma_start3A_2092 = tpu.memref_slice %arg2[%dma_start3A_2090, %dma_start3A_2091] : memref<100000x64xf32, #tpu.memory_space<hbm>> -> memref<100000x64xf32, #tpu.memory_space<hbm>>
      tpu.enqueue_indirect_dma source(%dma_start3A_2092 : memref<100000x64xf32, #tpu.memory_space<hbm>>) target(%arg15 : memref<128x64xf32, #tpu.memory_space<vmem>>) offsets(%arg11 : memref<128xi32, #tpu.memory_space<vmem>>) semaphore(%arg23 : memref<!tpu.dma_semaphore, #tpu.memory_space<semaphore_mem>>)
      %dma_wait3A_2093 = arith.constant 0 : i32
      %dma_wait3A_2094 = arith.constant 0 : i32
      %dma_wait3A_2095 = tpu.memref_slice %arg2[%dma_wait3A_2093, %dma_wait3A_2094] : memref<100000x64xf32, #tpu.memory_space<hbm>> -> memref<100000x64xf32, #tpu.memory_space<hbm>>
      tpu.wait_indirect_dma semaphore(%arg21 : memref<!tpu.dma_semaphore, #tpu.memory_space<semaphore_mem>>) src(%dma_wait3A_2095 : memref<100000x64xf32, #tpu.memory_space<hbm>>) dst(%arg13 : memref<128x64xf32, #tpu.memory_space<vmem>>)
      %mul3A_2096 = arith.constant 128 : i32
      %mul3A_2097 = arith.muli %add3A_2076, %mul3A_2096 : i32
      %add3A_2098 = arith.addi %mul3A_2, %mul3A_2097 : i32
      %dma_start3A_2099 = arith.constant 0 : i32
      %dma_start3A_2100 = tpu.memref_slice %arg4[%add3A_2098, %dma_start3A_2099] : memref<204800x64xf32, #tpu.memory_space<hbm>> -> memref<128x64xf32, #tpu.memory_space<hbm>>
      %dma_start3A_2101 = arith.constant 0 : i32
      %dma_start3A_2102 = tpu.memref_slice %arg4[%add3A_2098, %dma_start3A_2101] : memref<204800x64xf32, #tpu.memory_space<hbm>> -> memref<128x64xf32, #tpu.memory_space<hbm>>
      tpu.enqueue_dma source(%arg13 : memref<128x64xf32, #tpu.memory_space<vmem>>) target(%dma_start3A_2102 : memref<128x64xf32, #tpu.memory_space<hbm>>) target_semaphore(%arg25 : memref<!tpu.dma_semaphore, #tpu.memory_space<semaphore_mem>>)
      %add3A_2103 = arith.constant 4 : i32
      %add3A_2104 = arith.addi %add3A_2076, %add3A_2103 : i32
      %mul3A_2105 = arith.constant 128 : i32
      %mul3A_2106 = arith.muli %add3A_2104, %mul3A_2105 : i32
      %add3A_2107 = arith.addi %mul3A_2, %mul3A_2106 : i32
      %iota3A_2108 = tpu.iota {dimensions = array<i32: 0>} : vector<16xi32>
      %add3A_2109 = arith.constant 0 : i32
      %add3A_2110 = arith.addi %add3A_2107, %add3A_2109 : i32
      %add3A_2111 = vector.broadcast %add3A_2110 : i32 to vector<16xi32>
      %add3A_2112 = arith.addi %iota3A_2108, %add3A_2111 : vector<16xi32>
      %shift_right_logical3A_2113 = arith.constant 1 : i32
      %shift_right_logical3A_2114 = vector.broadcast %shift_right_logical3A_2113 : i32 to vector<16xi32>
      %shift_right_logical3A_2115 = arith.shrui %add3A_2112, %shift_right_logical3A_2114 : vector<16xi32>
      %and3A_2116 = arith.constant 1 : i32
      %and3A_2117 = vector.broadcast %and3A_2116 : i32 to vector<16xi32>
      %and3A_2118 = arith.andi %add3A_2112, %and3A_2117 : vector<16xi32>
      %and3A_2119 = arith.constant 1023 : i32
      %and3A_2120 = vector.broadcast %and3A_2119 : i32 to vector<16xi32>
      %and3A_2121 = arith.andi %shift_right_logical3A_2115, %and3A_2120 : vector<16xi32>
      %shift_right_logical3A_2122 = arith.constant 10 : i32
      %shift_right_logical3A_2123 = vector.broadcast %shift_right_logical3A_2122 : i32 to vector<16xi32>
      %shift_right_logical3A_2124 = arith.shrui %shift_right_logical3A_2115, %shift_right_logical3A_2123 : vector<16xi32>
      %mul3A_2125 = arith.constant 200 : i32
      %mul3A_2126 = vector.broadcast %mul3A_2125 : i32 to vector<16xi32>
      %mul3A_2127 = arith.muli %and3A_2121, %mul3A_2126 : vector<16xi32>
      %mul3A_2128 = arith.constant 2 : i32
      %mul3A_2129 = vector.broadcast %mul3A_2128 : i32 to vector<16xi32>
      %mul3A_2130 = arith.muli %mul3A_2129, %shift_right_logical3A_2124 : vector<16xi32>
      %add3A_2131 = arith.addi %mul3A_2127, %mul3A_2130 : vector<16xi32>
      %add3A_2132 = arith.addi %add3A_2131, %and3A_2118 : vector<16xi32>
      %swap3A_2133 = arith.constant 0 : index
      %swap3A_2134 = tpu.vector_load %arg5[%swap3A_2133] {strides = array<i32>} : memref<128xi32, #tpu.memory_space<vmem>>, vector<16xi32>,
      %swap3A_2135 = vector.shape_cast %swap3A_2134 : vector<16xi32> to vector<16xi32>
      %swap3A_2136 = vector.shape_cast %add3A_2132 : vector<16xi32> to vector<16xi32>
      tpu.vector_store %arg5[%swap3A_2133], %swap3A_2136 {strides = array<i32>} : memref<128xi32, #tpu.memory_space<vmem>>, vector<16xi32>,
      %iota3A_2137 = tpu.iota {dimensions = array<i32: 0>} : vector<16xi32>
      %add3A_2138 = arith.constant 16 : i32
      %add3A_2139 = arith.addi %add3A_2107, %add3A_2138 : i32
      %add3A_2140 = vector.broadcast %add3A_2139 : i32 to vector<16xi32>
      %add3A_2141 = arith.addi %iota3A_2137, %add3A_2140 : vector<16xi32>
      %shift_right_logical3A_2142 = arith.constant 1 : i32
      %shift_right_logical3A_2143 = vector.broadcast %shift_right_logical3A_2142 : i32 to vector<16xi32>
      %shift_right_logical3A_2144 = arith.shrui %add3A_2141, %shift_right_logical3A_2143 : vector<16xi32>
      %and3A_2145 = arith.constant 1 : i32
      %and3A_2146 = vector.broadcast %and3A_2145 : i32 to vector<16xi32>
      %and3A_2147 = arith.andi %add3A_2141, %and3A_2146 : vector<16xi32>
      %and3A_2148 = arith.constant 1023 : i32
      %and3A_2149 = vector.broadcast %and3A_2148 : i32 to vector<16xi32>
      %and3A_2150 = arith.andi %shift_right_logical3A_2144, %and3A_2149 : vector<16xi32>
      %shift_right_logical3A_2151 = arith.constant 10 : i32
      %shift_right_logical3A_2152 = vector.broadcast %shift_right_logical3A_2151 : i32 to vector<16xi32>
      %shift_right_logical3A_2153 = arith.shrui %shift_right_logical3A_2144, %shift_right_logical3A_2152 : vector<16xi32>
      %mul3A_2154 = arith.constant 200 : i32
      %mul3A_2155 = vector.broadcast %mul3A_2154 : i32 to vector<16xi32>
      %mul3A_2156 = arith.muli %and3A_2150, %mul3A_2155 : vector<16xi32>
      %mul3A_2157 = arith.constant 2 : i32
      %mul3A_2158 = vector.broadcast %mul3A_2157 : i32 to vector<16xi32>
      %mul3A_2159 = arith.muli %mul3A_2158, %shift_right_logical3A_2153 : vector<16xi32>
      %add3A_2160 = arith.addi %mul3A_2156, %mul3A_2159 : vector<16xi32>
      %add3A_2161 = arith.addi %add3A_2160, %and3A_2147 : vector<16xi32>
      %swap3A_2162 = arith.constant 16 : index
      %swap3A_2163 = tpu.vector_load %arg5[%swap3A_2162] {strides = array<i32>} : memref<128xi32, #tpu.memory_space<vmem>>, vector<16xi32>,
      %swap3A_2164 = vector.shape_cast %swap3A_2163 : vector<16xi32> to vector<16xi32>
      %swap3A_2165 = vector.shape_cast %add3A_2161 : vector<16xi32> to vector<16xi32>
      tpu.vector_store %arg5[%swap3A_2162], %swap3A_2165 {strides = array<i32>} : memref<128xi32, #tpu.memory_space<vmem>>, vector<16xi32>,
      %iota3A_2166 = tpu.iota {dimensions = array<i32: 0>} : vector<16xi32>
      %add3A_2167 = arith.constant 32 : i32
      %add3A_2168 = arith.addi %add3A_2107, %add3A_2167 : i32
      %add3A_2169 = vector.broadcast %add3A_2168 : i32 to vector<16xi32>
      %add3A_2170 = arith.addi %iota3A_2166, %add3A_2169 : vector<16xi32>
      %shift_right_logical3A_2171 = arith.constant 1 : i32
      %shift_right_logical3A_2172 = vector.broadcast %shift_right_logical3A_2171 : i32 to vector<16xi32>
      %shift_right_logical3A_2173 = arith.shrui %add3A_2170, %shift_right_logical3A_2172 : vector<16xi32>
      %and3A_2174 = arith.constant 1 : i32
      %and3A_2175 = vector.broadcast %and3A_2174 : i32 to vector<16xi32>
      %and3A_2176 = arith.andi %add3A_2170, %and3A_2175 : vector<16xi32>
      %and3A_2177 = arith.constant 1023 : i32
      %and3A_2178 = vector.broadcast %and3A_2177 : i32 to vector<16xi32>
      %and3A_2179 = arith.andi %shift_right_logical3A_2173, %and3A_2178 : vector<16xi32>
      %shift_right_logical3A_2180 = arith.constant 10 : i32
      %shift_right_logical3A_2181 = vector.broadcast %shift_right_logical3A_2180 : i32 to vector<16xi32>
      %shift_right_logical3A_2182 = arith.shrui %shift_right_logical3A_2173, %shift_right_logical3A_2181 : vector<16xi32>
      %mul3A_2183 = arith.constant 200 : i32
      %mul3A_2184 = vector.broadcast %mul3A_2183 : i32 to vector<16xi32>
      %mul3A_2185 = arith.muli %and3A_2179, %mul3A_2184 : vector<16xi32>
      %mul3A_2186 = arith.constant 2 : i32
      %mul3A_2187 = vector.broadcast %mul3A_2186 : i32 to vector<16xi32>
      %mul3A_2188 = arith.muli %mul3A_2187, %shift_right_logical3A_2182 : vector<16xi32>
      %add3A_2189 = arith.addi %mul3A_2185, %mul3A_2188 : vector<16xi32>
      %add3A_2190 = arith.addi %add3A_2189, %and3A_2176 : vector<16xi32>
      %swap3A_2191 = arith.constant 32 : index
      %swap3A_2192 = tpu.vector_load %arg5[%swap3A_2191] {strides = array<i32>} : memref<128xi32, #tpu.memory_space<vmem>>, vector<16xi32>,
      %swap3A_2193 = vector.shape_cast %swap3A_2192 : vector<16xi32> to vector<16xi32>
      %swap3A_2194 = vector.shape_cast %add3A_2190 : vector<16xi32> to vector<16xi32>
      tpu.vector_store %arg5[%swap3A_2191], %swap3A_2194 {strides = array<i32>} : memref<128xi32, #tpu.memory_space<vmem>>, vector<16xi32>,
      %iota3A_2195 = tpu.iota {dimensions = array<i32: 0>} : vector<16xi32>
      %add3A_2196 = arith.constant 48 : i32
      %add3A_2197 = arith.addi %add3A_2107, %add3A_2196 : i32
      %add3A_2198 = vector.broadcast %add3A_2197 : i32 to vector<16xi32>
      %add3A_2199 = arith.addi %iota3A_2195, %add3A_2198 : vector<16xi32>
      %shift_right_logical3A_2200 = arith.constant 1 : i32
      %shift_right_logical3A_2201 = vector.broadcast %shift_right_logical3A_2200 : i32 to vector<16xi32>
      %shift_right_logical3A_2202 = arith.shrui %add3A_2199, %shift_right_logical3A_2201 : vector<16xi32>
      %and3A_2203 = arith.constant 1 : i32
      %and3A_2204 = vector.broadcast %and3A_2203 : i32 to vector<16xi32>
      %and3A_2205 = arith.andi %add3A_2199, %and3A_2204 : vector<16xi32>
      %and3A_2206 = arith.constant 1023 : i32
      %and3A_2207 = vector.broadcast %and3A_2206 : i32 to vector<16xi32>
      %and3A_2208 = arith.andi %shift_right_logical3A_2202, %and3A_2207 : vector<16xi32>
      %shift_right_logical3A_2209 = arith.constant 10 : i32
      %shift_right_logical3A_2210 = vector.broadcast %shift_right_logical3A_2209 : i32 to vector<16xi32>
      %shift_right_logical3A_2211 = arith.shrui %shift_right_logical3A_2202, %shift_right_logical3A_2210 : vector<16xi32>
      %mul3A_2212 = arith.constant 200 : i32
      %mul3A_2213 = vector.broadcast %mul3A_2212 : i32 to vector<16xi32>
      %mul3A_2214 = arith.muli %and3A_2208, %mul3A_2213 : vector<16xi32>
      %mul3A_2215 = arith.constant 2 : i32
      %mul3A_2216 = vector.broadcast %mul3A_2215 : i32 to vector<16xi32>
      %mul3A_2217 = arith.muli %mul3A_2216, %shift_right_logical3A_2211 : vector<16xi32>
      %add3A_2218 = arith.addi %mul3A_2214, %mul3A_2217 : vector<16xi32>
      %add3A_2219 = arith.addi %add3A_2218, %and3A_2205 : vector<16xi32>
      %swap3A_2220 = arith.constant 48 : index
      %swap3A_2221 = tpu.vector_load %arg5[%swap3A_2220] {strides = array<i32>} : memref<128xi32, #tpu.memory_space<vmem>>, vector<16xi32>,
      %swap3A_2222 = vector.shape_cast %swap3A_2221 : vector<16xi32> to vector<16xi32>
      %swap3A_2223 = vector.shape_cast %add3A_2219 : vector<16xi32> to vector<16xi32>
      tpu.vector_store %arg5[%swap3A_2220], %swap3A_2223 {strides = array<i32>} : memref<128xi32, #tpu.memory_space<vmem>>, vector<16xi32>,
      %iota3A_2224 = tpu.iota {dimensions = array<i32: 0>} : vector<16xi32>
      %add3A_2225 = arith.constant 64 : i32
      %add3A_2226 = arith.addi %add3A_2107, %add3A_2225 : i32
      %add3A_2227 = vector.broadcast %add3A_2226 : i32 to vector<16xi32>
      %add3A_2228 = arith.addi %iota3A_2224, %add3A_2227 : vector<16xi32>
      %shift_right_logical3A_2229 = arith.constant 1 : i32
      %shift_right_logical3A_2230 = vector.broadcast %shift_right_logical3A_2229 : i32 to vector<16xi32>
      %shift_right_logical3A_2231 = arith.shrui %add3A_2228, %shift_right_logical3A_2230 : vector<16xi32>
      %and3A_2232 = arith.constant 1 : i32
      %and3A_2233 = vector.broadcast %and3A_2232 : i32 to vector<16xi32>
      %and3A_2234 = arith.andi %add3A_2228, %and3A_2233 : vector<16xi32>
      %and3A_2235 = arith.constant 1023 : i32
      %and3A_2236 = vector.broadcast %and3A_2235 : i32 to vector<16xi32>
      %and3A_2237 = arith.andi %shift_right_logical3A_2231, %and3A_2236 : vector<16xi32>
      %shift_right_logical3A_2238 = arith.constant 10 : i32
      %shift_right_logical3A_2239 = vector.broadcast %shift_right_logical3A_2238 : i32 to vector<16xi32>
      %shift_right_logical3A_2240 = arith.shrui %shift_right_logical3A_2231, %shift_right_logical3A_2239 : vector<16xi32>
      %mul3A_2241 = arith.constant 200 : i32
      %mul3A_2242 = vector.broadcast %mul3A_2241 : i32 to vector<16xi32>
      %mul3A_2243 = arith.muli %and3A_2237, %mul3A_2242 : vector<16xi32>
      %mul3A_2244 = arith.constant 2 : i32
      %mul3A_2245 = vector.broadcast %mul3A_2244 : i32 to vector<16xi32>
      %mul3A_2246 = arith.muli %mul3A_2245, %shift_right_logical3A_2240 : vector<16xi32>
      %add3A_2247 = arith.addi %mul3A_2243, %mul3A_2246 : vector<16xi32>
      %add3A_2248 = arith.addi %add3A_2247, %and3A_2234 : vector<16xi32>
      %swap3A_2249 = arith.constant 64 : index
      %swap3A_2250 = tpu.vector_load %arg5[%swap3A_2249] {strides = array<i32>} : memref<128xi32, #tpu.memory_space<vmem>>, vector<16xi32>,
      %swap3A_2251 = vector.shape_cast %swap3A_2250 : vector<16xi32> to vector<16xi32>
      %swap3A_2252 = vector.shape_cast %add3A_2248 : vector<16xi32> to vector<16xi32>
      tpu.vector_store %arg5[%swap3A_2249], %swap3A_2252 {strides = array<i32>} : memref<128xi32, #tpu.memory_space<vmem>>, vector<16xi32>,
      %iota3A_2253 = tpu.iota {dimensions = array<i32: 0>} : vector<16xi32>
      %add3A_2254 = arith.constant 80 : i32
      %add3A_2255 = arith.addi %add3A_2107, %add3A_2254 : i32
      %add3A_2256 = vector.broadcast %add3A_2255 : i32 to vector<16xi32>
      %add3A_2257 = arith.addi %iota3A_2253, %add3A_2256 : vector<16xi32>
      %shift_right_logical3A_2258 = arith.constant 1 : i32
      %shift_right_logical3A_2259 = vector.broadcast %shift_right_logical3A_2258 : i32 to vector<16xi32>
      %shift_right_logical3A_2260 = arith.shrui %add3A_2257, %shift_right_logical3A_2259 : vector<16xi32>
      %and3A_2261 = arith.constant 1 : i32
      %and3A_2262 = vector.broadcast %and3A_2261 : i32 to vector<16xi32>
      %and3A_2263 = arith.andi %add3A_2257, %and3A_2262 : vector<16xi32>
      %and3A_2264 = arith.constant 1023 : i32
      %and3A_2265 = vector.broadcast %and3A_2264 : i32 to vector<16xi32>
      %and3A_2266 = arith.andi %shift_right_logical3A_2260, %and3A_2265 : vector<16xi32>
      %shift_right_logical3A_2267 = arith.constant 10 : i32
      %shift_right_logical3A_2268 = vector.broadcast %shift_right_logical3A_2267 : i32 to vector<16xi32>
      %shift_right_logical3A_2269 = arith.shrui %shift_right_logical3A_2260, %shift_right_logical3A_2268 : vector<16xi32>
      %mul3A_2270 = arith.constant 200 : i32
      %mul3A_2271 = vector.broadcast %mul3A_2270 : i32 to vector<16xi32>
      %mul3A_2272 = arith.muli %and3A_2266, %mul3A_2271 : vector<16xi32>
      %mul3A_2273 = arith.constant 2 : i32
      %mul3A_2274 = vector.broadcast %mul3A_2273 : i32 to vector<16xi32>
      %mul3A_2275 = arith.muli %mul3A_2274, %shift_right_logical3A_2269 : vector<16xi32>
      %add3A_2276 = arith.addi %mul3A_2272, %mul3A_2275 : vector<16xi32>
      %add3A_2277 = arith.addi %add3A_2276, %and3A_2263 : vector<16xi32>
      %swap3A_2278 = arith.constant 80 : index
      %swap3A_2279 = tpu.vector_load %arg5[%swap3A_2278] {strides = array<i32>} : memref<128xi32, #tpu.memory_space<vmem>>, vector<16xi32>,
      %swap3A_2280 = vector.shape_cast %swap3A_2279 : vector<16xi32> to vector<16xi32>
      %swap3A_2281 = vector.shape_cast %add3A_2277 : vector<16xi32> to vector<16xi32>
      tpu.vector_store %arg5[%swap3A_2278], %swap3A_2281 {strides = array<i32>} : memref<128xi32, #tpu.memory_space<vmem>>, vector<16xi32>,
      %iota3A_2282 = tpu.iota {dimensions = array<i32: 0>} : vector<16xi32>
      %add3A_2283 = arith.constant 96 : i32
      %add3A_2284 = arith.addi %add3A_2107, %add3A_2283 : i32
      %add3A_2285 = vector.broadcast %add3A_2284 : i32 to vector<16xi32>
      %add3A_2286 = arith.addi %iota3A_2282, %add3A_2285 : vector<16xi32>
      %shift_right_logical3A_2287 = arith.constant 1 : i32
      %shift_right_logical3A_2288 = vector.broadcast %shift_right_logical3A_2287 : i32 to vector<16xi32>
      %shift_right_logical3A_2289 = arith.shrui %add3A_2286, %shift_right_logical3A_2288 : vector<16xi32>
      %and3A_2290 = arith.constant 1 : i32
      %and3A_2291 = vector.broadcast %and3A_2290 : i32 to vector<16xi32>
      %and3A_2292 = arith.andi %add3A_2286, %and3A_2291 : vector<16xi32>
      %and3A_2293 = arith.constant 1023 : i32
      %and3A_2294 = vector.broadcast %and3A_2293 : i32 to vector<16xi32>
      %and3A_2295 = arith.andi %shift_right_logical3A_2289, %and3A_2294 : vector<16xi32>
      %shift_right_logical3A_2296 = arith.constant 10 : i32
      %shift_right_logical3A_2297 = vector.broadcast %shift_right_logical3A_2296 : i32 to vector<16xi32>
      %shift_right_logical3A_2298 = arith.shrui %shift_right_logical3A_2289, %shift_right_logical3A_2297 : vector<16xi32>
      %mul3A_2299 = arith.constant 200 : i32
      %mul3A_2300 = vector.broadcast %mul3A_2299 : i32 to vector<16xi32>
      %mul3A_2301 = arith.muli %and3A_2295, %mul3A_2300 : vector<16xi32>
      %mul3A_2302 = arith.constant 2 : i32
      %mul3A_2303 = vector.broadcast %mul3A_2302 : i32 to vector<16xi32>
      %mul3A_2304 = arith.muli %mul3A_2303, %shift_right_logical3A_2298 : vector<16xi32>
      %add3A_2305 = arith.addi %mul3A_2301, %mul3A_2304 : vector<16xi32>
      %add3A_2306 = arith.addi %add3A_2305, %and3A_2292 : vector<16xi32>
      %swap3A_2307 = arith.constant 96 : index
      %swap3A_2308 = tpu.vector_load %arg5[%swap3A_2307] {strides = array<i32>} : memref<128xi32, #tpu.memory_space<vmem>>, vector<16xi32>,
      %swap3A_2309 = vector.shape_cast %swap3A_2308 : vector<16xi32> to vector<16xi32>
      %swap3A_2310 = vector.shape_cast %add3A_2306 : vector<16xi32> to vector<16xi32>
      tpu.vector_store %arg5[%swap3A_2307], %swap3A_2310 {strides = array<i32>} : memref<128xi32, #tpu.memory_space<vmem>>, vector<16xi32>,
      %iota3A_2311 = tpu.iota {dimensions = array<i32: 0>} : vector<16xi32>
      %add3A_2312 = arith.constant 112 : i32
      %add3A_2313 = arith.addi %add3A_2107, %add3A_2312 : i32
      %add3A_2314 = vector.broadcast %add3A_2313 : i32 to vector<16xi32>
      %add3A_2315 = arith.addi %iota3A_2311, %add3A_2314 : vector<16xi32>
      %shift_right_logical3A_2316 = arith.constant 1 : i32
      %shift_right_logical3A_2317 = vector.broadcast %shift_right_logical3A_2316 : i32 to vector<16xi32>
      %shift_right_logical3A_2318 = arith.shrui %add3A_2315, %shift_right_logical3A_2317 : vector<16xi32>
      %and3A_2319 = arith.constant 1 : i32
      %and3A_2320 = vector.broadcast %and3A_2319 : i32 to vector<16xi32>
      %and3A_2321 = arith.andi %add3A_2315, %and3A_2320 : vector<16xi32>
      %and3A_2322 = arith.constant 1023 : i32
      %and3A_2323 = vector.broadcast %and3A_2322 : i32 to vector<16xi32>
      %and3A_2324 = arith.andi %shift_right_logical3A_2318, %and3A_2323 : vector<16xi32>
      %shift_right_logical3A_2325 = arith.constant 10 : i32
      %shift_right_logical3A_2326 = vector.broadcast %shift_right_logical3A_2325 : i32 to vector<16xi32>
      %shift_right_logical3A_2327 = arith.shrui %shift_right_logical3A_2318, %shift_right_logical3A_2326 : vector<16xi32>
      %mul3A_2328 = arith.constant 200 : i32
      %mul3A_2329 = vector.broadcast %mul3A_2328 : i32 to vector<16xi32>
      %mul3A_2330 = arith.muli %and3A_2324, %mul3A_2329 : vector<16xi32>
      %mul3A_2331 = arith.constant 2 : i32
      %mul3A_2332 = vector.broadcast %mul3A_2331 : i32 to vector<16xi32>
      %mul3A_2333 = arith.muli %mul3A_2332, %shift_right_logical3A_2327 : vector<16xi32>
      %add3A_2334 = arith.addi %mul3A_2330, %mul3A_2333 : vector<16xi32>
      %add3A_2335 = arith.addi %add3A_2334, %and3A_2321 : vector<16xi32>
      %swap3A_2336 = arith.constant 112 : index
      %swap3A_2337 = tpu.vector_load %arg5[%swap3A_2336] {strides = array<i32>} : memref<128xi32, #tpu.memory_space<vmem>>, vector<16xi32>,
      %swap3A_2338 = vector.shape_cast %swap3A_2337 : vector<16xi32> to vector<16xi32>
      %swap3A_2339 = vector.shape_cast %add3A_2335 : vector<16xi32> to vector<16xi32>
      tpu.vector_store %arg5[%swap3A_2336], %swap3A_2339 {strides = array<i32>} : memref<128xi32, #tpu.memory_space<vmem>>, vector<16xi32>,
      %dma_start3A_2340 = arith.constant 0 : i32
      %dma_start3A_2341 = tpu.memref_slice %arg3[%dma_start3A_2340] : memref<204800xi32, #tpu.memory_space<hbm>> -> memref<204800xi32, #tpu.memory_space<hbm>>
      tpu.enqueue_indirect_dma source(%dma_start3A_2341 : memref<204800xi32, #tpu.memory_space<hbm>>) target(%arg9 : memref<128xi32, #tpu.memory_space<vmem>>) offsets(%arg5 : memref<128xi32, #tpu.memory_space<vmem>>) semaphore(%arg17 : memref<!tpu.dma_semaphore, #tpu.memory_space<semaphore_mem>>)
      %add3A_2342 = arith.constant 3 : i32
      %add3A_2343 = arith.addi %add3A_1541, %add3A_2342 : i32
      %add3A_2344 = arith.constant 2 : i32
      %add3A_2345 = arith.addi %add3A_2343, %add3A_2344 : i32
      %dma_wait3A_2346 = arith.constant 0 : i32
      %dma_wait3A_2347 = tpu.memref_slice %arg3[%dma_wait3A_2346] : memref<204800xi32, #tpu.memory_space<hbm>> -> memref<204800xi32, #tpu.memory_space<hbm>>
      tpu.wait_indirect_dma semaphore(%arg20 : memref<!tpu.dma_semaphore, #tpu.memory_space<semaphore_mem>>) src(%dma_wait3A_2347 : memref<204800xi32, #tpu.memory_space<hbm>>) dst(%arg12 : memref<128xi32, #tpu.memory_space<vmem>>)
      %sub3A_2348 = arith.constant 4 : i32
      %sub3A_2349 = arith.subi %add3A_2345, %sub3A_2348 : i32
      %mul3A_2350 = arith.constant 128 : i32
      %mul3A_2351 = arith.muli %sub3A_2349, %mul3A_2350 : i32
      %add3A_2352 = arith.addi %mul3A_2, %mul3A_2351 : i32
      %dma_wait3A_2353 = arith.constant 0 : i32
      %dma_wait3A_2354 = tpu.memref_slice %arg4[%add3A_2352, %dma_wait3A_2353] : memref<204800x64xf32, #tpu.memory_space<hbm>> -> memref<128x64xf32, #tpu.memory_space<hbm>>
      %dma_wait3A_2355 = arith.constant 0 : i32
      %dma_wait3A_2356 = tpu.memref_slice %arg4[%add3A_2352, %dma_wait3A_2355] : memref<204800x64xf32, #tpu.memory_space<hbm>> -> memref<128x64xf32, #tpu.memory_space<hbm>>
      tpu.wait_dma2 semaphore(%arg28 : memref<!tpu.dma_semaphore, #tpu.memory_space<semaphore_mem>>) src(%arg16 : memref<128x64xf32, #tpu.memory_space<vmem>>) dst(%dma_wait3A_2356 : memref<128x64xf32, #tpu.memory_space<hbm>>)
      %dma_start3A_2357 = arith.constant 0 : i32
      %dma_start3A_2358 = arith.constant 0 : i32
      %dma_start3A_2359 = tpu.memref_slice %arg2[%dma_start3A_2357, %dma_start3A_2358] : memref<100000x64xf32, #tpu.memory_space<hbm>> -> memref<100000x64xf32, #tpu.memory_space<hbm>>
      tpu.enqueue_indirect_dma source(%dma_start3A_2359 : memref<100000x64xf32, #tpu.memory_space<hbm>>) target(%arg16 : memref<128x64xf32, #tpu.memory_space<vmem>>) offsets(%arg12 : memref<128xi32, #tpu.memory_space<vmem>>) semaphore(%arg24 : memref<!tpu.dma_semaphore, #tpu.memory_space<semaphore_mem>>)
      %dma_wait3A_2360 = arith.constant 0 : i32
      %dma_wait3A_2361 = arith.constant 0 : i32
      %dma_wait3A_2362 = tpu.memref_slice %arg2[%dma_wait3A_2360, %dma_wait3A_2361] : memref<100000x64xf32, #tpu.memory_space<hbm>> -> memref<100000x64xf32, #tpu.memory_space<hbm>>
      tpu.wait_indirect_dma semaphore(%arg22 : memref<!tpu.dma_semaphore, #tpu.memory_space<semaphore_mem>>) src(%dma_wait3A_2362 : memref<100000x64xf32, #tpu.memory_space<hbm>>) dst(%arg14 : memref<128x64xf32, #tpu.memory_space<vmem>>)
      %mul3A_2363 = arith.constant 128 : i32
      %mul3A_2364 = arith.muli %add3A_2343, %mul3A_2363 : i32
      %add3A_2365 = arith.addi %mul3A_2, %mul3A_2364 : i32
      %dma_start3A_2366 = arith.constant 0 : i32
      %dma_start3A_2367 = tpu.memref_slice %arg4[%add3A_2365, %dma_start3A_2366] : memref<204800x64xf32, #tpu.memory_space<hbm>> -> memref<128x64xf32, #tpu.memory_space<hbm>>
      %dma_start3A_2368 = arith.constant 0 : i32
      %dma_start3A_2369 = tpu.memref_slice %arg4[%add3A_2365, %dma_start3A_2368] : memref<204800x64xf32, #tpu.memory_space<hbm>> -> memref<128x64xf32, #tpu.memory_space<hbm>>
      tpu.enqueue_dma source(%arg14 : memref<128x64xf32, #tpu.memory_space<vmem>>) target(%dma_start3A_2369 : memref<128x64xf32, #tpu.memory_space<hbm>>) target_semaphore(%arg26 : memref<!tpu.dma_semaphore, #tpu.memory_space<semaphore_mem>>)
      %add3A_2370 = arith.constant 4 : i32
      %add3A_2371 = arith.addi %add3A_2343, %add3A_2370 : i32
      %mul3A_2372 = arith.constant 128 : i32
      %mul3A_2373 = arith.muli %add3A_2371, %mul3A_2372 : i32
      %add3A_2374 = arith.addi %mul3A_2, %mul3A_2373 : i32
      %iota3A_2375 = tpu.iota {dimensions = array<i32: 0>} : vector<16xi32>
      %add3A_2376 = arith.constant 0 : i32
      %add3A_2377 = arith.addi %add3A_2374, %add3A_2376 : i32
      %add3A_2378 = vector.broadcast %add3A_2377 : i32 to vector<16xi32>
      %add3A_2379 = arith.addi %iota3A_2375, %add3A_2378 : vector<16xi32>
      %shift_right_logical3A_2380 = arith.constant 1 : i32
      %shift_right_logical3A_2381 = vector.broadcast %shift_right_logical3A_2380 : i32 to vector<16xi32>
      %shift_right_logical3A_2382 = arith.shrui %add3A_2379, %shift_right_logical3A_2381 : vector<16xi32>
      %and3A_2383 = arith.constant 1 : i32
      %and3A_2384 = vector.broadcast %and3A_2383 : i32 to vector<16xi32>
      %and3A_2385 = arith.andi %add3A_2379, %and3A_2384 : vector<16xi32>
      %and3A_2386 = arith.constant 1023 : i32
      %and3A_2387 = vector.broadcast %and3A_2386 : i32 to vector<16xi32>
      %and3A_2388 = arith.andi %shift_right_logical3A_2382, %and3A_2387 : vector<16xi32>
      %shift_right_logical3A_2389 = arith.constant 10 : i32
      %shift_right_logical3A_2390 = vector.broadcast %shift_right_logical3A_2389 : i32 to vector<16xi32>
      %shift_right_logical3A_2391 = arith.shrui %shift_right_logical3A_2382, %shift_right_logical3A_2390 : vector<16xi32>
      %mul3A_2392 = arith.constant 200 : i32
      %mul3A_2393 = vector.broadcast %mul3A_2392 : i32 to vector<16xi32>
      %mul3A_2394 = arith.muli %and3A_2388, %mul3A_2393 : vector<16xi32>
      %mul3A_2395 = arith.constant 2 : i32
      %mul3A_2396 = vector.broadcast %mul3A_2395 : i32 to vector<16xi32>
      %mul3A_2397 = arith.muli %mul3A_2396, %shift_right_logical3A_2391 : vector<16xi32>
      %add3A_2398 = arith.addi %mul3A_2394, %mul3A_2397 : vector<16xi32>
      %add3A_2399 = arith.addi %add3A_2398, %and3A_2385 : vector<16xi32>
      %swap3A_2400 = arith.constant 0 : index
      %swap3A_2401 = tpu.vector_load %arg6[%swap3A_2400] {strides = array<i32>} : memref<128xi32, #tpu.memory_space<vmem>>, vector<16xi32>,
      %swap3A_2402 = vector.shape_cast %swap3A_2401 : vector<16xi32> to vector<16xi32>
      %swap3A_2403 = vector.shape_cast %add3A_2399 : vector<16xi32> to vector<16xi32>
      tpu.vector_store %arg6[%swap3A_2400], %swap3A_2403 {strides = array<i32>} : memref<128xi32, #tpu.memory_space<vmem>>, vector<16xi32>,
      %iota3A_2404 = tpu.iota {dimensions = array<i32: 0>} : vector<16xi32>
      %add3A_2405 = arith.constant 16 : i32
      %add3A_2406 = arith.addi %add3A_2374, %add3A_2405 : i32
      %add3A_2407 = vector.broadcast %add3A_2406 : i32 to vector<16xi32>
      %add3A_2408 = arith.addi %iota3A_2404, %add3A_2407 : vector<16xi32>
      %shift_right_logical3A_2409 = arith.constant 1 : i32
      %shift_right_logical3A_2410 = vector.broadcast %shift_right_logical3A_2409 : i32 to vector<16xi32>
      %shift_right_logical3A_2411 = arith.shrui %add3A_2408, %shift_right_logical3A_2410 : vector<16xi32>
      %and3A_2412 = arith.constant 1 : i32
      %and3A_2413 = vector.broadcast %and3A_2412 : i32 to vector<16xi32>
      %and3A_2414 = arith.andi %add3A_2408, %and3A_2413 : vector<16xi32>
      %and3A_2415 = arith.constant 1023 : i32
      %and3A_2416 = vector.broadcast %and3A_2415 : i32 to vector<16xi32>
      %and3A_2417 = arith.andi %shift_right_logical3A_2411, %and3A_2416 : vector<16xi32>
      %shift_right_logical3A_2418 = arith.constant 10 : i32
      %shift_right_logical3A_2419 = vector.broadcast %shift_right_logical3A_2418 : i32 to vector<16xi32>
      %shift_right_logical3A_2420 = arith.shrui %shift_right_logical3A_2411, %shift_right_logical3A_2419 : vector<16xi32>
      %mul3A_2421 = arith.constant 200 : i32
      %mul3A_2422 = vector.broadcast %mul3A_2421 : i32 to vector<16xi32>
      %mul3A_2423 = arith.muli %and3A_2417, %mul3A_2422 : vector<16xi32>
      %mul3A_2424 = arith.constant 2 : i32
      %mul3A_2425 = vector.broadcast %mul3A_2424 : i32 to vector<16xi32>
      %mul3A_2426 = arith.muli %mul3A_2425, %shift_right_logical3A_2420 : vector<16xi32>
      %add3A_2427 = arith.addi %mul3A_2423, %mul3A_2426 : vector<16xi32>
      %add3A_2428 = arith.addi %add3A_2427, %and3A_2414 : vector<16xi32>
      %swap3A_2429 = arith.constant 16 : index
      %swap3A_2430 = tpu.vector_load %arg6[%swap3A_2429] {strides = array<i32>} : memref<128xi32, #tpu.memory_space<vmem>>, vector<16xi32>,
      %swap3A_2431 = vector.shape_cast %swap3A_2430 : vector<16xi32> to vector<16xi32>
      %swap3A_2432 = vector.shape_cast %add3A_2428 : vector<16xi32> to vector<16xi32>
      tpu.vector_store %arg6[%swap3A_2429], %swap3A_2432 {strides = array<i32>} : memref<128xi32, #tpu.memory_space<vmem>>, vector<16xi32>,
      %iota3A_2433 = tpu.iota {dimensions = array<i32: 0>} : vector<16xi32>
      %add3A_2434 = arith.constant 32 : i32
      %add3A_2435 = arith.addi %add3A_2374, %add3A_2434 : i32
      %add3A_2436 = vector.broadcast %add3A_2435 : i32 to vector<16xi32>
      %add3A_2437 = arith.addi %iota3A_2433, %add3A_2436 : vector<16xi32>
      %shift_right_logical3A_2438 = arith.constant 1 : i32
      %shift_right_logical3A_2439 = vector.broadcast %shift_right_logical3A_2438 : i32 to vector<16xi32>
      %shift_right_logical3A_2440 = arith.shrui %add3A_2437, %shift_right_logical3A_2439 : vector<16xi32>
      %and3A_2441 = arith.constant 1 : i32
      %and3A_2442 = vector.broadcast %and3A_2441 : i32 to vector<16xi32>
      %and3A_2443 = arith.andi %add3A_2437, %and3A_2442 : vector<16xi32>
      %and3A_2444 = arith.constant 1023 : i32
      %and3A_2445 = vector.broadcast %and3A_2444 : i32 to vector<16xi32>
      %and3A_2446 = arith.andi %shift_right_logical3A_2440, %and3A_2445 : vector<16xi32>
      %shift_right_logical3A_2447 = arith.constant 10 : i32
      %shift_right_logical3A_2448 = vector.broadcast %shift_right_logical3A_2447 : i32 to vector<16xi32>
      %shift_right_logical3A_2449 = arith.shrui %shift_right_logical3A_2440, %shift_right_logical3A_2448 : vector<16xi32>
      %mul3A_2450 = arith.constant 200 : i32
      %mul3A_2451 = vector.broadcast %mul3A_2450 : i32 to vector<16xi32>
      %mul3A_2452 = arith.muli %and3A_2446, %mul3A_2451 : vector<16xi32>
      %mul3A_2453 = arith.constant 2 : i32
      %mul3A_2454 = vector.broadcast %mul3A_2453 : i32 to vector<16xi32>
      %mul3A_2455 = arith.muli %mul3A_2454, %shift_right_logical3A_2449 : vector<16xi32>
      %add3A_2456 = arith.addi %mul3A_2452, %mul3A_2455 : vector<16xi32>
      %add3A_2457 = arith.addi %add3A_2456, %and3A_2443 : vector<16xi32>
      %swap3A_2458 = arith.constant 32 : index
      %swap3A_2459 = tpu.vector_load %arg6[%swap3A_2458] {strides = array<i32>} : memref<128xi32, #tpu.memory_space<vmem>>, vector<16xi32>,
      %swap3A_2460 = vector.shape_cast %swap3A_2459 : vector<16xi32> to vector<16xi32>
      %swap3A_2461 = vector.shape_cast %add3A_2457 : vector<16xi32> to vector<16xi32>
      tpu.vector_store %arg6[%swap3A_2458], %swap3A_2461 {strides = array<i32>} : memref<128xi32, #tpu.memory_space<vmem>>, vector<16xi32>,
      %iota3A_2462 = tpu.iota {dimensions = array<i32: 0>} : vector<16xi32>
      %add3A_2463 = arith.constant 48 : i32
      %add3A_2464 = arith.addi %add3A_2374, %add3A_2463 : i32
      %add3A_2465 = vector.broadcast %add3A_2464 : i32 to vector<16xi32>
      %add3A_2466 = arith.addi %iota3A_2462, %add3A_2465 : vector<16xi32>
      %shift_right_logical3A_2467 = arith.constant 1 : i32
      %shift_right_logical3A_2468 = vector.broadcast %shift_right_logical3A_2467 : i32 to vector<16xi32>
      %shift_right_logical3A_2469 = arith.shrui %add3A_2466, %shift_right_logical3A_2468 : vector<16xi32>
      %and3A_2470 = arith.constant 1 : i32
      %and3A_2471 = vector.broadcast %and3A_2470 : i32 to vector<16xi32>
      %and3A_2472 = arith.andi %add3A_2466, %and3A_2471 : vector<16xi32>
      %and3A_2473 = arith.constant 1023 : i32
      %and3A_2474 = vector.broadcast %and3A_2473 : i32 to vector<16xi32>
      %and3A_2475 = arith.andi %shift_right_logical3A_2469, %and3A_2474 : vector<16xi32>
      %shift_right_logical3A_2476 = arith.constant 10 : i32
      %shift_right_logical3A_2477 = vector.broadcast %shift_right_logical3A_2476 : i32 to vector<16xi32>
      %shift_right_logical3A_2478 = arith.shrui %shift_right_logical3A_2469, %shift_right_logical3A_2477 : vector<16xi32>
      %mul3A_2479 = arith.constant 200 : i32
      %mul3A_2480 = vector.broadcast %mul3A_2479 : i32 to vector<16xi32>
      %mul3A_2481 = arith.muli %and3A_2475, %mul3A_2480 : vector<16xi32>
      %mul3A_2482 = arith.constant 2 : i32
      %mul3A_2483 = vector.broadcast %mul3A_2482 : i32 to vector<16xi32>
      %mul3A_2484 = arith.muli %mul3A_2483, %shift_right_logical3A_2478 : vector<16xi32>
      %add3A_2485 = arith.addi %mul3A_2481, %mul3A_2484 : vector<16xi32>
      %add3A_2486 = arith.addi %add3A_2485, %and3A_2472 : vector<16xi32>
      %swap3A_2487 = arith.constant 48 : index
      %swap3A_2488 = tpu.vector_load %arg6[%swap3A_2487] {strides = array<i32>} : memref<128xi32, #tpu.memory_space<vmem>>, vector<16xi32>,
      %swap3A_2489 = vector.shape_cast %swap3A_2488 : vector<16xi32> to vector<16xi32>
      %swap3A_2490 = vector.shape_cast %add3A_2486 : vector<16xi32> to vector<16xi32>
      tpu.vector_store %arg6[%swap3A_2487], %swap3A_2490 {strides = array<i32>} : memref<128xi32, #tpu.memory_space<vmem>>, vector<16xi32>,
      %iota3A_2491 = tpu.iota {dimensions = array<i32: 0>} : vector<16xi32>
      %add3A_2492 = arith.constant 64 : i32
      %add3A_2493 = arith.addi %add3A_2374, %add3A_2492 : i32
      %add3A_2494 = vector.broadcast %add3A_2493 : i32 to vector<16xi32>
      %add3A_2495 = arith.addi %iota3A_2491, %add3A_2494 : vector<16xi32>
      %shift_right_logical3A_2496 = arith.constant 1 : i32
      %shift_right_logical3A_2497 = vector.broadcast %shift_right_logical3A_2496 : i32 to vector<16xi32>
      %shift_right_logical3A_2498 = arith.shrui %add3A_2495, %shift_right_logical3A_2497 : vector<16xi32>
      %and3A_2499 = arith.constant 1 : i32
      %and3A_2500 = vector.broadcast %and3A_2499 : i32 to vector<16xi32>
      %and3A_2501 = arith.andi %add3A_2495, %and3A_2500 : vector<16xi32>
      %and3A_2502 = arith.constant 1023 : i32
      %and3A_2503 = vector.broadcast %and3A_2502 : i32 to vector<16xi32>
      %and3A_2504 = arith.andi %shift_right_logical3A_2498, %and3A_2503 : vector<16xi32>
      %shift_right_logical3A_2505 = arith.constant 10 : i32
      %shift_right_logical3A_2506 = vector.broadcast %shift_right_logical3A_2505 : i32 to vector<16xi32>
      %shift_right_logical3A_2507 = arith.shrui %shift_right_logical3A_2498, %shift_right_logical3A_2506 : vector<16xi32>
      %mul3A_2508 = arith.constant 200 : i32
      %mul3A_2509 = vector.broadcast %mul3A_2508 : i32 to vector<16xi32>
      %mul3A_2510 = arith.muli %and3A_2504, %mul3A_2509 : vector<16xi32>
      %mul3A_2511 = arith.constant 2 : i32
      %mul3A_2512 = vector.broadcast %mul3A_2511 : i32 to vector<16xi32>
      %mul3A_2513 = arith.muli %mul3A_2512, %shift_right_logical3A_2507 : vector<16xi32>
      %add3A_2514 = arith.addi %mul3A_2510, %mul3A_2513 : vector<16xi32>
      %add3A_2515 = arith.addi %add3A_2514, %and3A_2501 : vector<16xi32>
      %swap3A_2516 = arith.constant 64 : index
      %swap3A_2517 = tpu.vector_load %arg6[%swap3A_2516] {strides = array<i32>} : memref<128xi32, #tpu.memory_space<vmem>>, vector<16xi32>,
      %swap3A_2518 = vector.shape_cast %swap3A_2517 : vector<16xi32> to vector<16xi32>
      %swap3A_2519 = vector.shape_cast %add3A_2515 : vector<16xi32> to vector<16xi32>
      tpu.vector_store %arg6[%swap3A_2516], %swap3A_2519 {strides = array<i32>} : memref<128xi32, #tpu.memory_space<vmem>>, vector<16xi32>,
      %iota3A_2520 = tpu.iota {dimensions = array<i32: 0>} : vector<16xi32>
      %add3A_2521 = arith.constant 80 : i32
      %add3A_2522 = arith.addi %add3A_2374, %add3A_2521 : i32
      %add3A_2523 = vector.broadcast %add3A_2522 : i32 to vector<16xi32>
      %add3A_2524 = arith.addi %iota3A_2520, %add3A_2523 : vector<16xi32>
      %shift_right_logical3A_2525 = arith.constant 1 : i32
      %shift_right_logical3A_2526 = vector.broadcast %shift_right_logical3A_2525 : i32 to vector<16xi32>
      %shift_right_logical3A_2527 = arith.shrui %add3A_2524, %shift_right_logical3A_2526 : vector<16xi32>
      %and3A_2528 = arith.constant 1 : i32
      %and3A_2529 = vector.broadcast %and3A_2528 : i32 to vector<16xi32>
      %and3A_2530 = arith.andi %add3A_2524, %and3A_2529 : vector<16xi32>
      %and3A_2531 = arith.constant 1023 : i32
      %and3A_2532 = vector.broadcast %and3A_2531 : i32 to vector<16xi32>
      %and3A_2533 = arith.andi %shift_right_logical3A_2527, %and3A_2532 : vector<16xi32>
      %shift_right_logical3A_2534 = arith.constant 10 : i32
      %shift_right_logical3A_2535 = vector.broadcast %shift_right_logical3A_2534 : i32 to vector<16xi32>
      %shift_right_logical3A_2536 = arith.shrui %shift_right_logical3A_2527, %shift_right_logical3A_2535 : vector<16xi32>
      %mul3A_2537 = arith.constant 200 : i32
      %mul3A_2538 = vector.broadcast %mul3A_2537 : i32 to vector<16xi32>
      %mul3A_2539 = arith.muli %and3A_2533, %mul3A_2538 : vector<16xi32>
      %mul3A_2540 = arith.constant 2 : i32
      %mul3A_2541 = vector.broadcast %mul3A_2540 : i32 to vector<16xi32>
      %mul3A_2542 = arith.muli %mul3A_2541, %shift_right_logical3A_2536 : vector<16xi32>
      %add3A_2543 = arith.addi %mul3A_2539, %mul3A_2542 : vector<16xi32>
      %add3A_2544 = arith.addi %add3A_2543, %and3A_2530 : vector<16xi32>
      %swap3A_2545 = arith.constant 80 : index
      %swap3A_2546 = tpu.vector_load %arg6[%swap3A_2545] {strides = array<i32>} : memref<128xi32, #tpu.memory_space<vmem>>, vector<16xi32>,
      %swap3A_2547 = vector.shape_cast %swap3A_2546 : vector<16xi32> to vector<16xi32>
      %swap3A_2548 = vector.shape_cast %add3A_2544 : vector<16xi32> to vector<16xi32>
      tpu.vector_store %arg6[%swap3A_2545], %swap3A_2548 {strides = array<i32>} : memref<128xi32, #tpu.memory_space<vmem>>, vector<16xi32>,
      %iota3A_2549 = tpu.iota {dimensions = array<i32: 0>} : vector<16xi32>
      %add3A_2550 = arith.constant 96 : i32
      %add3A_2551 = arith.addi %add3A_2374, %add3A_2550 : i32
      %add3A_2552 = vector.broadcast %add3A_2551 : i32 to vector<16xi32>
      %add3A_2553 = arith.addi %iota3A_2549, %add3A_2552 : vector<16xi32>
      %shift_right_logical3A_2554 = arith.constant 1 : i32
      %shift_right_logical3A_2555 = vector.broadcast %shift_right_logical3A_2554 : i32 to vector<16xi32>
      %shift_right_logical3A_2556 = arith.shrui %add3A_2553, %shift_right_logical3A_2555 : vector<16xi32>
      %and3A_2557 = arith.constant 1 : i32
      %and3A_2558 = vector.broadcast %and3A_2557 : i32 to vector<16xi32>
      %and3A_2559 = arith.andi %add3A_2553, %and3A_2558 : vector<16xi32>
      %and3A_2560 = arith.constant 1023 : i32
      %and3A_2561 = vector.broadcast %and3A_2560 : i32 to vector<16xi32>
      %and3A_2562 = arith.andi %shift_right_logical3A_2556, %and3A_2561 : vector<16xi32>
      %shift_right_logical3A_2563 = arith.constant 10 : i32
      %shift_right_logical3A_2564 = vector.broadcast %shift_right_logical3A_2563 : i32 to vector<16xi32>
      %shift_right_logical3A_2565 = arith.shrui %shift_right_logical3A_2556, %shift_right_logical3A_2564 : vector<16xi32>
      %mul3A_2566 = arith.constant 200 : i32
      %mul3A_2567 = vector.broadcast %mul3A_2566 : i32 to vector<16xi32>
      %mul3A_2568 = arith.muli %and3A_2562, %mul3A_2567 : vector<16xi32>
      %mul3A_2569 = arith.constant 2 : i32
      %mul3A_2570 = vector.broadcast %mul3A_2569 : i32 to vector<16xi32>
      %mul3A_2571 = arith.muli %mul3A_2570, %shift_right_logical3A_2565 : vector<16xi32>
      %add3A_2572 = arith.addi %mul3A_2568, %mul3A_2571 : vector<16xi32>
      %add3A_2573 = arith.addi %add3A_2572, %and3A_2559 : vector<16xi32>
      %swap3A_2574 = arith.constant 96 : index
      %swap3A_2575 = tpu.vector_load %arg6[%swap3A_2574] {strides = array<i32>} : memref<128xi32, #tpu.memory_space<vmem>>, vector<16xi32>,
      %swap3A_2576 = vector.shape_cast %swap3A_2575 : vector<16xi32> to vector<16xi32>
      %swap3A_2577 = vector.shape_cast %add3A_2573 : vector<16xi32> to vector<16xi32>
      tpu.vector_store %arg6[%swap3A_2574], %swap3A_2577 {strides = array<i32>} : memref<128xi32, #tpu.memory_space<vmem>>, vector<16xi32>,
      %iota3A_2578 = tpu.iota {dimensions = array<i32: 0>} : vector<16xi32>
      %add3A_2579 = arith.constant 112 : i32
      %add3A_2580 = arith.addi %add3A_2374, %add3A_2579 : i32
      %add3A_2581 = vector.broadcast %add3A_2580 : i32 to vector<16xi32>
      %add3A_2582 = arith.addi %iota3A_2578, %add3A_2581 : vector<16xi32>
      %shift_right_logical3A_2583 = arith.constant 1 : i32
      %shift_right_logical3A_2584 = vector.broadcast %shift_right_logical3A_2583 : i32 to vector<16xi32>
      %shift_right_logical3A_2585 = arith.shrui %add3A_2582, %shift_right_logical3A_2584 : vector<16xi32>
      %and3A_2586 = arith.constant 1 : i32
      %and3A_2587 = vector.broadcast %and3A_2586 : i32 to vector<16xi32>
      %and3A_2588 = arith.andi %add3A_2582, %and3A_2587 : vector<16xi32>
      %and3A_2589 = arith.constant 1023 : i32
      %and3A_2590 = vector.broadcast %and3A_2589 : i32 to vector<16xi32>
      %and3A_2591 = arith.andi %shift_right_logical3A_2585, %and3A_2590 : vector<16xi32>
      %shift_right_logical3A_2592 = arith.constant 10 : i32
      %shift_right_logical3A_2593 = vector.broadcast %shift_right_logical3A_2592 : i32 to vector<16xi32>
      %shift_right_logical3A_2594 = arith.shrui %shift_right_logical3A_2585, %shift_right_logical3A_2593 : vector<16xi32>
      %mul3A_2595 = arith.constant 200 : i32
      %mul3A_2596 = vector.broadcast %mul3A_2595 : i32 to vector<16xi32>
      %mul3A_2597 = arith.muli %and3A_2591, %mul3A_2596 : vector<16xi32>
      %mul3A_2598 = arith.constant 2 : i32
      %mul3A_2599 = vector.broadcast %mul3A_2598 : i32 to vector<16xi32>
      %mul3A_2600 = arith.muli %mul3A_2599, %shift_right_logical3A_2594 : vector<16xi32>
      %add3A_2601 = arith.addi %mul3A_2597, %mul3A_2600 : vector<16xi32>
      %add3A_2602 = arith.addi %add3A_2601, %and3A_2588 : vector<16xi32>
      %swap3A_2603 = arith.constant 112 : index
      %swap3A_2604 = tpu.vector_load %arg6[%swap3A_2603] {strides = array<i32>} : memref<128xi32, #tpu.memory_space<vmem>>, vector<16xi32>,
      %swap3A_2605 = vector.shape_cast %swap3A_2604 : vector<16xi32> to vector<16xi32>
      %swap3A_2606 = vector.shape_cast %add3A_2602 : vector<16xi32> to vector<16xi32>
      tpu.vector_store %arg6[%swap3A_2603], %swap3A_2606 {strides = array<i32>} : memref<128xi32, #tpu.memory_space<vmem>>, vector<16xi32>,
      %dma_start3A_2607 = arith.constant 0 : i32
      %dma_start3A_2608 = tpu.memref_slice %arg3[%dma_start3A_2607] : memref<204800xi32, #tpu.memory_space<hbm>> -> memref<204800xi32, #tpu.memory_space<hbm>>
      tpu.enqueue_indirect_dma source(%dma_start3A_2608 : memref<204800xi32, #tpu.memory_space<hbm>>) target(%arg10 : memref<128xi32, #tpu.memory_space<vmem>>) offsets(%arg6 : memref<128xi32, #tpu.memory_space<vmem>>) semaphore(%arg18 : memref<!tpu.dma_semaphore, #tpu.memory_space<semaphore_mem>>)
    }
    %scan3A_1454 = arith.constant 11 : i32
    %dma_wait3A_1455 = arith.constant 0 : i32
    %dma_wait3A_1456 = tpu.memref_slice %arg3[%dma_wait3A_1455] : memref<204800xi32, #tpu.memory_space<hbm>> -> memref<204800xi32, #tpu.memory_space<hbm>>
    tpu.wait_indirect_dma semaphore(%arg17 : memref<!tpu.dma_semaphore, #tpu.memory_space<semaphore_mem>>) src(%dma_wait3A_1456 : memref<204800xi32, #tpu.memory_space<hbm>>) dst(%arg9 : memref<128xi32, #tpu.memory_space<vmem>>)
    %add3A_1457 = arith.constant 5632 : i32
    %add3A_1458 = arith.addi %mul3A_2, %add3A_1457 : i32
    %dma_wait3A_1459 = arith.constant 0 : i32
    %dma_wait3A_1460 = tpu.memref_slice %arg4[%add3A_1458, %dma_wait3A_1459] : memref<204800x64xf32, #tpu.memory_space<hbm>> -> memref<128x64xf32, #tpu.memory_space<hbm>>
    %dma_wait3A_1461 = arith.constant 0 : i32
    %dma_wait3A_1462 = tpu.memref_slice %arg4[%add3A_1458, %dma_wait3A_1461] : memref<204800x64xf32, #tpu.memory_space<hbm>> -> memref<128x64xf32, #tpu.memory_space<hbm>>
    tpu.wait_dma2 semaphore(%arg25 : memref<!tpu.dma_semaphore, #tpu.memory_space<semaphore_mem>>) src(%arg13 : memref<128x64xf32, #tpu.memory_space<vmem>>) dst(%dma_wait3A_1462 : memref<128x64xf32, #tpu.memory_space<hbm>>)
    %dma_start3A_1463 = arith.constant 0 : i32
    %dma_start3A_1464 = arith.constant 0 : i32
    %dma_start3A_1465 = tpu.memref_slice %arg2[%dma_start3A_1463, %dma_start3A_1464] : memref<100000x64xf32, #tpu.memory_space<hbm>> -> memref<100000x64xf32, #tpu.memory_space<hbm>>
    tpu.enqueue_indirect_dma source(%dma_start3A_1465 : memref<100000x64xf32, #tpu.memory_space<hbm>>) target(%arg13 : memref<128x64xf32, #tpu.memory_space<vmem>>) offsets(%arg9 : memref<128xi32, #tpu.memory_space<vmem>>) semaphore(%arg21 : memref<!tpu.dma_semaphore, #tpu.memory_space<semaphore_mem>>)
    %dma_wait3A_1466 = arith.constant 0 : i32
    %dma_wait3A_1467 = arith.constant 0 : i32
    %dma_wait3A_1468 = tpu.memref_slice %arg2[%dma_wait3A_1466, %dma_wait3A_1467] : memref<100000x64xf32, #tpu.memory_space<hbm>> -> memref<100000x64xf32, #tpu.memory_space<hbm>>
    tpu.wait_indirect_dma semaphore(%arg23 : memref<!tpu.dma_semaphore, #tpu.memory_space<semaphore_mem>>) src(%dma_wait3A_1468 : memref<100000x64xf32, #tpu.memory_space<hbm>>) dst(%arg15 : memref<128x64xf32, #tpu.memory_space<vmem>>)
    %add3A_1469 = arith.constant 5888 : i32
    %add3A_1470 = arith.addi %mul3A_2, %add3A_1469 : i32
    %dma_start3A_1471 = arith.constant 0 : i32
    %dma_start3A_1472 = tpu.memref_slice %arg4[%add3A_1470, %dma_start3A_1471] : memref<204800x64xf32, #tpu.memory_space<hbm>> -> memref<128x64xf32, #tpu.memory_space<hbm>>
    %dma_start3A_1473 = arith.constant 0 : i32
    %dma_start3A_1474 = tpu.memref_slice %arg4[%add3A_1470, %dma_start3A_1473] : memref<204800x64xf32, #tpu.memory_space<hbm>> -> memref<128x64xf32, #tpu.memory_space<hbm>>
    tpu.enqueue_dma source(%arg15 : memref<128x64xf32, #tpu.memory_space<vmem>>) target(%dma_start3A_1474 : memref<128x64xf32, #tpu.memory_space<hbm>>) target_semaphore(%arg27 : memref<!tpu.dma_semaphore, #tpu.memory_space<semaphore_mem>>)
    %dma_wait3A_1475 = arith.constant 0 : i32
    %dma_wait3A_1476 = tpu.memref_slice %arg3[%dma_wait3A_1475] : memref<204800xi32, #tpu.memory_space<hbm>> -> memref<204800xi32, #tpu.memory_space<hbm>>
    tpu.wait_indirect_dma semaphore(%arg18 : memref<!tpu.dma_semaphore, #tpu.memory_space<semaphore_mem>>) src(%dma_wait3A_1476 : memref<204800xi32, #tpu.memory_space<hbm>>) dst(%arg10 : memref<128xi32, #tpu.memory_space<vmem>>)
    %add3A_1477 = arith.constant 5760 : i32
    %add3A_1478 = arith.addi %mul3A_2, %add3A_1477 : i32
    %dma_wait3A_1479 = arith.constant 0 : i32
    %dma_wait3A_1480 = tpu.memref_slice %arg4[%add3A_1478, %dma_wait3A_1479] : memref<204800x64xf32, #tpu.memory_space<hbm>> -> memref<128x64xf32, #tpu.memory_space<hbm>>
    %dma_wait3A_1481 = arith.constant 0 : i32
    %dma_wait3A_1482 = tpu.memref_slice %arg4[%add3A_1478, %dma_wait3A_1481] : memref<204800x64xf32, #tpu.memory_space<hbm>> -> memref<128x64xf32, #tpu.memory_space<hbm>>
    tpu.wait_dma2 semaphore(%arg26 : memref<!tpu.dma_semaphore, #tpu.memory_space<semaphore_mem>>) src(%arg14 : memref<128x64xf32, #tpu.memory_space<vmem>>) dst(%dma_wait3A_1482 : memref<128x64xf32, #tpu.memory_space<hbm>>)
    %dma_start3A_1483 = arith.constant 0 : i32
    %dma_start3A_1484 = arith.constant 0 : i32
    %dma_start3A_1485 = tpu.memref_slice %arg2[%dma_start3A_1483, %dma_start3A_1484] : memref<100000x64xf32, #tpu.memory_space<hbm>> -> memref<100000x64xf32, #tpu.memory_space<hbm>>
    tpu.enqueue_indirect_dma source(%dma_start3A_1485 : memref<100000x64xf32, #tpu.memory_space<hbm>>) target(%arg14 : memref<128x64xf32, #tpu.memory_space<vmem>>) offsets(%arg10 : memref<128xi32, #tpu.memory_space<vmem>>) semaphore(%arg22 : memref<!tpu.dma_semaphore, #tpu.memory_space<semaphore_mem>>)
    %dma_wait3A_1486 = arith.constant 0 : i32
    %dma_wait3A_1487 = arith.constant 0 : i32
    %dma_wait3A_1488 = tpu.memref_slice %arg2[%dma_wait3A_1486, %dma_wait3A_1487] : memref<100000x64xf32, #tpu.memory_space<hbm>> -> memref<100000x64xf32, #tpu.memory_space<hbm>>
    tpu.wait_indirect_dma semaphore(%arg24 : memref<!tpu.dma_semaphore, #tpu.memory_space<semaphore_mem>>) src(%dma_wait3A_1488 : memref<100000x64xf32, #tpu.memory_space<hbm>>) dst(%arg16 : memref<128x64xf32, #tpu.memory_space<vmem>>)
    %add3A_1489 = arith.constant 6016 : i32
    %add3A_1490 = arith.addi %mul3A_2, %add3A_1489 : i32
    %dma_start3A_1491 = arith.constant 0 : i32
    %dma_start3A_1492 = tpu.memref_slice %arg4[%add3A_1490, %dma_start3A_1491] : memref<204800x64xf32, #tpu.memory_space<hbm>> -> memref<128x64xf32, #tpu.memory_space<hbm>>
    %dma_start3A_1493 = arith.constant 0 : i32
    %dma_start3A_1494 = tpu.memref_slice %arg4[%add3A_1490, %dma_start3A_1493] : memref<204800x64xf32, #tpu.memory_space<hbm>> -> memref<128x64xf32, #tpu.memory_space<hbm>>
    tpu.enqueue_dma source(%arg16 : memref<128x64xf32, #tpu.memory_space<vmem>>) target(%dma_start3A_1494 : memref<128x64xf32, #tpu.memory_space<hbm>>) target_semaphore(%arg28 : memref<!tpu.dma_semaphore, #tpu.memory_space<semaphore_mem>>)
    %dma_wait3A_1495 = arith.constant 0 : i32
    %dma_wait3A_1496 = arith.constant 0 : i32
    %dma_wait3A_1497 = tpu.memref_slice %arg2[%dma_wait3A_1495, %dma_wait3A_1496] : memref<100000x64xf32, #tpu.memory_space<hbm>> -> memref<100000x64xf32, #tpu.memory_space<hbm>>
    tpu.wait_indirect_dma semaphore(%arg21 : memref<!tpu.dma_semaphore, #tpu.memory_space<semaphore_mem>>) src(%dma_wait3A_1497 : memref<100000x64xf32, #tpu.memory_space<hbm>>) dst(%arg13 : memref<128x64xf32, #tpu.memory_space<vmem>>)
    %add3A_1498 = arith.constant 6144 : i32
    %add3A_1499 = arith.addi %mul3A_2, %add3A_1498 : i32
    %dma_start3A_1500 = arith.constant 0 : i32
    %dma_start3A_1501 = tpu.memref_slice %arg4[%add3A_1499, %dma_start3A_1500] : memref<204800x64xf32, #tpu.memory_space<hbm>> -> memref<128x64xf32, #tpu.memory_space<hbm>>
    %dma_start3A_1502 = arith.constant 0 : i32
    %dma_start3A_1503 = tpu.memref_slice %arg4[%add3A_1499, %dma_start3A_1502] : memref<204800x64xf32, #tpu.memory_space<hbm>> -> memref<128x64xf32, #tpu.memory_space<hbm>>
    tpu.enqueue_dma source(%arg13 : memref<128x64xf32, #tpu.memory_space<vmem>>) target(%dma_start3A_1503 : memref<128x64xf32, #tpu.memory_space<hbm>>) target_semaphore(%arg25 : memref<!tpu.dma_semaphore, #tpu.memory_space<semaphore_mem>>)
    %dma_wait3A_1504 = arith.constant 0 : i32
    %dma_wait3A_1505 = arith.constant 0 : i32
    %dma_wait3A_1506 = tpu.memref_slice %arg2[%dma_wait3A_1504, %dma_wait3A_1505] : memref<100000x64xf32, #tpu.memory_space<hbm>> -> memref<100000x64xf32, #tpu.memory_space<hbm>>
    tpu.wait_indirect_dma semaphore(%arg22 : memref<!tpu.dma_semaphore, #tpu.memory_space<semaphore_mem>>) src(%dma_wait3A_1506 : memref<100000x64xf32, #tpu.memory_space<hbm>>) dst(%arg14 : memref<128x64xf32, #tpu.memory_space<vmem>>)
    %add3A_1507 = arith.constant 6272 : i32
    %add3A_1508 = arith.addi %mul3A_2, %add3A_1507 : i32
    %dma_start3A_1509 = arith.constant 0 : i32
    %dma_start3A_1510 = tpu.memref_slice %arg4[%add3A_1508, %dma_start3A_1509] : memref<204800x64xf32, #tpu.memory_space<hbm>> -> memref<128x64xf32, #tpu.memory_space<hbm>>
    %dma_start3A_1511 = arith.constant 0 : i32
    %dma_start3A_1512 = tpu.memref_slice %arg4[%add3A_1508, %dma_start3A_1511] : memref<204800x64xf32, #tpu.memory_space<hbm>> -> memref<128x64xf32, #tpu.memory_space<hbm>>
    tpu.enqueue_dma source(%arg14 : memref<128x64xf32, #tpu.memory_space<vmem>>) target(%dma_start3A_1512 : memref<128x64xf32, #tpu.memory_space<hbm>>) target_semaphore(%arg26 : memref<!tpu.dma_semaphore, #tpu.memory_space<semaphore_mem>>)
    %add3A_1513 = arith.constant 5888 : i32
    %add3A_1514 = arith.addi %mul3A_2, %add3A_1513 : i32
    %dma_wait3A_1515 = arith.constant 0 : i32
    %dma_wait3A_1516 = tpu.memref_slice %arg4[%add3A_1514, %dma_wait3A_1515] : memref<204800x64xf32, #tpu.memory_space<hbm>> -> memref<128x64xf32, #tpu.memory_space<hbm>>
    %dma_wait3A_1517 = arith.constant 0 : i32
    %dma_wait3A_1518 = tpu.memref_slice %arg4[%add3A_1514, %dma_wait3A_1517] : memref<204800x64xf32, #tpu.memory_space<hbm>> -> memref<128x64xf32, #tpu.memory_space<hbm>>
    tpu.wait_dma2 semaphore(%arg27 : memref<!tpu.dma_semaphore, #tpu.memory_space<semaphore_mem>>) src(%arg15 : memref<128x64xf32, #tpu.memory_space<vmem>>) dst(%dma_wait3A_1518 : memref<128x64xf32, #tpu.memory_space<hbm>>)
    %add3A_1519 = arith.constant 6016 : i32
    %add3A_1520 = arith.addi %mul3A_2, %add3A_1519 : i32
    %dma_wait3A_1521 = arith.constant 0 : i32
    %dma_wait3A_1522 = tpu.memref_slice %arg4[%add3A_1520, %dma_wait3A_1521] : memref<204800x64xf32, #tpu.memory_space<hbm>> -> memref<128x64xf32, #tpu.memory_space<hbm>>
    %dma_wait3A_1523 = arith.constant 0 : i32
    %dma_wait3A_1524 = tpu.memref_slice %arg4[%add3A_1520, %dma_wait3A_1523] : memref<204800x64xf32, #tpu.memory_space<hbm>> -> memref<128x64xf32, #tpu.memory_space<hbm>>
    tpu.wait_dma2 semaphore(%arg28 : memref<!tpu.dma_semaphore, #tpu.memory_space<semaphore_mem>>) src(%arg16 : memref<128x64xf32, #tpu.memory_space<vmem>>) dst(%dma_wait3A_1524 : memref<128x64xf32, #tpu.memory_space<hbm>>)
    %add3A_1525 = arith.constant 6144 : i32
    %add3A_1526 = arith.addi %mul3A_2, %add3A_1525 : i32
    %dma_wait3A_1527 = arith.constant 0 : i32
    %dma_wait3A_1528 = tpu.memref_slice %arg4[%add3A_1526, %dma_wait3A_1527] : memref<204800x64xf32, #tpu.memory_space<hbm>> -> memref<128x64xf32, #tpu.memory_space<hbm>>
    %dma_wait3A_1529 = arith.constant 0 : i32
    %dma_wait3A_1530 = tpu.memref_slice %arg4[%add3A_1526, %dma_wait3A_1529] : memref<204800x64xf32, #tpu.memory_space<hbm>> -> memref<128x64xf32, #tpu.memory_space<hbm>>
    tpu.wait_dma2 semaphore(%arg25 : memref<!tpu.dma_semaphore, #tpu.memory_space<semaphore_mem>>) src(%arg13 : memref<128x64xf32, #tpu.memory_space<vmem>>) dst(%dma_wait3A_1530 : memref<128x64xf32, #tpu.memory_space<hbm>>)
    %add3A_1531 = arith.constant 6272 : i32
    %add3A_1532 = arith.addi %mul3A_2, %add3A_1531 : i32
    %dma_wait3A_1533 = arith.constant 0 : i32
    %dma_wait3A_1534 = tpu.memref_slice %arg4[%add3A_1532, %dma_wait3A_1533] : memref<204800x64xf32, #tpu.memory_space<hbm>> -> memref<128x64xf32, #tpu.memory_space<hbm>>
    %dma_wait3A_1535 = arith.constant 0 : i32
    %dma_wait3A_1536 = tpu.memref_slice %arg4[%add3A_1532, %dma_wait3A_1535] : memref<204800x64xf32, #tpu.memory_space<hbm>> -> memref<128x64xf32, #tpu.memory_space<hbm>>
    tpu.wait_dma2 semaphore(%arg26 : memref<!tpu.dma_semaphore, #tpu.memory_space<semaphore_mem>>) src(%arg14 : memref<128x64xf32, #tpu.memory_space<vmem>>) dst(%dma_wait3A_1536 : memref<128x64xf32, #tpu.memory_space<hbm>>)
    return
  }
}

module attributes {stable_mosaic.version = 14 : i64} {
  func.func @_mm_body(%arg0: i32, %arg1: memref<2048x128xf32, #tpu.memory_space<vmem>>, %arg2: memref<128x128xf32, #tpu.memory_space<vmem>>, %arg3: memref<1x128xf32, #tpu.memory_space<vmem>>, %arg4: memref<2048x128xf32, #tpu.memory_space<vmem>>) attributes {dimension_semantics = [#tpu.dimension_semantics<arbitrary>], iteration_bounds = array<i64: 50>, scalar_prefetch = 0 : i64, scratch_operands = 0 : i64, tpu.core_type = #tpu.core_type<tc>, window_params = [{transform_indices = @transform_0, window_bounds = array<i64: 2048, 128>}, {pipeline_mode = #tpu.pipeline_mode<synchronous>, transform_indices = @transform_1, window_bounds = array<i64: 128, 128>}, {pipeline_mode = #tpu.pipeline_mode<synchronous>, transform_indices = @transform_2, window_bounds = array<i64: 1, 128>}, {transform_indices = @transform_3, window_bounds = array<i64: 2048, 128>}]} {
    %get3A = arith.constant 0 : index
    %get3A_0 = arith.constant 0 : index
    %get3A_1 = vector.load %arg1[%get3A, %get3A_0] : memref<2048x128xf32, #tpu.memory_space<vmem>>, vector<2048x128xf32>
    %convert_element_type3A = arith.truncf %get3A_1 : vector<2048x128xf32> to vector<2048x128xbf16>
    %get3A_2 = arith.constant 0 : index
    %get3A_3 = arith.constant 0 : index
    %get3A_4 = vector.load %arg2[%get3A_2, %get3A_3] : memref<128x128xf32, #tpu.memory_space<vmem>>, vector<128x128xf32>
    %convert_element_type3A_5 = arith.truncf %get3A_4 : vector<128x128xf32> to vector<128x128xbf16>
    %dot_general3A = arith.constant dense<0.000000e+00> : vector<2048x128xf32>
    %dot_general3A_6 = tpu.matmul %convert_element_type3A, %convert_element_type3A_5, %dot_general3A {dimension_numbers = #tpu.dot_dimension_numbers<[1], [0], [0], [1], [0, 0, 1, 1], [], []>, transpose_lhs_hint = false} : vector<2048x128xbf16>, vector<128x128xbf16>, vector<2048x128xf32> -> vector<2048x128xf32>
    %get3A_7 = arith.constant 0 : index
    %get3A_8 = arith.constant 0 : index
    %get3A_9 = vector.load %arg3[%get3A_7, %get3A_8] : memref<1x128xf32, #tpu.memory_space<vmem>>, vector<1x128xf32>
    %add3A = vector.broadcast %get3A_9 : vector<1x128xf32> to vector<2048x128xf32>
    %add3A_10 = arith.addf %dot_general3A_6, %add3A : vector<2048x128xf32>
    %swap3A = arith.constant 0 : index
    %swap3A_11 = arith.constant 0 : index
    %swap3A_12 = vector.load %arg4[%swap3A, %swap3A_11] : memref<2048x128xf32, #tpu.memory_space<vmem>>, vector<2048x128xf32>
    tpu.vector_store %arg4[%swap3A, %swap3A_11], %add3A_10 {strides = array<i32>} : memref<2048x128xf32, #tpu.memory_space<vmem>>, vector<2048x128xf32>,
    return
  }
  func.func @transform_0(%arg0: i32) -> (i32, i32) {
    %c0_i32 = arith.constant 0 : i32
    %c0_i32_0 = arith.constant 0 : i32
    return %arg0, %c0_i32 : i32, i32
  }
  func.func @transform_1(%arg0: i32) -> (i32, i32) {
    %c0_i32 = arith.constant 0 : i32
    %c0_i32_0 = arith.constant 0 : i32
    %c0_i32_1 = arith.constant 0 : i32
    return %c0_i32, %c0_i32_0 : i32, i32
  }
  func.func @transform_2(%arg0: i32) -> (i32, i32) {
    %c0_i32 = arith.constant 0 : i32
    %c0_i32_0 = arith.constant 0 : i32
    %c0_i32_1 = arith.constant 0 : i32
    return %c0_i32, %c0_i32_0 : i32, i32
  }
  func.func @transform_3(%arg0: i32) -> (i32, i32) {
    %c0_i32 = arith.constant 0 : i32
    %c0_i32_0 = arith.constant 0 : i32
    return %arg0, %c0_i32 : i32, i32
  }
}

</mosaic_0001>

<sc_bundles>
// kernel: kernel.4.cloned.1.call-start
scs
__scs_entry_jumppad:
0x0: {  	(pc) =	sbr.rel $0x88, $3  }
0x1: {  	(tag) =	ssettag $0x0;
	lr =	simm.s32 $0x1  }
0x2: {  	[smem:$0x3F9D] =	sst lr;
	_ =	strace $0xD0000000  }
0x3: {  	_ = 	snop  }
0x4: {  	_ = 	snop  }
0x5: {  	_ = 	snop  }
0x6: {  	_ = 	snop  }
0x7: {  	_ = 	snop  }
__scs_overlays_trampoline_lowered:
0x8: {  	[smem:$0x3FAC] =	sst s0  }
0x9: {  	[smem:$0x3FAD] =	sst s1  }
0xa: {  	[smem:$0x3FAE] =	sst s2  }
0xb: {  	[smem:$0x3FAF] =	sst s3  }
0xc: {  	[smem:$0x3FB0] =	sst s4  }
0xd: {  	[smem:$0x3FB1] =	sst s5  }
0xe: {  	[smem:$0x3FB2] =	sst s6  }
0xf: {  	[smem:$0x3FB3] =	sst s7  }
0x10: {  	[smem:$0x3FB4] =	sst s8  }
0x11: {  	[smem:$0x3FB5] =	sst s9;
	s0 =	simm.s32 @!p0 $0x0  }
0x12: {  	s1 =	sld [smem:$0x3F9B];
	s0 =	simm.s32 @p0 $0x1  }
0x13: {  	[smem:$0x3FB6] =	sst s0;
	s0 =	simm.s32 @!p1 $0x0  }
0x14: {  	s2 =	sld [smem:$0x3F9A];
	s0 =	simm.s32 @p1 $0x1  }
0x15: {  	[smem:$0x3FB7] =	sst s0;
	s0 =	simm.s32 @!p2 $0x0  }
0x16: {  	s3 =	sld [smem:$0x3FDB];
	s0 =	simm.s32 @p2 $0x1  }
0x17: {  	s4 =	simm.s32 $0x1BF5;
	[smem:$0x3FB9] =	sst s0  }
0x18: {  	s0 =	sld [smem:$0x3F9C];
	_ =	swait.ge [sflag:s4], $0x0  }
0x19: {  	s7 =	sld [smem:$0x3F9D]  }
0x1a: {  	s8 =	sadd.s32 $0xFFFFE003, lr  }
0x1b: {  	s9 =	sadd.s32 $0xFFFFFEF7, lr;
	s5 =	simm.s32 $0xFFFFFFFF;
	p2 =	slt.u32 s8, $0xFFFFF086  }
0x1c: {  	p1 =	slt.u32 s9, $0xF7A;
	s5 =	simm.s32 @!p2 $0x0  }
0x1d: {  	s5 =	simm.s32 @p1 $0x1;
	p0 =	seq.s32 s7, s2  }
0x1e: {  	s7 =	smul.u32 @!p0 $0xF7A, s2;
	p2 =	seq.s32 @!p0 s5, $0x0  }
0x1f: {  	s9 =	smul.u32 $0xF7A, s1;
	s8 =	simm.s32 @!p0 $0x1BF5;
	p2 =	por !p2, p0  }
0x20: {  	[sflag:s8] =	ssyncset.s32 @!p0 $0xFFFFF086;
	s6 =	sadd.s32 @!p0 s3, s7;
	s7 =	simm.s32 @!p0 $0x108  }
0x21: {  	s3 =	sadd.s32 s3, s9;
	s6 =	sadd.s32 @!p0 $0x88, s6;
	s7 =	simm.s32 @p2 $0x1082  }
0x22: {  	[simem:s7], [sflag:s8] =	dma.local @!p0 [hbm:s6], $0xF7A  }
0x23: {  	s9 =	sor.u32 $0xD0000000, s2;
	s6 =	simm.s32 $0x108;
	_ =	swait.ge @!p0 [sflag:s8], $0x0  }
0x24: {  	s3 =	sadd.s32 $0x88, s3;
	s6 =	simm.s32 @!p1 $0x1082;
	[sflag:s4] =	ssyncset.s32 $0xFFFFF086  }
0x25: {  	[simem:s6], [sflag:s4] =	dma.local [hbm:s3], $0xF7A  }
0x26: {  	[smem:$0x3F9D] =	sst s1;
	(tag) =	ssettag s2;
	_ =	strace s9  }
0x27: {  	s1 =	sld [smem:$0x3FAD]  }
0x28: {  	s2 =	sld [smem:$0x3FAE]  }
0x29: {  	s4 =	sld [smem:$0x3FB0]  }
0x2a: {  	p0 =	seq.s32 s5, $0x0;
	s5 =	sld [smem:$0x3FB1]  }
0x2b: {  	s6 =	sld [smem:$0x3FB2]  }
0x2c: {  	s7 =	sld [smem:$0x3FB3]  }
0x2d: {  	s3 =	simm.s32 $0x108;
	s8 =	sld [smem:$0x3FB4]  }
0x2e: {  	s3 =	simm.s32 @!p0 $0x1082;
	s9 =	sld [smem:$0x3FB5]  }
0x2f: {  	lr =	sadd.s32 s0, s3;
	s0 =	sld [smem:$0x3FAC]  }
0x30: {  	s3 =	sld [smem:$0x3FAF]  }
0x31: {  	[smem:$0x3FB8] =	sst s10  }
0x32: {  	s10 =	sld [smem:$0x3FB6];
	_ =	sdelay $0x3  }
0x33: {  	p0 =	seq.s32 s10, $0x1;
	s10 =	sld [smem:$0x3FB8];
	_ =	sdelay $0x3  }
0x34: {  	[smem:$0x3FB8] =	sst s10  }
0x35: {  	s10 =	sld [smem:$0x3FB7];
	_ =	sdelay $0x3  }
0x36: {  	p1 =	seq.s32 s10, $0x1;
	s10 =	sld [smem:$0x3FB8];
	_ =	sdelay $0x3  }
0x37: {  	[smem:$0x3FB8] =	sst s10  }
0x38: {  	s10 =	sld [smem:$0x3FB9]  }
0x39: {  	_ = 	snop;
	(pc) =	sbr.ind lr, $3  }
0x3a: {  	_ = 	snop  }
0x3b: {  	_ = 	snop  }
0x3c: {  	p2 =	seq.s32 s10, $0x1;
	s10 =	sld [smem:$0x3FB8]  }
0x3d: {  	_ =	shalt  }
0x3e: {  	_ =	shalt  }
0x3f: {  	_ =	shalt  }
0x40: {  	_ =	shalt  }
0x41: {  	_ =	shalt  }
0x42: {  	_ =	shalt  }
0x43: {  	_ =	shalt  }
0x44: {  	_ =	shalt  }
0x45: {  	_ =	shalt  }
0x46: {  	_ =	shalt  }
0x47: {  	_ =	shalt  }
0x48: {  	_ =	shalt  }
0x49: {  	_ =	shalt  }
0x4a: {  	_ =	shalt  }
0x4b: {  	_ =	shalt  }
0x4c: {  	_ =	shalt  }
0x4d: {  	_ =	shalt  }
0x4e: {  	_ =	shalt  }
0x4f: {  	_ =	shalt  }
0x50: {  	_ =	shalt  }
0x51: {  	_ =	shalt  }
0x52: {  	_ =	shalt  }
0x53: {  	_ =	shalt  }
0x54: {  	_ =	shalt  }
0x55: {  	_ =	shalt  }
0x56: {  	_ =	shalt  }
0x57: {  	_ =	shalt  }
0x58: {  	_ =	shalt  }
0x59: {  	_ =	shalt  }
0x5a: {  	_ =	shalt  }
0x5b: {  	_ =	shalt  }
0x5c: {  	_ =	shalt  }
0x5d: {  	_ =	shalt  }
0x5e: {  	_ =	shalt  }
0x5f: {  	_ =	shalt  }
0x60: {  	_ =	shalt  }
0x61: {  	_ =	shalt  }
0x62: {  	_ =	shalt  }
0x63: {  	_ =	shalt  }
0x64: {  	_ =	shalt  }
0x65: {  	_ =	shalt  }
0x66: {  	_ =	shalt  }
0x67: {  	_ =	shalt  }
0x68: {  	_ =	shalt  }
0x69: {  	_ =	shalt  }
0x6a: {  	_ =	shalt  }
0x6b: {  	_ =	shalt  }
0x6c: {  	_ =	shalt  }
0x6d: {  	_ =	shalt  }
0x6e: {  	_ =	shalt  }
0x6f: {  	_ =	shalt  }
0x70: {  	_ =	shalt  }
0x71: {  	_ =	shalt  }
0x72: {  	_ =	shalt  }
0x73: {  	_ =	shalt  }
0x74: {  	_ =	shalt  }
0x75: {  	_ =	shalt  }
0x76: {  	_ =	shalt  }
0x77: {  	_ =	shalt  }
0x78: {  	_ =	shalt  }
0x79: {  	_ =	shalt  }
0x7a: {  	_ =	shalt  }
0x7b: {  	_ =	shalt  }
0x7c: {  	_ =	shalt  }
0x7d: {  	_ =	shalt  }
0x7e: {  	_ =	shalt  }
0x7f: {  	_ =	shalt  }
0x80: {  	_ =	shalt  }
0x81: {  	_ =	shalt  }
0x82: {  	_ =	shalt  }
0x83: {  	_ =	shalt  }
0x84: {  	_ =	shalt  }
0x85: {  	_ =	shalt  }
0x86: {  	_ =	shalt  }
0x87: {  	_ =	shalt  }
.Lfunc_end0:
.L_simem_size_0:
called_computation_lowered:
.L_overlay_start_0:
0x88: {  	s2 =	sld [smem:$0x3FD9]  }
0x89: {  	s3 =	sld [smem:$0x3FFE];
	_ =	sdelay $0x1  }
0x8a: {  	s1 =	srdreg.scid  }
0x8b: {  	s0 =	sand.u32 $0x1, s1  }
0x8c: {  	s16 =	sshll.u32 s0, $0xA;
	s2 =	sadd.s32 s3, s2  }
0x8d: {  	s2 =	sadd.s32 s2, s16  }
0x8e: {  	[smem:$0x3FC4] =	sst s2  }
0x8f: {  	_ = 	snop  }
0x90: {  	(tm) =	ssettm $0x1  }
0x91: {  	s17 =	sld [smem:$0x3FFB];
	_ =	sdelay $0x3  }
0x92: {  	_ =	strace s17  }
0x93: {  	s2 =	sld [smem:$0x3FFC];
	_ =	sdelay $0x3  }
0x94: {  	_ =	strace s2  }
0x95: {  	s2 =	sld [smem:$0x3FFD];
	_ =	sdelay $0x3  }
0x96: {  	_ =	strace s2  }
0x97: {  	_ =	strace $0x8FFFFFFF  }
0x98: {  	s18 =	sld [smem:$0x3FDB];
	_ =	sdelay $0x1  }
0x99: {  	s19 =	simm.s32 $_scs_section_size  }
0x9a: {  	s4 =	simm.s32 $_size__tile_overlayer_lowered;
	s5 =	simm.s32 $_tile_overlayer_lowered  }
0x9b: {  	s22 =	simm.s32 $0x1BFF;
	s21 =	sshll.u32 s5, $0x1;
	s2 =	sadd.s32 s19, s18  }
0x9c: {  	s6 =	simm.s32 $0x0;
	s20 =	sshll.u32 s4, $0x1;
	s4 =	sadd.s32 s21, s2  }
0x9d: {  	[timem:s6], [sflag:s22] =	dma.local [hbm:s4], s20  }
0x9e: {  	_ =	swait.ge [sflag:s22], s20  }
0x9f: {  	s3 =	ssub.s32 $0x0, s20;
	[sflag:s22] =	ssyncset.done $0x0  }
0xa0: {  	[sflag:s22] =	ssyncadd.s32 s3;
	_ =	sdelay $0x1  }
0xa1: {  	s23 =	simm.s32 $0x1B8B  }
0xa2: {  	_ =	swait.ge [sflag:s23], $0x1  }
0xa3: {  	[sflag:s23] =	ssyncset.done $0x0  }
0xa4: {  	s25 =	simm.s32 $0x1B8E;
	s24 =	sld [smem:$0x3FFE];
	[sflag:s23] =	ssyncadd.s32 $0xFFFFFFFF  }
0xa5: {  	s26 =	simm.s32 $execute0_lowered;
	[smem:$0x3FD2] =	sst s25  }
0xa6: {  	s4 =	sshll.u32 s26, $0x1;
	_ =	strace $0x80000046;
	[dreg:$0x1] =	wrdreg $0xFFFFFFFF  }
0xa7: {  	s28 =	simm.s32 $_size_execute0_lowered;
	s2 =	sadd.s32 s2, s4;
	[dreg:$0x0] =	wrdreg $0x0  }
0xa8: {  	s4 =	sshll.u32 s28, $0x1;
	[dreg:$0x2] =	wrdreg s2  }
0xa9: {  	[dreg:$0x3] =	wrdreg s4  }
0xaa: {  	[dreg:$0x4] =	wrdreg $0xC0  }
0xab: {  	_ =	task [dreg:s6], $0x5FFFF  }
0xac: {  	[dreg:$0x1] =	wrdreg $0xFFFFFFFF  }
0xad: {  	[dreg:$0x0] =	wrdreg $0x60  }
0xae: {  	[dreg:$0x2] =	wrdreg s24  }
0xaf: {  	[dreg:$0x3] =	wrdreg $0x9  }
0xb0: {  	_ =	task.clear_ibuf [dreg:s6], $0x4FFFF;
	_ =	strace $0x90000046  }
0xb1: {  	s29 =	simm.s32 $0x9;
	_ =	strace $0x80000048  }
0xb2: {  	_ =	swait.ge [sflag:s29], $0x1  }
0xb3: {  	[sflag:s29] =	ssyncadd.s32 $0xFFFFFFFF  }
0xb4: {  	_ =	strace $0x90000048  }
0xb5: {  	_ =	sfence  }
0xb6: {  	s30 =	sld [smem:$0x0];
	_ =	sdelay $0x2  }
0xb7: {  	s31 =	sshll.u32 s1, $0xD;
	s1 =	sshrl.u32 s1, $0x2  }
0xb8: {  	s3 =	sand.u32 $0x4000, s31;
	s1 =	sadd.s32 s1, s30  }
0xb9: {  	s0 =	sor.u32 s3, s0;
	s1 =	sshll.u32 s1, $0x11  }
0xba: {  	s0 =	sor.u32 s1, s0  }
0xbb: {  	s0 =	sadd.s32 $0x8F2B, s0  }
0xbc: {  	[sflag:s0] =	ssyncadd.remote.s32 $0x1  }
0xbd: {  	_ =	sfence.sel $0xFFFF  }
0xbe: {  	[dreg:$0x0] =	wrdreg $0xFFFFFFFF;
	(pc) =	sbr.abs _section_cstart, $3  }
0xbf: {  	[dreg:$0x1] =	wrdreg $0xFFFFFFFF  }
0xc0: {  	_ =	task.clear_ibuf [dreg:s6], $0x2FFFF;
	_ =	strace $0x9FFFFFFF  }
0xc1: {  	(tm) =	ssettm $0x7FFFFFFF  }
tec
execute0_lowered:
.L_overlay_start_1:
0x0: {  	(tag) =	ssettag $0x1  }
0x1: {  	s0 =	srdreg.scid;
	s14 =	stileid.u32  }
0x2: {  	s1 =	sand.u32 $0x1, s0;
	s18 =	sshll.u32 s14, $0x1  }
0x3: {  	s5 =	sor.u32 s1, s18  }
0x4: {  	s0 =	smul.u32 $0x1900, s5  }
0x5: {  	v51 =	vlaneseq.u32  }
0x6: {  	v1 =	vor.u32 s0, v51;
	v2 =	vmov s0  }
0x7: {  	v48 =	vand.u32 $0x1, v51;
	s2 =	sor.u32 $0x10, s0;
	s19 =	sor.u32 $0x20, s0;
	v1 =	vshrl.u32 v1, $0x1;
	v2 =	vshrl.u32 v2, $0xA  }
0x8: {  	s20 =	sor.u32 $0x30, s0;
	v3 =	vor.u32 s2, v51;
	v4 =	vmov s2;
	v5 =	vor.u32 s19, v51  }
0x9: {  	s21 =	sor.u32 $0x40, s0;
	s22 =	sor.u32 $0x50, s0;
	v10 =	vmov s19;
	v11 =	vor.u32 s20, v51;
	v15 =	vmov s20  }
0xa: {  	s23 =	sor.u32 $0x60, s0;
	v16 =	vor.u32 s21, v51;
	v20 =	vmov s21;
	v21 =	vor.u32 s22, v51  }
0xb: {  	s24 =	sor.u32 $0x70, s0;
	s6 =	sor.u32 $0x80, s0;
	v25 =	vmov s22;
	v26 =	vor.u32 s23, v51;
	v30 =	vmov s23  }
0xc: {  	s25 =	sor.u32 $0x90, s0;
	v31 =	vor.u32 s24, v51;
	v35 =	vmov s24;
	v36 =	vor.u32 s6, v51  }
0xd: {  	s26 =	sor.u32 $0xA0, s0;
	s3 =	sor.u32 $0xB0, s0;
	v40 =	vmov s6;
	v41 =	vor.u32 s25, v51;
	v45 =	vmov s25  }
0xe: {  	s4 =	sor.u32 $0xC0, s0;
	v46 =	vor.u32 s26, v51;
	v52 =	vmov s26;
	v53 =	vor.u32 s3, v51  }
0xf: {  	s7 =	sor.u32 $0xD0, s0;
	v57 =	vmov s3;
	v58 =	vor.u32 s4, v51;
	v62 =	vmov s4  }
0x10: {  	v63 =	vor.u32 s7, v51;
	v1 =	vand.u32 $0x387, v1;
	v2 =	vand.u32 $0x1FFFFE, v2  }
0x11: {  	v3 =	vshrl.u32 v3, $0x1;
	v4 =	vshrl.u32 v4, $0xA;
	v9 =	vshrl.u32 v5, $0x1  }
0x12: {  	v14 =	vshrl.u32 v11, $0x1;
	v19 =	vshrl.u32 v16, $0x1;
	v24 =	vshrl.u32 v21, $0x1  }
0x13: {  	v29 =	vshrl.u32 v26, $0x1;
	v34 =	vshrl.u32 v31, $0x1;
	v39 =	vshrl.u32 v36, $0x1  }
0x14: {  	s8 =	sor.u32 $0xE0, s0;
	v44 =	vshrl.u32 v41, $0x1;
	v50 =	vshrl.u32 v46, $0x1;
	v56 =	vshrl.u32 v53, $0x1  }
0x15: {  	s9 =	sor.u32 $0xF0, s0;
	s10 =	sadd.s32 $0x100, s0;
	s11 =	sadd.s32 $0x110, s0;
	v61 =	vshrl.u32 v58, $0x1;
	v11 =	vmov s7;
	v16 =	vmov s8  }
0x16: {  	s12 =	sadd.s32 $0x120, s0;
	s13 =	sadd.s32 $0x130, s0;
	s15 =	sadd.s32 $0x140, s0;
	v21 =	vmov s9;
	v26 =	vmov s10;
	v31 =	vmov s11  }
0x17: {  	s16 =	sadd.s32 $0x150, s0;
	v36 =	vmov s12;
	v41 =	vmov s13;
	v46 =	vmov s15  }
0x18: {  	v53 =	vmov s16;
	v1 =	vmul.u32 $0xC8, v1;
	v3 =	vand.u32 $0x38F, v3  }
0x19: {  	s17 =	sadd.s32 $0x160, s0;
	v8 =	vand.u32 $0x1FFFFE, v4;
	v4 =	vand.u32 $0x397, v9;
	v3 =	vmul.u32 $0xC8, v3  }
0x1a: {  	v58 =	vmov s17;
	v4 =	vmul.u32 $0xC8, v4;
	v2 =	vadd.s32 v2, v1  }
0x1b: {  	s18 =	sadd.s32 $0x170, s0;
	v0 =	vor.u32 v48, v2;
	v2 =	vadd.s32 v8, v3;
	v3 =	vshrl.u32 v10, $0xA  }
0x1c: {  	v10 =	vshrl.u32 v63, $0x1;
	v63 =	vmov s18;
	v13 =	vand.u32 $0x1FFFFE, v3  }
0x1d: {  	v12 =	vor.u32 v48, v2;
	v3 =	vand.u32 $0x39F, v14;
	v2 =	vadd.s32 v13, v4  }
0x1e: {  	[tilespmem:$0x1FD10] =	vst v12;
	v3 =	vmul.u32 $0xC8, v3;
	v4 =	vshrl.u32 v15, $0xA;
	v12 =	vor.u32 s8, v51  }
0x1f: {  	s19 =	sadd.s32 $0x180, s0;
	v17 =	vor.u32 v48, v2;
	v18 =	vand.u32 $0x1FFFFE, v4;
	v4 =	vand.u32 $0x3A7, v19  }
0x20: {  	v15 =	vshrl.u32 v12, $0x1;
	v12 =	vmov s19;
	v2 =	vadd.s32 v18, v3  }
0x21: {  	[tilespmem:$0x1FD20] =	vst v17;
	v4 =	vmul.u32 $0xC8, v4;
	v3 =	vshrl.u32 v20, $0xA;
	v17 =	vor.u32 s9, v51  }
0x22: {  	s20 =	sadd.s32 $0x190, s0;
	v22 =	vor.u32 v48, v2;
	v23 =	vand.u32 $0x1FFFFE, v3;
	v3 =	vand.u32 $0x3AF, v24  }
0x23: {  	v20 =	vshrl.u32 v17, $0x1;
	v17 =	vmov s20;
	v2 =	vadd.s32 v23, v4  }
0x24: {  	[tilespmem:$0x1FD30] =	vst v22;
	v3 =	vmul.u32 $0xC8, v3;
	v4 =	vshrl.u32 v25, $0xA;
	v22 =	vor.u32 s10, v51  }
0x25: {  	s21 =	sadd.s32 $0x1A0, s0;
	v27 =	vor.u32 v48, v2;
	v28 =	vand.u32 $0x1FFFFE, v4;
	v4 =	vand.u32 $0x3B7, v29  }
0x26: {  	v25 =	vshrl.u32 v22, $0x1;
	v22 =	vmov s21;
	v2 =	vadd.s32 v28, v3  }
0x27: {  	[tilespmem:$0x1FD40] =	vst v27;
	v4 =	vmul.u32 $0xC8, v4;
	v3 =	vshrl.u32 v30, $0xA;
	v27 =	vor.u32 s11, v51  }
0x28: {  	s22 =	sadd.s32 $0x1B0, s0;
	v32 =	vor.u32 v48, v2;
	v33 =	vand.u32 $0x1FFFFE, v3;
	v3 =	vand.u32 $0x3BF, v34  }
0x29: {  	v30 =	vshrl.u32 v27, $0x1;
	v27 =	vmov s22;
	v2 =	vadd.s32 v33, v4  }
0x2a: {  	[tilespmem:$0x1FD50] =	vst v32;
	v3 =	vmul.u32 $0xC8, v3;
	v4 =	vshrl.u32 v35, $0xA;
	v32 =	vor.u32 s12, v51  }
0x2b: {  	s23 =	sadd.s32 $0x1C0, s0;
	v37 =	vor.u32 v48, v2;
	v38 =	vand.u32 $0x1FFFFE, v4;
	v4 =	vand.u32 $0x3C7, v39  }
0x2c: {  	v35 =	vshrl.u32 v32, $0x1;
	v32 =	vmov s23;
	v2 =	vadd.s32 v38, v3  }
0x2d: {  	[tilespmem:$0x1FD60] =	vst v37;
	v4 =	vmul.u32 $0xC8, v4;
	v3 =	vshrl.u32 v40, $0xA;
	v37 =	vor.u32 s13, v51  }
0x2e: {  	s24 =	sadd.s32 $0x1D0, s0;
	s13 =	sadd.s32 $0x290, s0;
	v42 =	vor.u32 v48, v2;
	v43 =	vand.u32 $0x1FFFFE, v3;
	v3 =	vand.u32 $0x3CF, v44  }
0x2f: {  	v40 =	vshrl.u32 v37, $0x1;
	v37 =	vmov s24;
	v7 =	vmov s13  }
0x30: {  	v2 =	vadd.s32 v43, v4;
	v3 =	vmul.u32 $0xC8, v3;
	v4 =	vshrl.u32 v45, $0xA  }
0x31: {  	[tilespmem:$0x1FD70] =	vst v42;
	v42 =	vor.u32 s15, v51;
	v7 =	vshrl.u32 v7, $0xA;
	v47 =	vor.u32 v48, v2  }
0x32: {  	s25 =	sadd.s32 $0x1E0, s0;
	v49 =	vand.u32 $0x1FFFFE, v4;
	v4 =	vand.u32 $0x3D7, v50;
	v45 =	vshrl.u32 v42, $0x1  }
0x33: {  	v42 =	vmov s25;
	v7 =	vand.u32 $0x1FFFFE, v7;
	v2 =	vadd.s32 v49, v3  }
0x34: {  	[tilespmem:$0x1FD80] =	vst v47;
	v4 =	vmul.u32 $0xC8, v4;
	v3 =	vshrl.u32 v52, $0xA;
	v47 =	vor.u32 s16, v51  }
0x35: {  	s26 =	sadd.s32 $0x1F0, s0;
	v54 =	vor.u32 v48, v2;
	v55 =	vand.u32 $0x1FFFFE, v3;
	v3 =	vand.u32 $0x3DF, v56  }
0x36: {  	v52 =	vshrl.u32 v47, $0x1;
	v47 =	vmov s26;
	v2 =	vadd.s32 v55, v4  }
0x37: {  	[tilespmem:$0x1FD90] =	vst v54;
	v3 =	vmul.u32 $0xC8, v3;
	v4 =	vshrl.u32 v57, $0xA;
	v54 =	vor.u32 s17, v51  }
0x38: {  	s3 =	sadd.s32 $0x200, s0;
	v59 =	vor.u32 v48, v2;
	v60 =	vand.u32 $0x1FFFFE, v4;
	v4 =	vand.u32 $0x3E7, v61  }
0x39: {  	v57 =	vshrl.u32 v54, $0x1;
	v54 =	vmov s3;
	v2 =	vadd.s32 v60, v3  }
0x3a: {  	[tilespmem:$0x1FDA0] =	vst v59;
	v4 =	vmul.u32 $0xC8, v4;
	v3 =	vshrl.u32 v62, $0xA;
	v59 =	vor.u32 s18, v51  }
0x3b: {  	s4 =	sadd.s32 $0x210, s0;
	v8 =	vor.u32 v48, v2;
	v9 =	vand.u32 $0x1FFFFE, v3;
	v3 =	vand.u32 $0x3EF, v10  }
0x3c: {  	v62 =	vshrl.u32 v59, $0x1;
	v59 =	vmov s4;
	v2 =	vadd.s32 v9, v4  }
0x3d: {  	[tilespmem:$0x1FDB0] =	vst v8;
	v3 =	vmul.u32 $0xC8, v3;
	v4 =	vshrl.u32 v11, $0xA;
	v8 =	vor.u32 s19, v51  }
0x3e: {  	s7 =	sadd.s32 $0x220, s0;
	v13 =	vor.u32 v48, v2;
	v14 =	vand.u32 $0x1FFFFE, v4;
	v4 =	vand.u32 $0x3F7, v15  }
0x3f: {  	v11 =	vshrl.u32 v8, $0x1;
	v8 =	vmov s7;
	v2 =	vadd.s32 v14, v3  }
0x40: {  	[tilespmem:$0x1FDC0] =	vst v13;
	v4 =	vmul.u32 $0xC8, v4;
	v3 =	vshrl.u32 v16, $0xA;
	v13 =	vor.u32 s20, v51  }
0x41: {  	s8 =	sadd.s32 $0x230, s0;
	v18 =	vor.u32 v48, v2;
	v19 =	vand.u32 $0x1FFFFE, v3;
	v3 =	vand.u32 $0x3FF, v20  }
0x42: {  	v16 =	vshrl.u32 v13, $0x1;
	v13 =	vmov s8;
	v2 =	vadd.s32 v19, v4  }
0x43: {  	[tilespmem:$0x1FDD0] =	vst v18;
	v3 =	vmul.u32 $0xC8, v3;
	v4 =	vshrl.u32 v21, $0xA;
	v18 =	vor.u32 s21, v51  }
0x44: {  	s9 =	sadd.s32 $0x240, s0;
	v23 =	vor.u32 v48, v2;
	v24 =	vand.u32 $0x1FFFFE, v4;
	v4 =	vand.u32 $0x387, v25  }
0x45: {  	v21 =	vshrl.u32 v18, $0x1;
	v18 =	vmov s9;
	v2 =	vadd.s32 v24, v3  }
0x46: {  	[tilespmem:$0x1FDE0] =	vst v23;
	v4 =	vmul.u32 $0xC8, v4;
	v3 =	vshrl.u32 v26, $0xA;
	v23 =	vor.u32 s22, v51  }
0x47: {  	s10 =	sadd.s32 $0x250, s0;
	v28 =	vor.u32 v48, v2;
	v29 =	vand.u32 $0x1FFFFE, v3;
	v3 =	vand.u32 $0x38F, v30  }
0x48: {  	v26 =	vshrl.u32 v23, $0x1;
	v23 =	vmov s10;
	v2 =	vadd.s32 v29, v4  }
0x49: {  	[tilespmem:$0x1FDF0] =	vst v28;
	v3 =	vmul.u32 $0xC8, v3;
	v4 =	vshrl.u32 v31, $0xA;
	v28 =	vor.u32 s23, v51  }
0x4a: {  	s11 =	sadd.s32 $0x260, s0;
	v33 =	vor.u32 v48, v2;
	v34 =	vand.u32 $0x1FFFFE, v4;
	v4 =	vand.u32 $0x397, v35  }
0x4b: {  	v31 =	vshrl.u32 v28, $0x1;
	v28 =	vmov s11;
	v2 =	vadd.s32 v34, v3  }
0x4c: {  	[tilespmem:$0x1FE00] =	vst v33;
	v4 =	vmul.u32 $0xC8, v4;
	v3 =	vshrl.u32 v36, $0xA;
	v33 =	vor.u32 s24, v51  }
0x4d: {  	v38 =	vor.u32 v48, v2;
	v39 =	vand.u32 $0x1FFFFE, v3;
	v3 =	vand.u32 $0x39F, v40  }
0x4e: {  	v36 =	vshrl.u32 v33, $0x1;
	v2 =	vadd.s32 v39, v4;
	v3 =	vmul.u32 $0xC8, v3  }
0x4f: {  	[tilespmem:$0x1FE10] =	vst v38;
	v4 =	vshrl.u32 v41, $0xA;
	v38 =	vor.u32 s25, v51;
	v43 =	vor.u32 v48, v2  }
0x50: {  	v44 =	vand.u32 $0x1FFFFE, v4;
	v4 =	vand.u32 $0x3A7, v45;
	v41 =	vshrl.u32 v38, $0x1  }
0x51: {  	v2 =	vadd.s32 v44, v3;
	v4 =	vmul.u32 $0xC8, v4;
	v3 =	vshrl.u32 v46, $0xA  }
0x52: {  	[tilespmem:$0x1FE20] =	vst v43;
	v43 =	vor.u32 s26, v51;
	v49 =	vor.u32 v48, v2;
	v50 =	vand.u32 $0x1FFFFE, v3  }
0x53: {  	v3 =	vand.u32 $0x3AF, v52;
	v46 =	vshrl.u32 v43, $0x1;
	v2 =	vadd.s32 v50, v4  }
0x54: {  	[tilespmem:$0x1FE30] =	vst v49;
	v3 =	vmul.u32 $0xC8, v3;
	v4 =	vshrl.u32 v53, $0xA;
	v49 =	vor.u32 s3, v51  }
0x55: {  	s3 =	sadd.s32 $0x280, s0;
	v55 =	vor.u32 v48, v2;
	v56 =	vand.u32 $0x1FFFFE, v4;
	v4 =	vand.u32 $0x3B7, v57  }
0x56: {  	v53 =	vshrl.u32 v49, $0x1;
	v33 =	vor.u32 s3, v51;
	v6 =	vmov s3  }
0x57: {  	v2 =	vadd.s32 v56, v3;
	v4 =	vmul.u32 $0xC8, v4;
	v3 =	vshrl.u32 v58, $0xA  }
0x58: {  	[tilespmem:$0x1FE40] =	vst v55;
	v55 =	vor.u32 s4, v51;
	v6 =	vshrl.u32 v6, $0xA;
	v60 =	vor.u32 v48, v2  }
0x59: {  	s4 =	sadd.s32 $0x2A0, s0;
	v61 =	vand.u32 $0x1FFFFE, v3;
	v3 =	vand.u32 $0x3BF, v62;
	v58 =	vshrl.u32 v55, $0x1  }
0x5a: {  	v38 =	vor.u32 s4, v51;
	v2 =	vadd.s32 v61, v4;
	v3 =	vmul.u32 $0xC8, v3  }
0x5b: {  	[tilespmem:$0x1FE50] =	vst v60;
	v4 =	vshrl.u32 v63, $0xA;
	v60 =	vor.u32 s7, v51;
	v9 =	vor.u32 v48, v2  }
0x5c: {  	v10 =	vand.u32 $0x1FFFFE, v4;
	v4 =	vand.u32 $0x3C7, v11;
	v63 =	vshrl.u32 v60, $0x1  }
0x5d: {  	v2 =	vadd.s32 v10, v3;
	v4 =	vmul.u32 $0xC8, v4;
	v3 =	vshrl.u32 v12, $0xA  }
0x5e: {  	[tilespmem:$0x1FE60] =	vst v9;
	v9 =	vor.u32 s8, v51;
	s8 =	sadd.s32 $0x2B0, s0;
	v14 =	vor.u32 v48, v2;
	v15 =	vand.u32 $0x1FFFFE, v3  }
0x5f: {  	v3 =	vand.u32 $0x3CF, v16;
	v12 =	vshrl.u32 v9, $0x1;
	v9 =	vor.u32 s8, v51  }
0x60: {  	v2 =	vadd.s32 v15, v4;
	v3 =	vmul.u32 $0xC8, v3;
	v4 =	vshrl.u32 v17, $0xA  }
0x61: {  	[tilespmem:$0x1FE70] =	vst v14;
	v14 =	vor.u32 s9, v51;
	v19 =	vor.u32 v48, v2;
	v20 =	vand.u32 $0x1FFFFE, v4  }
0x62: {  	v4 =	vand.u32 $0x3D7, v21;
	v17 =	vshrl.u32 v14, $0x1;
	v2 =	vadd.s32 v20, v3  }
0x63: {  	[tilespmem:$0x1FE80] =	vst v19;
	v4 =	vmul.u32 $0xC8, v4;
	v3 =	vshrl.u32 v22, $0xA;
	v19 =	vor.u32 s10, v51  }
0x64: {  	v24 =	vor.u32 v48, v2;
	v25 =	vand.u32 $0x1FFFFE, v3;
	v3 =	vand.u32 $0x3DF, v26  }
0x65: {  	v22 =	vshrl.u32 v19, $0x1;
	v2 =	vadd.s32 v25, v4;
	v3 =	vmul.u32 $0xC8, v3  }
0x66: {  	[tilespmem:$0x1FE90] =	vst v24;
	v4 =	vshrl.u32 v27, $0xA;
	v24 =	vor.u32 s11, v51;
	v29 =	vor.u32 v48, v2  }
0x67: {  	v30 =	vand.u32 $0x1FFFFE, v4;
	v4 =	vand.u32 $0x3E7, v31;
	v27 =	vshrl.u32 v24, $0x1  }
0x68: {  	s12 =	sadd.s32 $0x270, s0;
	v2 =	vadd.s32 v30, v3;
	v4 =	vmul.u32 $0xC8, v4;
	v3 =	vshrl.u32 v32, $0xA  }
0x69: {  	[tilespmem:$0x1FEA0] =	vst v29;
	v29 =	vor.u32 s12, v51;
	v34 =	vor.u32 v48, v2;
	v35 =	vand.u32 $0x1FFFFE, v3  }
0x6a: {  	v3 =	vand.u32 $0x3EF, v36;
	v32 =	vshrl.u32 v29, $0x1;
	v36 =	vor.u32 s13, v51  }
0x6b: {  	v2 =	vadd.s32 v35, v4;
	v3 =	vmul.u32 $0xC8, v3;
	v4 =	vshrl.u32 v37, $0xA  }
0x6c: {  	[tilespmem:$0x1FEB0] =	vst v34;
	v34 =	vmov s12;
	v35 =	vand.u32 $0x1FFFFE, v6;
	v37 =	vshrl.u32 v36, $0x1  }
0x6d: {  	s16 =	sadd.s32 $0x2D0, s0;
	v6 =	vshrl.u32 v38, $0x1;
	v39 =	vor.u32 v48, v2;
	v40 =	vand.u32 $0x1FFFFE, v4  }
0x6e: {  	s17 =	sadd.s32 $0x2E0, s0;
	s12 =	sadd.s32 $0x2C0, s0;
	s0 =	sadd.s32 $0x2F0, s0;
	v4 =	vand.u32 $0x3F7, v41;
	v5 =	vshrl.u32 v34, $0xA;
	v6 =	vand.u32 $0x3D7, v6  }
0x6f: {  	v41 =	vor.u32 s12, v51;
	v49 =	vor.u32 s0, v51;
	v2 =	vadd.s32 v40, v3  }
0x70: {  	v4 =	vmul.u32 $0xC8, v4;
	v3 =	vshrl.u32 v42, $0xA;
	v5 =	vand.u32 $0x1FFFFE, v5  }
0x71: {  	[tilespmem:$0x1FEC0] =	vst v39;
	v6 =	vmul.u32 $0xC8, v6;
	v39 =	vshrl.u32 v9, $0x1;
	v40 =	vmov s8  }
0x72: {  	v9 =	vshrl.u32 v41, $0x1;
	v44 =	vor.u32 v48, v2;
	v45 =	vand.u32 $0x1FFFFE, v3  }
0x73: {  	v3 =	vand.u32 $0x3FF, v46;
	v9 =	vand.u32 $0x3E7, v9;
	v46 =	vmov s16  }
0x74: {  	v2 =	vadd.s32 v45, v4;
	v3 =	vmul.u32 $0xC8, v3;
	v4 =	vshrl.u32 v47, $0xA  }
0x75: {  	v9 =	vmul.u32 $0xC8, v9;
	v45 =	vor.u32 s17, v51;
	v52 =	vand.u32 $0x1FFFFE, v4  }
0x76: {  	v50 =	vor.u32 v48, v2;
	v4 =	vand.u32 $0x387, v53;
	v2 =	vadd.s32 v52, v3  }
0x77: {  	[tilespmem:$0x1FEE0] =	vst v50;
	v4 =	vmul.u32 $0xC8, v4;
	v3 =	vshrl.u32 v54, $0xA;
	v50 =	vmov s0  }
0x78: {  	v56 =	vor.u32 v48, v2;
	v57 =	vand.u32 $0x1FFFFE, v3;
	v3 =	vand.u32 $0x38F, v58  }
0x79: {  	v2 =	vadd.s32 v57, v4;
	v3 =	vmul.u32 $0xC8, v3;
	v4 =	vshrl.u32 v59, $0xA  }
0x7a: {  	[tilespmem:$0x1FEF0] =	vst v56;
	v56 =	vshrl.u32 v50, $0xA;
	v62 =	vand.u32 $0x1FFFFE, v4;
	v4 =	vand.u32 $0x397, v63  }
0x7b: {  	v61 =	vor.u32 v48, v2;
	v2 =	vadd.s32 v62, v3;
	v4 =	vmul.u32 $0xC8, v4  }
0x7c: {  	v3 =	vshrl.u32 v8, $0xA;
	v8 =	vmov s4;
	v10 =	vor.u32 v48, v2  }
0x7d: {  	v11 =	vand.u32 $0x1FFFFE, v3;
	v3 =	vand.u32 $0x39F, v12;
	v8 =	vshrl.u32 v8, $0xA  }
0x7e: {  	v12 =	vmov s17;
	v2 =	vadd.s32 v11, v4;
	v3 =	vmul.u32 $0xC8, v3  }
0x7f: {  	[tilespmem:$0x1FF10] =	vst v10;
	v4 =	vshrl.u32 v13, $0xA;
	v8 =	vand.u32 $0x1FFFFE, v8;
	v10 =	vmov s12  }
0x80: {  	v11 =	vor.u32 s16, v51;
	v12 =	vshrl.u32 v12, $0xA;
	v15 =	vor.u32 v48, v2  }
0x81: {  	v16 =	vand.u32 $0x1FFFFE, v4;
	v4 =	vand.u32 $0x3A7, v17;
	v6 =	vadd.s32 v8, v6  }
0x82: {  	v8 =	vshrl.u32 v40, $0xA;
	v10 =	vshrl.u32 v10, $0xA;
	v43 =	vshrl.u32 v11, $0x1  }
0x83: {  	s28 =	simm.s32 $0x300;
	v11 =	vshrl.u32 v46, $0xA;
	v47 =	vand.u32 $0x1FFFFE, v12;
	v12 =	vshrl.u32 v49, $0x1  }
0x84: {  	s30 =	simm.s32 $0x280;
	s29 =	simm.s32 $0x2400;
	s14 =	smul.u32 $0x3200, s14;
	v2 =	vadd.s32 v16, v3;
	v4 =	vmul.u32 $0xC8, v4;
	v3 =	vshrl.u32 v18, $0xA  }
0x85: {  	s2 =	simm.s32 $0x0;
	[tilespmem:$0x1FD00] =	vst v0;
	s9 =	ssub.s32 $0x2, s1;
	s1 =	smul.u32 $0x1900, s1;
	v8 =	vand.u32 $0x1FFFFE, v8;
	v42 =	vand.u32 $0x1FFFFE, v10;
	v10 =	vshrl.u32 v45, $0x1  }
0x86: {  	s31 =	simm.s32 $0x5;
	[smem:$0x7FF] =	sst s2;
	s10 =	smul.u32 $0xC800, s5;
	[tilespmem:$0x1FED0] =	vst v44;
	v20 =	vor.u32 v48, v2;
	v21 =	vand.u32 $0x1FFFFE, v3;
	v3 =	vand.u32 $0x3AF, v22  }
0x87: {  	s6 =	sshll.u32 s6, $0x3;
	s7 =	rddreg [dreg:$0x0];
	s5 =	smul.u32 $0x64000, s5;
	[tilespmem:$0x1FF00] =	vst v61;
	v2 =	vadd.s32 v21, v4;
	v3 =	vmul.u32 $0xC8, v3;
	v4 =	vshrl.u32 v23, $0xA  }
0x88: {  	s3 =	sadd.s32 $0x6C00, s7;
	s23 =	sadd.s32 s1, s14;
	s14 =	simm.s32 $0x0;
	[tilespmem:$0x1FF20] =	vst v15;
	v54 =	vand.u32 $0x3FF, v12;
	v10 =	vand.u32 $0x3F7, v10;
	v26 =	vand.u32 $0x1FFFFE, v4  }
0x89: {  	s19 =	sshll.u32 s23, $0x3;
	s11 =	sshrl.u32 s9, $0x1;
	s5 =	sshrl.u32 s5, $0x3;
	[tilespmem:$0x1FF30] =	vst v20;
	v10 =	vmul.u32 $0xC8, v10;
	v25 =	vor.u32 v48, v2;
	v2 =	vadd.s32 v26, v3  }
0x8a: {  	s9 =	ssub.s32 s9, s11;
	s11 =	simm.s32 $0xB;
	s13 =	sadd.s32 $0xCA200, s7;
	v4 =	vand.u32 $0x3B7, v27;
	[tilespmem:$0x1FF40] =	vst v25;
	v3 =	vshrl.u32 v28, $0xA;
	v30 =	vor.u32 v48, v2  }
0x8b: {  	s22 =	smax.u32 s9, $0x1;
	s15 =	sadd.s32 s13, s10;
	s6 =	sadd.s32 s13, s6;
	v4 =	vmul.u32 $0xC8, v4;
	v31 =	vand.u32 $0x1FFFFE, v3;
	v3 =	vand.u32 $0x3BF, v32;
	[tilespmem:$0x1FF50] =	vst v30  }
0x8c: {  	s5 =	sadd.s32 s13, s5;
	v58 =	vor.u32 v48, v6;
	v10 =	vadd.s32 v47, v10;
	v3 =	vmul.u32 $0xC8, v3;
	_ =	strace $0x80000047;
	[dreg:$0x2] =	wrdreg s15  }
0x8d: {  	s9 =	simm.s32 $0xA;
	s18 =	sadd.s32 $0xB800, s5;
	v62 =	vor.u32 v48, v10;
	v2 =	vadd.s32 v31, v4;
	v4 =	vshrl.u32 v33, $0x1;
	[dreg:$0x3] =	wrdreg s6  }
0x8e: {  	s1 =	sadd.s32 s13, s19;
	s20 =	sadd.s32 $0xBC00, s5;
	v4 =	vand.u32 $0x3C7, v4;
	[dreg:$0x4] =	wrdreg s18;
	v3 =	vadd.s32 v5, v3;
	v5 =	vand.u32 $0x3CF, v37  }
0x8f: {  	s13 =	simm.s32 $0x380;
	s21 =	sadd.s32 $0xC000, s5;
	[dreg:$0x5] =	wrdreg s20;
	v52 =	vor.u32 v48, v2;
	[tilespmem:$0x1FFA0] =	vst v58;
	v4 =	vmul.u32 $0xC8, v4;
	v5 =	vmul.u32 $0xC8, v5  }
0x90: {  	s19 =	simm.s32 $0x3;
	s5 =	sadd.s32 $0xC400, s5;
	[dreg:$0x6] =	wrdreg s21;
	v2 =	vmul.u32 $0xC8, v54;
	[tilespmem:$0x1FFE0] =	vst v62;
	v53 =	vor.u32 v48, v3;
	v3 =	vand.u32 $0x1FFFFE, v56  }
0x91: {  	s10 =	simm.s32 $0x8;
	s24 =	sadd.s32 $0x1400, s1;
	[dreg:$0x7] =	wrdreg s5;
	[tilespmem:$0x1FF60] =	vst v52;
	v4 =	vadd.s32 v35, v4;
	v5 =	vadd.s32 v7, v5;
	v7 =	vand.u32 $0x3DF, v39  }
0x92: {  	s25 =	sadd.s32 $0x1000, s1;
	s26 =	sadd.s32 $0xC00, s1;
	[dreg:$0x8] =	wrdreg s22;
	[tilespmem:$0x1FF70] =	vst v53;
	v2 =	vadd.s32 v3, v2;
	v55 =	vor.u32 v48, v4;
	v7 =	vmul.u32 $0xC8, v7  }
0x93: {  	s1 =	sadd.s32 $0x800, s1;
	s8 =	simm.s32 $0x7;
	v44 =	vand.u32 $0x3EF, v43;
	[dreg:$0x9] =	wrdreg s24;
	v63 =	vor.u32 v48, v2;
	[tilespmem:$0x1FF80] =	vst v55;
	v57 =	vor.u32 v48, v5  }
0x94: {  	s0 =	simm.s32 $0x4400;
	s4 =	sadd.s32 $0x800, s7;
	[dreg:$0xa] =	wrdreg s25;
	[tilespmem:$0x1FFF0] =	vst v63;
	v7 =	vadd.s32 v8, v7;
	v8 =	vadd.s32 v42, v9;
	v9 =	vmul.u32 $0xC8, v44  }
0x95: {  	s7 =	simm.s32 $0x180;
	s17 =	simm.s32 $0x80;
	v11 =	vand.u32 $0x1FFFFE, v11;
	[dreg:$0xb] =	wrdreg s26;
	[tilespmem:$0x1FF90] =	vst v57;
	v59 =	vor.u32 v48, v7  }
0x96: {  	s12 =	simm.s32 $0xC;
	[dreg:$0xc] =	wrdreg s1;
	s26 =	simm.s32 $0x100;
	v60 =	vor.u32 v48, v8;
	v9 =	vadd.s32 v11, v9;
	[tilespmem:$0x1FFB0] =	vst v59  }
0x97: {  	s1 =	simm.s32 $0x4;
	s25 =	simm.s32 $0x6400;
	s5 =	simm.s32 $0x6;
	[tilespmem:$0x1FFC0] =	vst v60;
	v61 =	vor.u32 v48, v9  }
0x98: {  	s6 =	simm.s32 $0x9;
	s20 =	simm.s32 $0x3;
	s24 =	simm.s32 $0x4;
	[tilespmem:$0x1FFD0] =	vst v61  }
.LBB2_1:
0x99: {  	v0 =	vld [tilespmem:$0x1FD00]  }
0x9a: {  	v15 =	vld [tilespmem:$0x1FD10]  }
0x9b: {  	v16 =	vld [tilespmem:$0x1FD20]  }
0x9c: {  	v17 =	vld [tilespmem:$0x1FD30]  }
0x9d: {  	v18 =	vld [tilespmem:$0x1FD40]  }
0x9e: {  	v19 =	vld [tilespmem:$0x1FD50];
	[tilespmem:$0x0] =	vst v0  }
0x9f: {  	v20 =	vld [tilespmem:$0x1FD60];
	[tilespmem:$0x10] =	vst v15  }
0xa0: {  	v21 =	vld [tilespmem:$0x1FD70];
	[tilespmem:$0x20] =	vst v16  }
0xa1: {  	[tilespmem:$0x30] =	vst v17  }
0xa2: {  	v22 =	vld [tilespmem:$0x1FD80];
	[tilespmem:$0x40] =	vst v18  }
0xa3: {  	v23 =	vld [tilespmem:$0x1FD90];
	[tilespmem:$0x50] =	vst v19  }
0xa4: {  	v24 =	vld [tilespmem:$0x1FDA0];
	[tilespmem:$0x60] =	vst v20  }
0xa5: {  	[dreg:$0xd] =	wrdreg s14;
	s14 =	simm.s32 $0x200;
	v25 =	vld [tilespmem:$0x1FDB0];
	[tilespmem:$0x70] =	vst v21  }
0xa6: {  	v26 =	vld [tilespmem:$0x1FDC0];
	[tilespmem:s14], [sflag:$0x1] =	stream.indirect.gather [hbm4b:s4+s17], $0x1, s2, s17, $0xb8  }
0xa7: {  	v27 =	vld [tilespmem:$0x1FDD0];
	[tilespmem:$0x80] =	vst v22  }
0xa8: {  	v28 =	vld [tilespmem:$0x1FDE0];
	[tilespmem:$0x90] =	vst v23  }
0xa9: {  	v29 =	vld [tilespmem:$0x1FDF0];
	[tilespmem:$0xA0] =	vst v24  }
0xaa: {  	[tilespmem:$0xB0] =	vst v25  }
0xab: {  	[tilespmem:$0xC0] =	vst v26  }
0xac: {  	[tilespmem:$0xD0] =	vst v27  }
0xad: {  	[tilespmem:$0xE0] =	vst v28  }
0xae: {  	s15 =	simm.s32 $0x280;
	s16 =	simm.s32 $0x1;
	[tilespmem:$0xF0] =	vst v29  }
0xaf: {  	[tilespmem:s15], [sflag:$0x2] =	stream.indirect.gather [hbm4b:s4+s17], $0x1, s17, s17, $0xb8;
	[tilespmem:$0x8400] =	vst v63  }
0xb0: {  	_ =	swait.ge [sflag:s16], $0x80  }
0xb1: {  	v30 =	vld [tilespmem:$0x1FE00]  }
0xb2: {  	v31 =	vld [tilespmem:$0x1FE10]  }
0xb3: {  	[sflag:s16] =	ssyncset.done $0x0;
	v32 =	vld [tilespmem:$0x1FE20]  }
0xb4: {  	s21 =	simm.s32 $0x400;
	v33 =	vld [tilespmem:$0x1FE30];
	[sflag:s16] =	ssyncadd.s32 $0xFFFFFF80  }
0xb5: {  	v34 =	vld [tilespmem:$0x1FE40];
	[tilespmem:s21], [sflag:$0x5] =	stream.indirect.gather [hbm4b:s3+s17], $0x40, s14, s17, $0xb8  }
0xb6: {  	v35 =	vld [tilespmem:$0x1FE50];
	[tilespmem:$0x100] =	vst v30  }
0xb7: {  	v36 =	vld [tilespmem:$0x1FE60];
	[tilespmem:$0x110] =	vst v31  }
0xb8: {  	v37 =	vld [tilespmem:$0x1FE70];
	[tilespmem:$0x120] =	vst v32  }
0xb9: {  	[tilespmem:$0x130] =	vst v33  }
0xba: {  	[tilespmem:$0x140] =	vst v34  }
0xbb: {  	[tilespmem:$0x150] =	vst v35  }
0xbc: {  	[tilespmem:$0x160] =	vst v36  }
0xbd: {  	s18 =	simm.s32 $0x2;
	[tilespmem:$0x170] =	vst v37  }
0xbe: {  	[tilespmem:s28], [sflag:$0x3] =	stream.indirect.gather [hbm4b:s4+s17], $0x1, s26, s17, $0xb8;
	[tilespmem:$0x8400] =	vst v63  }
0xbf: {  	_ =	swait.ge [sflag:s18], $0x80  }
0xc0: {  	v38 =	vld [tilespmem:$0x1FE80]  }
0xc1: {  	v39 =	vld [tilespmem:$0x1FE90]  }
0xc2: {  	[sflag:s18] =	ssyncset.done $0x0;
	v40 =	vld [tilespmem:$0x1FEA0]  }
0xc3: {  	s22 =	simm.s32 $0x2400;
	v41 =	vld [tilespmem:$0x1FEB0];
	[sflag:s18] =	ssyncadd.s32 $0xFFFFFF80  }
0xc4: {  	v42 =	vld [tilespmem:$0x1FEC0];
	[tilespmem:s22], [sflag:$0x6] =	stream.indirect.gather [hbm4b:s3+s17], $0x40, s15, s17, $0xb8  }
0xc5: {  	v43 =	vld [tilespmem:$0x1FED0];
	[tilespmem:$0x180] =	vst v38  }
0xc6: {  	v44 =	vld [tilespmem:$0x1FEE0];
	[tilespmem:$0x190] =	vst v39  }
0xc7: {  	v45 =	vld [tilespmem:$0x1FEF0];
	[tilespmem:$0x1A0] =	vst v40  }
0xc8: {  	[tilespmem:$0x1B0] =	vst v41  }
0xc9: {  	[tilespmem:$0x1C0] =	vst v42  }
0xca: {  	[tilespmem:$0x1D0] =	vst v43  }
0xcb: {  	[tilespmem:$0x1E0] =	vst v44  }
0xcc: {  	[tilespmem:$0x1F0] =	vst v45  }
0xcd: {  	[tilespmem:s13], [sflag:$0x4] =	stream.indirect.gather [hbm4b:s4+s17], $0x1, s7, s17, $0xb8;
	[tilespmem:$0x8400] =	vst v63  }
0xce: {  	_ =	swait.ge [sflag:s19], $0x80  }
0xcf: {  	[sflag:s19] =	ssyncset.done $0x0  }
0xd0: {  	[sflag:s19] =	ssyncadd.s32 $0xFFFFFF80  }
0xd1: {  	[tilespmem:s0], [sflag:$0x7] =	stream.indirect.gather [hbm4b:s3+s17], $0x40, s28, s17, $0xb8;
	[tilespmem:$0x8400] =	vst v63  }
0xd2: {  	_ =	swait.ge [sflag:s31], $0x2000  }
0xd3: {  	v46 =	vld [tilespmem:$0x1FF00]  }
0xd4: {  	v47 =	vld [tilespmem:$0x1FF10]  }
0xd5: {  	[sflag:s31] =	ssyncset.done $0x0;
	v49 =	vld [tilespmem:$0x1FF20]  }
0xd6: {  	s26 =	rddreg [dreg:$0x2];
	v50 =	vld [tilespmem:$0x1FF30];
	[sflag:s31] =	ssyncadd.s32 $0xFFFFE000  }
0xd7: {  	v52 =	vld [tilespmem:$0x1FF40];
	[hbm4b:s26+s2] =	stream.linear.scatter [tilespmem:s21], [sflag:$0x9], $0x2000, $0x38  }
0xd8: {  	v53 =	vld [tilespmem:$0x1FF50];
	[tilespmem:$0x0] =	vst v46  }
0xd9: {  	v54 =	vld [tilespmem:$0x1FF60];
	[tilespmem:$0x10] =	vst v47  }
0xda: {  	v55 =	vld [tilespmem:$0x1FF70];
	[tilespmem:$0x20] =	vst v49  }
0xdb: {  	[tilespmem:$0x30] =	vst v50  }
0xdc: {  	[tilespmem:$0x40] =	vst v52  }
0xdd: {  	[tilespmem:$0x50] =	vst v53  }
0xde: {  	[tilespmem:$0x60] =	vst v54  }
0xdf: {  	[tilespmem:$0x70] =	vst v55  }
0xe0: {  	[tilespmem:s14], [sflag:$0x1] =	stream.indirect.gather [hbm4b:s4+s17], $0x1, s2, s17, $0xb8;
	[tilespmem:$0x8400] =	vst v63  }
0xe1: {  	_ =	swait.ge [sflag:s1], $0x80  }
0xe2: {  	[sflag:s1] =	ssyncset.done $0x0  }
0xe3: {  	[sflag:s1] =	ssyncadd.s32 $0xFFFFFF80  }
0xe4: {  	[tilespmem:s25], [sflag:$0x8] =	stream.indirect.gather [hbm4b:s3+s17], $0x40, s13, s17, $0xb8;
	[tilespmem:$0x8400] =	vst v63  }
0xe5: {  	_ =	swait.ge [sflag:s5], $0x2000  }
0xe6: {  	v56 =	vld [tilespmem:$0x1FF80]  }
0xe7: {  	v57 =	vld [tilespmem:$0x1FF90]  }
0xe8: {  	[sflag:s5] =	ssyncset.done $0x0;
	v58 =	vld [tilespmem:$0x1FFA0]  }
0xe9: {  	s28 =	rddreg [dreg:$0x3];
	v59 =	vld [tilespmem:$0x1FFB0];
	[sflag:s5] =	ssyncadd.s32 $0xFFFFE000  }
0xea: {  	v60 =	vld [tilespmem:$0x1FFC0];
	[hbm4b:s28+s2] =	stream.linear.scatter [tilespmem:s22], [sflag:$0xA], $0x2000, $0x38  }
0xeb: {  	v61 =	vld [tilespmem:$0x1FFD0];
	[tilespmem:$0x80] =	vst v56  }
0xec: {  	v62 =	vld [tilespmem:$0x1FFE0];
	[tilespmem:$0x90] =	vst v57  }
0xed: {  	v63 =	vld [tilespmem:$0x1FFF0];
	[tilespmem:$0xA0] =	vst v58  }
0xee: {  	[tilespmem:$0xB0] =	vst v59  }
0xef: {  	[tilespmem:$0xC0] =	vst v60  }
0xf0: {  	s16 =	rddreg [dreg:$0xc];
	[tilespmem:$0xD0] =	vst v61  }
0xf1: {  	s14 =	rddreg [dreg:$0xa];
	[tilespmem:$0xE0] =	vst v62  }
0xf2: {  	s13 =	rddreg [dreg:$0x9];
	[tilespmem:$0xF0] =	vst v63  }
0xf3: {  	[tilespmem:s15], [sflag:$0x2] =	stream.indirect.gather [hbm4b:s4+s17], $0x1, s17, s17, $0xb8;
	[tilespmem:$0x8400] =	vst v63  }
0xf4: {  	s22 =	simm.s32 $0x0;
	s15 =	rddreg [dreg:$0xb]  }
.LBB2_2:
0xf5: {  	s26 =	sadd.s32 s22, s23  }
0xf6: {  	s7 =	sadd.s32 $0x300, s26  }
0xf7: {  	s1 =	sadd.s32 $0x310, s26;
	v53 =	vmov s7  }
0xf8: {  	s18 =	sadd.s32 $0x320, s26;
	s19 =	sadd.s32 $0x330, s26;
	v56 =	vor.u32 s7, v51;
	v41 =	vmov s1;
	v42 =	vor.u32 s1, v51  }
0xf9: {  	s21 =	sadd.s32 $0x340, s26;
	v43 =	vmov s18;
	v44 =	vor.u32 s18, v51;
	v45 =	vmov s19  }
0xfa: {  	v2 =	vmovc v48;
	s25 =	sadd.s32 $0x350, s26;
	s0 =	sadd.s32 $0x360, s26;
	v46 =	vor.u32 s19, v51;
	v47 =	vmov s21;
	v48 =	vor.u32 s21, v51  }
0xfb: {  	v49 =	vmov s25;
	v38 =	vor.u32 s25, v51;
	s1 =	sadd.s32 $0x370, s26;
	v39 =	vmov s0  }
0xfc: {  	v35 =	vor.u32 s0, v51;
	s18 =	sadd.s32 $0x380, s26;
	s19 =	sadd.s32 $0x390, s26;
	v40 =	vmov s1;
	v36 =	vor.u32 s1, v51  }
0xfd: {  	s21 =	sadd.s32 $0x3A0, s26;
	v34 =	vmov s18;
	v37 =	vor.u32 s18, v51;
	v33 =	vmov s19  }
0xfe: {  	s25 =	sadd.s32 $0x3B0, s26;
	s0 =	sadd.s32 $0x3C0, s26;
	v30 =	vor.u32 s19, v51;
	v32 =	vmov s21;
	v31 =	vor.u32 s21, v51  }
0xff: {  	v28 =	vmov s25;
	v29 =	vor.u32 s25, v51;
	v27 =	vmov s0  }
0x100: {  	v26 =	vor.u32 s0, v51;
	v56 =	vshrl.u32 v56, $0x1;
	v53 =	vshrl.u32 v53, $0xA  }
0x101: {  	v1 =	vshrl.u32 v42, $0x1;
	v41 =	vshrl.u32 v41, $0xA;
	v43 =	vshrl.u32 v43, $0xA  }
0x102: {  	s1 =	sadd.s32 $0x3D0, s26;
	v42 =	vand.u32 $0x1, v42;
	v45 =	vshrl.u32 v45, $0xA;
	v49 =	vshrl.u32 v49, $0xA  }
0x103: {  	s18 =	sadd.s32 $0x3E0, s26;
	s19 =	sadd.s32 $0x3F0, s26;
	v39 =	vshrl.u32 v39, $0xA;
	v25 =	vmov s1;
	v24 =	vor.u32 s1, v51  }
0x104: {  	s21 =	sadd.s32 $0x400, s26;
	v23 =	vmov s18;
	v22 =	vor.u32 s18, v51;
	v20 =	vmov s19  }
0x105: {  	s25 =	sadd.s32 $0x410, s26;
	s0 =	sadd.s32 $0x420, s26;
	v19 =	vor.u32 s19, v51;
	v17 =	vmov s21;
	v21 =	vor.u32 s21, v51  }
0x106: {  	v18 =	vmov s25;
	v15 =	vor.u32 s25, v51;
	v16 =	vmov s0  }
0x107: {  	v14 =	vor.u32 s0, v51;
	v56 =	vand.u32 $0x3FF, v56;
	v53 =	vand.u32 $0x1FFFFE, v53  }
0x108: {  	v1 =	vand.u32 $0x3FF, v1;
	v41 =	vand.u32 $0x3FFFFE, v41;
	v43 =	vand.u32 $0x3FFFFE, v43  }
0x109: {  	v45 =	vand.u32 $0x3FFFFE, v45;
	v40 =	vshrl.u32 v40, $0xA;
	v37 =	vshrl.u32 v37, $0x1  }
0x10a: {  	s1 =	sadd.s32 $0x430, s26;
	v34 =	vshrl.u32 v34, $0xA;
	v33 =	vshrl.u32 v33, $0xA;
	v32 =	vshrl.u32 v32, $0xA  }
0x10b: {  	s18 =	sadd.s32 $0x440, s26;
	v28 =	vshrl.u32 v28, $0xA;
	v27 =	vshrl.u32 v27, $0xA;
	v13 =	vmov s1  }
0x10c: {  	s19 =	sadd.s32 $0x450, s26;
	s21 =	sadd.s32 $0x460, s26;
	v11 =	vor.u32 s1, v51;
	v12 =	vmov s18;
	v10 =	vor.u32 s18, v51  }
0x10d: {  	s25 =	sadd.s32 $0x470, s26;
	v9 =	vmov s19;
	v6 =	vor.u32 s19, v51;
	v7 =	vmov s21  }
0x10e: {  	s0 =	sadd.s32 $0x480, s26;
	v3 =	vor.u32 s21, v51;
	v8 =	vmov s25;
	v4 =	vor.u32 s25, v51  }
0x10f: {  	v54 =	vmov s0;
	v5 =	vor.u32 s0, v51;
	s25 =	sadd.s32 $0x4D0, s26;
	v56 =	vmul.u32 $0xC8, v56  }
0x110: {  	s19 =	sadd.s32 $0x4B0, s26;
	s0 =	sadd.s32 $0x4E0, s26;
	v1 =	vmul.u32 $0xC8, v1;
	v37 =	vand.u32 $0x3FF, v37;
	v0 =	vmov s25  }
0x111: {  	v34 =	vand.u32 $0x1FFFFE, v34;
	v33 =	vand.u32 $0x3FFFFE, v33;
	v50 =	vmov s0;
	[tilespmem:$0x1FCE0] =	vst v0  }
0x112: {  	v58 =	vmov s19;
	[tilespmem:$0x1FCF0] =	vst v50;
	v50 =	vor.u32 s0, v51;
	v0 =	vshrl.u32 v44, $0x1;
	s0 =	simm.s32 $0x1  }
0x113: {  	v59 =	vor.u32 s19, v51;
	v1 =	vadd.s32 v41, v1;
	v0 =	vand.u32 $0x3FF, v0;
	_ =	swait.ge [sflag:s0], $0x80  }
0x114: {  	s21 =	sadd.s32 $0x4C0, s26;
	v1 =	vor.u32 v42, v1;
	v42 =	vshrl.u32 v46, $0x1;
	v41 =	vmul.u32 $0xC8, v0;
	[sflag:s0] =	ssyncset.done $0x0  }
0x115: {  	v57 =	vmov s21;
	v55 =	vor.u32 s21, v51;
	v42 =	vand.u32 $0x3FF, v42;
	[sflag:s0] =	ssyncadd.s32 $0xFFFFFF80  }
0x116: {  	v41 =	vadd.s32 v43, v41;
	v43 =	vand.u32 $0x1, v44;
	v44 =	vshrl.u32 v48, $0x1;
	_ =	swait.ge [sflag:s6], $0x2000  }
0x117: {  	v42 =	vmul.u32 $0xC8, v42;
	v41 =	vor.u32 v43, v41;
	v44 =	vand.u32 $0x3FF, v44;
	[sflag:s6] =	ssyncset.done $0x0  }
0x118: {  	s7 =	simm.s32 $0x200;
	s19 =	simm.s32 $0x400;
	v43 =	vand.u32 $0x1, v46;
	v46 =	vshrl.u32 v47, $0xA;
	v44 =	vmul.u32 $0xC8, v44;
	[sflag:s6] =	ssyncadd.s32 $0xFFFFE000  }
0x119: {  	v42 =	vadd.s32 v45, v42;
	v45 =	vand.u32 $0x3FFFFE, v46;
	v46 =	vshrl.u32 v38, $0x1;
	[tilespmem:s19], [sflag:$0x5] =	stream.indirect.gather [hbm4b:s3+s17], $0x40, s7, s17, $0xb8;
	[tilespmem:$0x8400] =	vst v63  }
0x11a: {  	v42 =	vor.u32 v43, v42;
	v43 =	vadd.s32 v45, v44;
	v44 =	vand.u32 $0x3FF, v46;
	_ =	swait.ge [sflag:s8], $0x2000  }
0x11b: {  	v56 =	vadd.s32 v53, v56;
	v45 =	vand.u32 $0x1, v48;
	v44 =	vmul.u32 $0xC8, v44;
	[sflag:s8] =	ssyncset.done $0x0  }
0x11c: {  	s21 =	simm.s32 $0x4400;
	v43 =	vor.u32 v45, v43;
	v45 =	vand.u32 $0x3FFFFE, v49;
	v49 =	vshrl.u32 v35, $0x1;
	[sflag:s8] =	ssyncadd.s32 $0xFFFFE000  }
0x11d: {  	v44 =	vadd.s32 v45, v44;
	v45 =	vand.u32 $0x3FF, v49;
	[hbm4b:s16+s2] =	stream.linear.scatter [tilespmem:s21], [sflag:$0xB], $0x2000, $0x38;
	v49 =	vor.u32 v2, v56;
	[tilespmem:$0x8400] =	vst v63  }
0x11e: {  	v32 =	vand.u32 $0x3FFFFE, v32;
	v28 =	vand.u32 $0x3FFFFE, v28;
	v46 =	vshrl.u32 v36, $0x1;
	[tilespmem:$0x100] =	vst v49  }
0x11f: {  	v27 =	vand.u32 $0x3FFFFE, v27;
	v25 =	vshrl.u32 v25, $0xA;
	v46 =	vand.u32 $0x3FF, v46;
	[tilespmem:$0x110] =	vst v1  }
0x120: {  	v23 =	vshrl.u32 v23, $0xA;
	v47 =	vand.u32 $0x3FFFFE, v39;
	v46 =	vmul.u32 $0xC8, v46;
	[tilespmem:$0x120] =	vst v41  }
0x121: {  	v56 =	vand.u32 $0x1, v38;
	v45 =	vmul.u32 $0xC8, v45;
	v49 =	vand.u32 $0x3FFFFE, v40;
	[tilespmem:$0x130] =	vst v42  }
0x122: {  	v36 =	vand.u32 $0x1, v36;
	v1 =	vor.u32 v56, v44;
	[tilespmem:$0x140] =	vst v43;
	v39 =	vadd.s32 v49, v46  }
0x123: {  	s28 =	smov.u32 s23;
	s1 =	sadd.s32 $0x490, s26;
	v35 =	vand.u32 $0x1, v35;
	[tilespmem:$0x150] =	vst v1;
	v38 =	vadd.s32 v47, v45;
	v36 =	vor.u32 v36, v39  }
0x124: {  	s23 =	smov.u32 s28;
	s28 =	simm.s32 $0x300;
	s18 =	sadd.s32 $0x4A0, s26;
	v20 =	vshrl.u32 v20, $0xA;
	v63 =	vmov s1;
	v35 =	vor.u32 v35, v38;
	[tilespmem:$0x170] =	vst v36  }
0x125: {  	v60 =	vor.u32 s1, v51;
	v62 =	vmov s18;
	v61 =	vor.u32 s18, v51;
	s1 =	sadd.s32 $0x4F0, s26;
	s26 =	simm.s32 $0x100;
	s18 =	simm.s32 $0x2;
	[tilespmem:$0x160] =	vst v35  }
0x126: {  	v21 =	vshrl.u32 v21, $0x1;
	v18 =	vshrl.u32 v18, $0xA;
	v16 =	vshrl.u32 v16, $0xA;
	[tilespmem:s28], [sflag:$0x3] =	stream.indirect.gather [hbm4b:s4+s17], $0x1, s26, s17, $0xb8;
	[tilespmem:$0x8400] =	vst v63  }
0x127: {  	v52 =	vor.u32 s25, v51;
	v25 =	vand.u32 $0x3FFFFE, v25;
	v23 =	vand.u32 $0x3FFFFE, v23;
	_ =	swait.ge [sflag:s18], $0x80  }
0x128: {  	v56 =	vmul.u32 $0xC8, v37;
	v40 =	vshrl.u32 v30, $0x1;
	v42 =	vshrl.u32 v31, $0x1;
	[sflag:s18] =	ssyncset.done $0x0  }
0x129: {  	v30 =	vand.u32 $0x1, v30;
	v31 =	vand.u32 $0x1, v31;
	v43 =	vand.u32 $0x3FF, v42;
	[sflag:s18] =	ssyncadd.s32 $0xFFFFFF80  }
0x12a: {  	v44 =	vshrl.u32 v29, $0x1;
	v41 =	vand.u32 $0x3FF, v40;
	v36 =	vmul.u32 $0xC8, v43;
	_ =	swait.ge [sflag:s9], $0x2000  }
0x12b: {  	v29 =	vand.u32 $0x1, v29;
	v46 =	vshrl.u32 v24, $0x1;
	v35 =	vmul.u32 $0xC8, v41;
	[sflag:s9] =	ssyncset.done $0x0  }
0x12c: {  	v49 =	vshrl.u32 v22, $0x1;
	v45 =	vshrl.u32 v26, $0x1;
	v32 =	vadd.s32 v32, v36;
	[sflag:s9] =	ssyncadd.s32 $0xFFFFE000  }
0x12d: {  	v33 =	vadd.s32 v33, v35;
	v31 =	vor.u32 v31, v32;
	v32 =	vand.u32 $0x3FF, v44;
	[tilespmem:s29], [sflag:$0x6] =	stream.indirect.gather [hbm4b:s3+s17], $0x40, s30, s17, $0xb8;
	[tilespmem:$0x8400] =	vst v63  }
0x12e: {  	v30 =	vor.u32 v30, v33;
	v32 =	vmul.u32 $0xC8, v32;
	v33 =	vand.u32 $0x3FF, v45;
	_ =	swait.ge [sflag:s10], $0x2000  }
0x12f: {  	v1 =	vadd.s32 v34, v56;
	v47 =	vand.u32 $0x3FF, v46;
	v33 =	vmul.u32 $0xC8, v33;
	[sflag:s10] =	ssyncset.done $0x0  }
0x130: {  	v26 =	vand.u32 $0x1, v26;
	v1 =	vor.u32 v2, v1;
	s18 =	simm.s32 $0x6400;
	v28 =	vadd.s32 v28, v32;
	[sflag:s10] =	ssyncadd.s32 $0xFFFFE000  }
0x131: {  	v28 =	vor.u32 v29, v28;
	v27 =	vadd.s32 v27, v33;
	v29 =	vmul.u32 $0xC8, v47;
	[hbm4b:s15+s2] =	stream.linear.scatter [tilespmem:s18], [sflag:$0xC], $0x2000, $0x38;
	[tilespmem:$0x8400] =	vst v63  }
0x132: {  	v20 =	vand.u32 $0x3FFFFE, v20;
	v26 =	vor.u32 v26, v27;
	v27 =	vand.u32 $0x3FF, v49;
	[tilespmem:$0x180] =	vst v1  }
0x133: {  	v25 =	vadd.s32 v25, v29;
	v29 =	vmul.u32 $0xC8, v27;
	[tilespmem:$0x190] =	vst v30;
	v30 =	vshrl.u32 v19, $0x1  }
0x134: {  	v18 =	vand.u32 $0x3FFFFE, v18;
	v16 =	vand.u32 $0x3FFFFE, v16;
	[tilespmem:$0x1A0] =	vst v31;
	v32 =	vand.u32 $0x3FF, v30  }
0x135: {  	v22 =	vand.u32 $0x1, v22;
	v23 =	vadd.s32 v23, v29;
	[tilespmem:$0x1B0] =	vst v28;
	v33 =	vmul.u32 $0xC8, v32  }
0x136: {  	v13 =	vshrl.u32 v13, $0xA;
	v56 =	vand.u32 $0x1, v24;
	v22 =	vor.u32 v22, v23;
	[tilespmem:$0x1C0] =	vst v26  }
0x137: {  	v1 =	vor.u32 v56, v25;
	v19 =	vand.u32 $0x1, v19;
	[tilespmem:$0x1E0] =	vst v22;
	v34 =	vadd.s32 v20, v33  }
0x138: {  	v12 =	vshrl.u32 v12, $0xA;
	v9 =	vshrl.u32 v9, $0xA;
	[tilespmem:$0x1D0] =	vst v1;
	v1 =	vor.u32 v19, v34  }
0x139: {  	s25 =	simm.s32 $0x180;
	v7 =	vshrl.u32 v7, $0xA;
	v53 =	vor.u32 s1, v51;
	v0 =	vmov s1;
	s1 =	simm.s32 $0x380;
	[tilespmem:$0x1F0] =	vst v1  }
0x13a: {  	v8 =	vshrl.u32 v8, $0xA;
	v13 =	vand.u32 $0x3FFFFE, v13;
	v12 =	vand.u32 $0x3FFFFE, v12;
	[tilespmem:s1], [sflag:$0x4] =	stream.indirect.gather [hbm4b:s4+s17], $0x1, s25, s17, $0xb8;
	[tilespmem:$0x8400] =	vst v63  }
0x13b: {  	v39 =	vshrl.u32 v17, $0xA;
	v46 =	vshrl.u32 v6, $0x1;
	v36 =	vshrl.u32 v15, $0x1;
	_ =	swait.ge [sflag:s20], $0x80  }
0x13c: {  	v43 =	vshrl.u32 v11, $0x1;
	v11 =	vand.u32 $0x1, v11;
	v38 =	vand.u32 $0x3FF, v36;
	[sflag:s20] =	ssyncset.done $0x0  }
0x13d: {  	v41 =	vshrl.u32 v14, $0x1;
	v14 =	vand.u32 $0x1, v14;
	v40 =	vmul.u32 $0xC8, v38;
	[sflag:s20] =	ssyncadd.s32 $0xFFFFFF80  }
0x13e: {  	v42 =	vand.u32 $0x3FF, v41;
	v15 =	vand.u32 $0x1, v15;
	v35 =	vand.u32 $0x3FF, v21;
	_ =	swait.ge [sflag:s11], $0x2000  }
0x13f: {  	v44 =	vshrl.u32 v10, $0x1;
	v17 =	vadd.s32 v18, v40;
	v18 =	vmul.u32 $0xC8, v42;
	[sflag:s11] =	ssyncset.done $0x0  }
0x140: {  	v10 =	vand.u32 $0x1, v10;
	v37 =	vmul.u32 $0xC8, v35;
	v45 =	vand.u32 $0x3FF, v44;
	[sflag:s11] =	ssyncadd.s32 $0xFFFFE000  }
0x141: {  	v15 =	vor.u32 v15, v17;
	v17 =	vand.u32 $0x3FF, v43;
	v16 =	vadd.s32 v16, v18;
	[tilespmem:s21], [sflag:$0x7] =	stream.indirect.gather [hbm4b:s3+s17], $0x40, s28, s17, $0xb8;
	[tilespmem:$0x8400] =	vst v63  }
0x142: {  	v17 =	vmul.u32 $0xC8, v17;
	v14 =	vor.u32 v14, v16;
	v16 =	vmul.u32 $0xC8, v45;
	_ =	swait.ge [sflag:s31], $0x2000  }
0x143: {  	v47 =	vand.u32 $0x3FF, v46;
	v49 =	vshrl.u32 v3, $0x1;
	v1 =	vand.u32 $0x1FFFFE, v39;
	[sflag:s31] =	ssyncset.done $0x0  }
0x144: {  	v13 =	vadd.s32 v13, v17;
	v12 =	vadd.s32 v12, v16;
	v1 =	vadd.s32 v1, v37;
	[sflag:s31] =	ssyncadd.s32 $0xFFFFE000  }
0x145: {  	v11 =	vor.u32 v11, v13;
	v13 =	vand.u32 $0x3FF, v49;
	v1 =	vor.u32 v2, v1;
	[hbm4b:s14+s2] =	stream.linear.scatter [tilespmem:s19], [sflag:$0x9], $0x2000, $0x38;
	[tilespmem:$0x8400] =	vst v63  }
0x146: {  	v10 =	vor.u32 v10, v12;
	v12 =	vmul.u32 $0xC8, v47;
	v56 =	vshrl.u32 v4, $0x1;
	[tilespmem:$0x0] =	vst v1  }
0x147: {  	v9 =	vand.u32 $0x3FFFFE, v9;
	v21 =	vand.u32 $0x3FF, v56;
	v20 =	vmul.u32 $0xC8, v13;
	[tilespmem:$0x10] =	vst v15  }
0x148: {  	v7 =	vand.u32 $0x3FFFFE, v7;
	v19 =	vadd.s32 v9, v12;
	v12 =	vmul.u32 $0xC8, v21;
	[tilespmem:$0x20] =	vst v14  }
0x149: {  	v8 =	vand.u32 $0x3FFFFE, v8;
	v3 =	vand.u32 $0x1, v3;
	v22 =	vadd.s32 v7, v20;
	[tilespmem:$0x30] =	vst v11  }
0x14a: {  	v4 =	vand.u32 $0x1, v4;
	v23 =	vadd.s32 v8, v12;
	v24 =	vor.u32 v3, v22;
	[tilespmem:$0x40] =	vst v10  }
0x14b: {  	v6 =	vand.u32 $0x1, v6;
	v25 =	vor.u32 v4, v23;
	[tilespmem:$0x60] =	vst v24  }
0x14c: {  	v1 =	vor.u32 v6, v19;
	[tilespmem:$0x70] =	vst v25  }
0x14d: {  	[tilespmem:$0x50] =	vst v1  }
0x14e: {  	v5 =	vshrl.u32 v5, $0x1;
	v0 =	vshrl.u32 v0, $0xA;
	[tilespmem:s7], [sflag:$0x1] =	stream.indirect.gather [hbm4b:s4+s17], $0x1, s2, s17, $0xb8;
	[tilespmem:$0x8400] =	vst v63  }
0x14f: {  	v41 =	vshrl.u32 v58, $0xA;
	v58 =	vshrl.u32 v53, $0x1;
	v36 =	vand.u32 $0x1, v60;
	_ =	swait.ge [sflag:s24], $0x80  }
0x150: {  	v38 =	vshrl.u32 v59, $0x1;
	v44 =	vshrl.u32 v52, $0x1;
	v42 =	vshrl.u32 v57, $0xA;
	[sflag:s24] =	ssyncset.done $0x0  }
0x151: {  	v40 =	vshrl.u32 v55, $0x1;
	v43 =	vand.u32 $0x3FFFFE, v42;
	v46 =	vand.u32 $0x3FF, v44;
	[sflag:s24] =	ssyncadd.s32 $0xFFFFFF80  }
0x152: {  	v29 =	vshrl.u32 v60, $0x1;
	v47 =	vand.u32 $0x1, v55;
	v55 =	vand.u32 $0x1, v52;
	_ =	swait.ge [sflag:s12], $0x2000  }
0x153: {  	v26 =	vand.u32 $0x3FF, v5;
	v28 =	vshrl.u32 v54, $0xA;
	v31 =	vshrl.u32 v61, $0x1;
	[sflag:s12] =	ssyncset.done $0x0  }
0x154: {  	v27 =	vmul.u32 $0xC8, v26;
	v30 =	vand.u32 $0x3FF, v29;
	v56 =	vshrl.u32 v50, $0x1;
	[sflag:s12] =	ssyncadd.s32 $0xFFFFE000  }
0x155: {  	v32 =	vshrl.u32 v63, $0xA;
	v57 =	vand.u32 $0x3FF, v56;
	v33 =	vshrl.u32 v62, $0xA;
	[tilespmem:s18], [sflag:$0x8] =	stream.indirect.gather [hbm4b:s3+s17], $0x40, s1, s17, $0xb8;
	[tilespmem:$0x8400] =	vst v63  }
0x156: {  	v5 =	vand.u32 $0x3FFFFE, v32;
	v35 =	vand.u32 $0x3FFFFE, v33;
	v4 =	vand.u32 $0x3FF, v31;
	_ =	swait.ge [sflag:s5], $0x2000  }
0x157: {  	v39 =	vand.u32 $0x1, v59;
	v3 =	vmul.u32 $0xC8, v30;
	v4 =	vmul.u32 $0xC8, v4;
	v49 =	vld [tilespmem:$0x1FCE0]  }
0x158: {  	v48 =	vmovc v2;
	v7 =	vand.u32 $0x3FFFFE, v41;
	v37 =	vand.u32 $0x1, v61;
	v2 =	vand.u32 $0x1FFFFE, v28  }
0x159: {  	v34 =	vadd.s32 v5, v3;
	v3 =	vadd.s32 v35, v4;
	v6 =	vand.u32 $0x3FF, v40  }
0x15a: {  	v4 =	vand.u32 $0x3FF, v38;
	v1 =	vadd.s32 v2, v27;
	v6 =	vmul.u32 $0xC8, v6;
	[sflag:s5] =	ssyncset.done $0x0;
	v59 =	vld [tilespmem:$0x1FCF0]  }
0x15b: {  	v3 =	vor.u32 v37, v3;
	v4 =	vmul.u32 $0xC8, v4;
	v1 =	vor.u32 v48, v1;
	[sflag:s5] =	ssyncadd.s32 $0xFFFFE000  }
0x15c: {  	v45 =	vadd.s32 v43, v6;
	v6 =	vmul.u32 $0xC8, v46;
	[hbm4b:s13+s2] =	stream.linear.scatter [tilespmem:s29], [sflag:$0xA], $0x2000, $0x38;
	v8 =	vshrl.u32 v49, $0xA;
	[tilespmem:$0x8400] =	vst v63  }
0x15d: {  	v4 =	vadd.s32 v7, v4;
	v2 =	vor.u32 v36, v34;
	[tilespmem:$0x80] =	vst v1;
	v54 =	vand.u32 $0x3FFFFE, v8  }
0x15e: {  	v4 =	vor.u32 v39, v4;
	[tilespmem:$0x90] =	vst v2;
	v2 =	vmul.u32 $0xC8, v57;
	v6 =	vadd.s32 v54, v6  }
0x15f: {  	[tilespmem:$0xA0] =	vst v3;
	v3 =	vshrl.u32 v59, $0xA;
	v1 =	vor.u32 v55, v6;
	v6 =	vand.u32 $0x3FF, v58  }
0x160: {  	p0 =	sne.s32 s22, $0x1400;
	v5 =	vor.u32 v47, v45;
	[tilespmem:$0xB0] =	vst v4;
	v3 =	vand.u32 $0x3FFFFE, v3;
	v60 =	vmul.u32 $0xC8, v6  }
.Ltmp0:
0x161: {  	v0 =	vand.u32 $0x3FFFFE, v0;
	v61 =	vand.u32 $0x1, v50;
	[tilespmem:$0xC0] =	vst v5;
	v2 =	vadd.s32 v3, v2;
	(pc) =	sbr.rel @p0 .LBB2_2-.Ltmp0, $4  }
0x162: {  	s22 =	sadd.s32 $0x200, s22;
	s0 =	simm.s32 $0x4400;
	s16 =	sadd.s32 $0x1000, s16;
	v63 =	vand.u32 $0x1, v53;
	v62 =	vor.u32 v61, v2;
	[tilespmem:$0xD0] =	vst v1;
	v0 =	vadd.s32 v0, v60  }
0x163: {  	s15 =	sadd.s32 $0x1000, s15;
	s25 =	simm.s32 $0x6400;
	s21 =	simm.s32 $0x280;
	[tilespmem:$0xE0] =	vst v62;
	v0 =	vor.u32 v63, v0  }
0x164: {  	s19 =	simm.s32 $0x200;
	s14 =	sadd.s32 $0x1000, s14;
	s13 =	sadd.s32 $0x1000, s13;
	[tilespmem:$0xF0] =	vst v0  }
0x165: {  	[tilespmem:s30], [sflag:$0x2] =	stream.indirect.gather [hbm4b:s4+s17], $0x1, s17, s17, $0xb8;
	[tilespmem:$0x8400] =	vst v63  }
0x166: {  	s7 =	simm.s32 $0x1  }
0x167: {  	_ =	swait.ge [sflag:s7], $0x80  }
0x168: {  	[sflag:s7] =	ssyncset.done $0x0  }
0x169: {  	[sflag:s7] =	ssyncadd.s32 $0xFFFFFF80  }
0x16a: {  	_ =	swait.ge [sflag:s6], $0x2000  }
0x16b: {  	[sflag:s6] =	ssyncset.done $0x0  }
0x16c: {  	s13 =	simm.s32 $0x400;
	[sflag:s6] =	ssyncadd.s32 $0xFFFFE000  }
0x16d: {  	[tilespmem:s13], [sflag:$0x5] =	stream.indirect.gather [hbm4b:s3+s17], $0x40, s19, s17, $0xb8;
	[tilespmem:$0x8400] =	vst v63  }
0x16e: {  	_ =	swait.ge [sflag:s8], $0x2000  }
0x16f: {  	[sflag:s8] =	ssyncset.done $0x0  }
0x170: {  	s1 =	simm.s32 $0x2;
	s15 =	rddreg [dreg:$0x4];
	[sflag:s8] =	ssyncadd.s32 $0xFFFFE000  }
0x171: {  	[hbm4b:s15+s2] =	stream.linear.scatter [tilespmem:s0], [sflag:$0xB], $0x2000, $0x38;
	[tilespmem:$0x8400] =	vst v63  }
0x172: {  	_ =	swait.ge [sflag:s1], $0x80  }
0x173: {  	[sflag:s1] =	ssyncset.done $0x0  }
0x174: {  	[sflag:s1] =	ssyncadd.s32 $0xFFFFFF80  }
0x175: {  	_ =	swait.ge [sflag:s9], $0x2000  }
0x176: {  	[sflag:s9] =	ssyncset.done $0x0  }
0x177: {  	s14 =	simm.s32 $0x2400;
	[sflag:s9] =	ssyncadd.s32 $0xFFFFE000  }
0x178: {  	[tilespmem:s14], [sflag:$0x6] =	stream.indirect.gather [hbm4b:s3+s17], $0x40, s21, s17, $0xb8;
	[tilespmem:$0x8400] =	vst v63  }
0x179: {  	_ =	swait.ge [sflag:s10], $0x2000  }
0x17a: {  	[sflag:s10] =	ssyncset.done $0x0  }
0x17b: {  	s16 =	rddreg [dreg:$0x5];
	[sflag:s10] =	ssyncadd.s32 $0xFFFFE000  }
0x17c: {  	[hbm4b:s16+s2] =	stream.linear.scatter [tilespmem:s25], [sflag:$0xC], $0x2000, $0x38;
	[tilespmem:$0x8400] =	vst v63  }
0x17d: {  	_ =	swait.ge [sflag:s31], $0x2000  }
0x17e: {  	[sflag:s31] =	ssyncset.done $0x0  }
0x17f: {  	s18 =	rddreg [dreg:$0x6];
	[sflag:s31] =	ssyncadd.s32 $0xFFFFE000  }
0x180: {  	[hbm4b:s18+s2] =	stream.linear.scatter [tilespmem:s13], [sflag:$0x9], $0x2000, $0x38;
	[tilespmem:$0x8400] =	vst v63  }
0x181: {  	_ =	swait.ge [sflag:s5], $0x2000  }
0x182: {  	[sflag:s5] =	ssyncset.done $0x0  }
0x183: {  	s19 =	rddreg [dreg:$0x7];
	[sflag:s5] =	ssyncadd.s32 $0xFFFFE000  }
0x184: {  	[hbm4b:s19+s2] =	stream.linear.scatter [tilespmem:s14], [sflag:$0xA], $0x2000, $0x38;
	[tilespmem:$0x8400] =	vst v63  }
0x185: {  	_ =	swait.ge [sflag:s11], $0x2000  }
0x186: {  	[sflag:s11] =	ssyncset.done $0x0  }
0x187: {  	[sflag:s11] =	ssyncadd.s32 $0xFFFFE000  }
0x188: {  	_ =	swait.ge [sflag:s12], $0x2000  }
0x189: {  	[sflag:s12] =	ssyncset.done $0x0  }
0x18a: {  	[sflag:s12] =	ssyncadd.s32 $0xFFFFE000  }
0x18b: {  	_ =	swait.ge [sflag:s6], $0x2000  }
0x18c: {  	[sflag:s6] =	ssyncset.done $0x0  }
0x18d: {  	[sflag:s6] =	ssyncadd.s32 $0xFFFFE000  }
0x18e: {  	_ =	swait.ge [sflag:s9], $0x2000  }
0x18f: {  	s21 =	rddreg [dreg:$0xd]  }
0x190: {  	s22 =	rddreg [dreg:$0x8];
	s14 =	sadd.s32 $0x1, s21  }
0x191: {  	p0 =	sne.s32 s14, s22  }
.Ltmp1:
0x192: {  	_ = 	snop;
	(pc) =	sbr.rel @p0 .LBB2_1-.Ltmp1, $3  }
0x193: {  	_ =	sdelay $0x1  }
0x194: {  	s7 =	simm.s32 $0x180;
	s1 =	simm.s32 $0x4;
	[sflag:s9] =	ssyncset.done $0x0  }
0x195: {  	s13 =	simm.s32 $0x380;
	s19 =	simm.s32 $0x3;
	[sflag:s9] =	ssyncadd.s32 $0xFFFFE000  }
0x196: {  	_ =	sfence.sel $0x180000  }
0x197: {  	[bflag:$0x0] =	sbarrier.arrive $0xFFFF  }
0x198: {  	_ =	strace $0x90000047  }
0x199: {  	s0 =	stileid.u32;
	[bflag:$0x2] =	sbarrier.arrive $0xFFFF  }
0x19a: {  	p0 =	sne.s32 s0, $0x0;
	s0 =	rddreg [dreg:$0x1]  }
0x19b: {  	s0 =	sadd.s32 @!p0 $0x100000, s0  }
0x19c: {  	[sflag:s0] =	ssyncadd.tile.s32 @!p0 $0x1;
	_ =	shalt  }
.Lfunc_end2:
_tile_overlayer_lowered:
.L_overlay_start_2:
0x19d: {  	(tag) =	ssettag $0x2  }
0x19e: {  	s0 =	rddreg [dreg:$0x0];
	s2 =	stileid.u32  }
0x19f: {  	s1 =	rddreg [dreg:$0x1];
	p0 =	sne.s32 s2, $0x0  }
0x1a0: {  	s3 =	rddreg [dreg:$0x2];
	[bflag:$0x3] =	sbarrier.arrive $0xFFFF;
	s2 =	simm.s32 @!p0 $0x1C0D  }
0x1a1: {  	[timem:s3], [sflag:s2] =	dma.local @!p0 [hbm:s0], s1  }
0x1a2: {  	s0 =	simm.s32 @!p0 $0xD  }
0x1a3: {  	_ =	swait.ge @!p0 [sflag:s0], s1  }
0x1a4: {  	s1 =	ssub.s32 @!p0 $0x0, s1;
	[sflag:s0] =	ssyncset.done @!p0 $0x0  }
0x1a5: {  	[sflag:s0] =	ssyncadd.s32 @!p0 s1  }
0x1a6: {  	[bflag:$0x3] =	sbarrier.arrive $0xFFFF  }
0x1a7: {  	_ =	shalt  }

</sc_bundles>
